<compile_context>
chip_gen: v7x
topology: tpu7x:2x2x1
jax: 0.10.2.dev20260603
libtpu: 0.0.44.dev20260713+nightly
codegen_flags: <defaults>
</compile_context>

<pallas_src>
import functools

import jax
import jax.numpy as jnp
from jax import lax
from jax.experimental import pallas as pl
from jax.experimental.pallas import tpu as pltpu
from jax.experimental.pallas import tpu_sc as plsc

N = 10000
E = 160000
D = 256
HALF = 128
L = 4

CHUNK = 128
NTILES = 16
EPAD = 163840
NCHUNK = EPAD // CHUNK
CPT = NCHUNK // NTILES
NROWS = 10240
RPT = NROWS // NTILES

BLK = 400
GRID = N // BLK



def _sc_agg_body(y0, y1, srcs, dsts, out0, out1, src_v, dst_v, rows_v, agg_sh,
                 sem):
    c = lax.axis_index("c")
    s = lax.axis_index("s")

    pltpu.sync_copy(srcs.at[pl.ds(s * CPT, CPT)], src_v)
    pltpu.sync_copy(dsts.at[pl.ds(s * CPT, CPT)], dst_v)

    def _zero_row(r, carry):
        for k in range(HALF // 16):
            rows_v[r, pl.ds(k * 16, 16)] = jnp.zeros((16,), jnp.float32)
        return carry

    lax.fori_loop(0, CHUNK, _zero_row, 0)
    for z in range(RPT // CHUNK):
        pltpu.sync_copy(rows_v, agg_sh.at[pl.ds(s * RPT + z * CHUNK, CHUNK)])
    plsc.subcore_barrier()

    def _run(y_ref):
        def _step(j, carry):
            pltpu.async_copy(y_ref.at[src_v.at[j]], rows_v, sem).wait()
            pltpu.sync_copy(rows_v, agg_sh.at[dst_v.at[j]], add=True)
            return carry
        lax.fori_loop(0, CPT, _step, 0)

    pl.when(c == 0)(lambda: _run(y0))
    pl.when(c == 1)(lambda: _run(y1))
    plsc.subcore_barrier()

    rows = pl.ds(s * RPT, RPT)
    pl.when(c == 0)(lambda: pltpu.sync_copy(agg_sh.at[rows], out0.at[rows]))
    pl.when(c == 1)(lambda: pltpu.sync_copy(agg_sh.at[rows], out1.at[rows]))


def _sc_agg(y0, y1, srcs, dsts):
    mesh = plsc.VectorSubcoreMesh(core_axis_name="c", subcore_axis_name="s")
    f = pl.kernel(
        _sc_agg_body,
        mesh=mesh,
        out_type=[
            jax.ShapeDtypeStruct((NROWS, HALF), jnp.float32),
            jax.ShapeDtypeStruct((NROWS, HALF), jnp.float32),
        ],
        scratch_types=[
            pltpu.VMEM((CPT, CHUNK), jnp.int32),
            pltpu.VMEM((CPT, CHUNK), jnp.int32),
            pltpu.VMEM((CHUNK, HALF), jnp.float32),
            pltpu.VMEM_SHARED((NROWS, HALF), jnp.float32),
            pltpu.SemaphoreType.DMA,
        ],
    )
    return f(y0, y1, srcs, dsts)



def _layernorm(h, scale, bias):
    mu = jnp.mean(h, axis=-1, keepdims=True)
    d = h - mu
    var = jnp.mean(d * d, axis=-1, keepdims=True)
    return d * lax.rsqrt(var + 1e-5) * scale + bias


def _enc_body(x_ref, wenc_ref, wmsg_ref, x1_ref, y0_ref, y1_ref):
    x1 = jnp.dot(x_ref[...], wenc_ref[...], preferred_element_type=jnp.float32)
    x1_ref[...] = x1
    y = jnp.dot(x1, wmsg_ref[...], preferred_element_type=jnp.float32)
    y0_ref[...] = y[:, :HALF]
    y1_ref[...] = y[:, HALF:]


def _combine_mid_body(x_ref, a0_ref, a1_ref, wself_ref, wnext_ref, al_ref,
                      be_ref, lns_ref, lnb_ref, xn_ref, y0_ref, y1_ref, *,
                      residual):
    x = x_ref[...]
    sv = jnp.dot(x, wself_ref[...], preferred_element_type=jnp.float32)
    agg = jnp.concatenate([a0_ref[...], a1_ref[...]], axis=1)
    h = jnp.maximum(al_ref[0, 0] * sv + be_ref[0, 0] * agg, 0.0)
    h = _layernorm(h, lns_ref[...], lnb_ref[...])
    xn = h + x if residual else h
    xn_ref[...] = xn
    y = jnp.dot(xn, wnext_ref[...], preferred_element_type=jnp.float32)
    y0_ref[...] = y[:, :HALF]
    y1_ref[...] = y[:, HALF:]


def _combine_last_body(x_ref, a0_ref, a1_ref, wself_ref, whead_ref, al_ref,
                       be_ref, lns_ref, lnb_ref, bh_ref, out_ref):
    x = x_ref[...]
    sv = jnp.dot(x, wself_ref[...], preferred_element_type=jnp.float32)
    agg = jnp.concatenate([a0_ref[...], a1_ref[...]], axis=1)
    h = jnp.maximum(al_ref[0, 0] * sv + be_ref[0, 0] * agg, 0.0)
    h = _layernorm(h, lns_ref[...], lnb_ref[...])
    xn = h + x
    out_ref[...] = (jnp.dot(xn, whead_ref[...],
                            preferred_element_type=jnp.float32) + bh_ref[...])


def _row_spec(cols):
    return pl.BlockSpec((BLK, cols), lambda i: (i, 0))


def _full_spec(r, c):
    return pl.BlockSpec((r, c), lambda i: (0, 0))


def _enc_call(x, wenc, wmsg0):
    return pl.pallas_call(
        _enc_body,
        grid=(GRID,),
        in_specs=[_row_spec(D), _full_spec(D, D), _full_spec(D, D)],
        out_specs=[_row_spec(D), _row_spec(HALF), _row_spec(HALF)],
        out_shape=[
            jax.ShapeDtypeStruct((N, D), jnp.float32),
            jax.ShapeDtypeStruct((N, HALF), jnp.float32),
            jax.ShapeDtypeStruct((N, HALF), jnp.float32),
        ],
    )(x, wenc, wmsg0)


def _combine_mid_call(x, a0, a1, wself, wnext, al, be, lns, lnb, residual):
    body = functools.partial(_combine_mid_body, residual=residual)
    return pl.pallas_call(
        body,
        grid=(GRID,),
        in_specs=[
            _row_spec(D), _row_spec(HALF), _row_spec(HALF),
            _full_spec(D, D), _full_spec(D, D),
            _full_spec(1, 1), _full_spec(1, 1),
            _full_spec(1, D), _full_spec(1, D),
        ],
        out_specs=[_row_spec(D), _row_spec(HALF), _row_spec(HALF)],
        out_shape=[
            jax.ShapeDtypeStruct((N, D), jnp.float32),
            jax.ShapeDtypeStruct((N, HALF), jnp.float32),
            jax.ShapeDtypeStruct((N, HALF), jnp.float32),
        ],
    )(x, a0, a1, wself, wnext, al, be, lns, lnb)


def _combine_last_call(x, a0, a1, wself, whead, al, be, lns, lnb, bh):
    return pl.pallas_call(
        _combine_last_body,
        grid=(GRID,),
        in_specs=[
            _row_spec(D), _row_spec(HALF), _row_spec(HALF),
            _full_spec(D, D), _full_spec(D, D),
            _full_spec(1, 1), _full_spec(1, 1),
            _full_spec(1, D), _full_spec(1, D), _full_spec(1, D),
        ],
        out_specs=_row_spec(D),
        out_shape=jax.ShapeDtypeStruct((N, D), jnp.float32),
    )(x, a0, a1, wself, whead, al, be, lns, lnb, bh)



def kernel(x, edge_index, W_enc, Wmsg, Wself, alpha, beta, ln_scale, ln_bias,
           W_head, b_head):
    src = edge_index[0].astype(jnp.int32)
    dst = edge_index[1].astype(jnp.int32)
    pad = EPAD - E
    srcs = jnp.concatenate([src, jnp.zeros((pad,), jnp.int32)])
    srcs = srcs.reshape(NCHUNK, CHUNK)
    dsts = jnp.concatenate([dst, jnp.full((pad,), N, jnp.int32)])
    dsts = dsts.reshape(NCHUNK, CHUNK)

    al = alpha.reshape(L, 1, 1)
    be = beta.reshape(L, 1, 1)
    lns = ln_scale.reshape(L, 1, D)
    lnb = ln_bias.reshape(L, 1, D)
    bh = b_head.reshape(1, D)

    xc, y0, y1 = _enc_call(x, W_enc, Wmsg[0])
    out = None
    for i in range(L):
        a0, a1 = _sc_agg(y0, y1, srcs, dsts)
        if i < L - 1:
            xc, y0, y1 = _combine_mid_call(
                xc, a0, a1, Wself[i], Wmsg[i + 1], al[i], be[i], lns[i],
                lnb[i], residual=(i > 0))
        else:
            out = _combine_last_call(
                xc, a0, a1, Wself[i], W_head, al[i], be[i], lns[i], lnb[i],
                bh)
    return out

# --- scband reference (transcript-rebuilt; emitter-appended) ---
"""Pipeline reference for scband-adaptive-relu-mpnn-85624468013526 (READ-ONLY COPY).

The authoritative reference and input builder live on the scoring server;
editing this copy changes nothing except your own understanding.
"""

import jax, jax.numpy as jnp
import numpy as np

N_NODES = 10000
N_EDGES = 160000
D = 256
L = 4  # cfg.gnn.layers_mp


def _layernorm(h, scale, bias, eps=1e-5):
    mu = jnp.mean(h, axis=-1, keepdims=True)
    var = jnp.var(h, axis=-1, keepdims=True)
    return (h - mu) / jnp.sqrt(var + eps) * scale + bias


def setup_inputs(seed: int = 0) -> dict:
    key = jax.random.key(seed)
    ks = jax.random.split(key, 12)
    x = jax.random.normal(ks[0], (N_NODES, D), dtype=jnp.float32)
    edge_index = jax.random.randint(ks[1], (2, N_EDGES), 0, N_NODES, dtype=jnp.int64)
    s = 1.0 / np.sqrt(D)
    W_enc = jax.random.normal(ks[2], (D, D), dtype=jnp.float32) * s
    Wmsg = jax.random.normal(ks[3], (L, D, D), dtype=jnp.float32) * s
    Wself = jax.random.normal(ks[4], (L, D, D), dtype=jnp.float32) * s
    alpha = jnp.ones((L,), dtype=jnp.float32)
    beta = jnp.ones((L,), dtype=jnp.float32)
    ln_scale = jnp.ones((L, D), dtype=jnp.float32)
    ln_bias = jnp.zeros((L, D), dtype=jnp.float32)
    W_head = jax.random.normal(ks[5], (D, D), dtype=jnp.float32) * s
    b_head = jnp.zeros((D,), dtype=jnp.float32)
    return {"x": x, "edge_index": edge_index, "W_enc": W_enc, "Wmsg": Wmsg,
            "Wself": Wself, "alpha": alpha, "beta": beta, "ln_scale": ln_scale,
            "ln_bias": ln_bias, "W_head": W_head, "b_head": b_head}


def reference(x, edge_index, W_enc, Wmsg, Wself, alpha, beta, ln_scale, ln_bias, W_head, b_head):
    # node_encoder (FeatureEncoder): linear projection of raw node features
    x = x @ W_enc
    src = edge_index[0]
    dst = edge_index[1]
    n = x.shape[0]
    for i in range(L):
        # AdaptiveReLUConv: transform-then-gather messages, scatter-add to dst,
        # LinearCombination combine of self term and aggregated neighbors, ReLU
        msg = jnp.take(x, src, axis=0) @ Wmsg[i]
        agg = jax.ops.segment_sum(msg, dst, num_segments=n)
        h = jax.nn.relu(alpha[i] * (x @ Wself[i]) + beta[i] * agg)
        # norm (layer) + dropout (eval mode -> identity)
        h = _layernorm(h, ln_scale[i], ln_bias[i])
        # residual skip connections for i > 0
        x = h + x if i > 0 else h
    # post_mp head: linear projection to dim_out
    out = x @ W_head + b_head
    return out

if __name__ == "__main__":
    import jax
    _d = setup_inputs()
    print(jax.jit(kernel)(*tuple(_d.values())))

</pallas_src>

<mosaic_0001>
#map = affine_map<(d0, d1) -> (0, 0)>
module attributes {stable_mosaic.version = 14 : i64} {
  func.func @_sc_agg_body(%arg0: i32, %arg1: i32, %arg2: memref<10000x128xf32, #tpu.memory_space<hbm>>, %arg3: memref<10000x128xf32, #tpu.memory_space<hbm>>, %arg4: memref<1280x128xi32, #tpu.memory_space<hbm>>, %arg5: memref<1280x128xi32, #tpu.memory_space<hbm>>, %arg6: memref<10240x128xf32, #tpu.memory_space<hbm>>, %arg7: memref<10240x128xf32, #tpu.memory_space<hbm>>, %arg8: memref<80x128xi32, #tpu.memory_space<vmem>>, %arg9: memref<80x128xi32, #tpu.memory_space<vmem>>, %arg10: memref<128x128xf32, #tpu.memory_space<vmem>>, %arg11: memref<10240x128xf32, #tpu.memory_space<vmem_shared>>, %arg12: memref<!tpu.dma_semaphore, #tpu.memory_space<semaphore_mem>>) attributes {dimension_semantics = [#tpu.dimension_semantics<core_parallel>, #tpu.dimension_semantics<subcore_parallel>], iteration_bounds = array<i64: 2, 16>, scalar_prefetch = 0 : i64, scratch_operands = 5 : i64, tpu.core_type = #tpu.core_type<sc_vector_subcore>, window_params = [{transform_indices = #map}, {transform_indices = #map}, {transform_indices = #map}, {transform_indices = #map}, {transform_indices = #map}, {transform_indices = #map}]} {
    %mul3A = arith.constant 80 : i32
    %mul3A_0 = arith.muli %arg1, %mul3A : i32
    "tpu.region"() ({
      %run_scoped3A = tpu.sem_alloc : memref<!tpu.dma_semaphore, #tpu.memory_space<semaphore_mem>>
      %dma_start3A = arith.constant 0 : i32
      %dma_start3A_47 = tpu.memref_slice %arg4[%mul3A_0, %dma_start3A] : memref<1280x128xi32, #tpu.memory_space<hbm>> -> memref<80x128xi32, #tpu.memory_space<hbm>>
      %dma_start3A_48 = arith.constant 0 : i32
      %dma_start3A_49 = tpu.memref_slice %arg4[%mul3A_0, %dma_start3A_48] : memref<1280x128xi32, #tpu.memory_space<hbm>> -> memref<80x128xi32, #tpu.memory_space<hbm>>
      tpu.enqueue_dma source(%dma_start3A_49 : memref<80x128xi32, #tpu.memory_space<hbm>>) target(%arg8 : memref<80x128xi32, #tpu.memory_space<vmem>>) target_semaphore(%run_scoped3A : memref<!tpu.dma_semaphore, #tpu.memory_space<semaphore_mem>>)
      %dma_wait3A = arith.constant 0 : i32
      %dma_wait3A_50 = tpu.memref_slice %arg4[%mul3A_0, %dma_wait3A] : memref<1280x128xi32, #tpu.memory_space<hbm>> -> memref<80x128xi32, #tpu.memory_space<hbm>>
      %dma_wait3A_51 = arith.constant 0 : i32
      %dma_wait3A_52 = tpu.memref_slice %arg4[%mul3A_0, %dma_wait3A_51] : memref<1280x128xi32, #tpu.memory_space<hbm>> -> memref<80x128xi32, #tpu.memory_space<hbm>>
      tpu.wait_dma2 semaphore(%run_scoped3A : memref<!tpu.dma_semaphore, #tpu.memory_space<semaphore_mem>>) src(%dma_wait3A_52 : memref<80x128xi32, #tpu.memory_space<hbm>>) dst(%arg8 : memref<80x128xi32, #tpu.memory_space<vmem>>)
      tpu.yield
    }) : () -> ()
    %mul3A_1 = arith.constant 80 : i32
    %mul3A_2 = arith.muli %arg1, %mul3A_1 : i32
    "tpu.region"() ({
      %run_scoped3A = tpu.sem_alloc : memref<!tpu.dma_semaphore, #tpu.memory_space<semaphore_mem>>
      %dma_start3A = arith.constant 0 : i32
      %dma_start3A_47 = tpu.memref_slice %arg5[%mul3A_2, %dma_start3A] : memref<1280x128xi32, #tpu.memory_space<hbm>> -> memref<80x128xi32, #tpu.memory_space<hbm>>
      %dma_start3A_48 = arith.constant 0 : i32
      %dma_start3A_49 = tpu.memref_slice %arg5[%mul3A_2, %dma_start3A_48] : memref<1280x128xi32, #tpu.memory_space<hbm>> -> memref<80x128xi32, #tpu.memory_space<hbm>>
      tpu.enqueue_dma source(%dma_start3A_49 : memref<80x128xi32, #tpu.memory_space<hbm>>) target(%arg9 : memref<80x128xi32, #tpu.memory_space<vmem>>) target_semaphore(%run_scoped3A : memref<!tpu.dma_semaphore, #tpu.memory_space<semaphore_mem>>)
      %dma_wait3A = arith.constant 0 : i32
      %dma_wait3A_50 = tpu.memref_slice %arg5[%mul3A_2, %dma_wait3A] : memref<1280x128xi32, #tpu.memory_space<hbm>> -> memref<80x128xi32, #tpu.memory_space<hbm>>
      %dma_wait3A_51 = arith.constant 0 : i32
      %dma_wait3A_52 = tpu.memref_slice %arg5[%mul3A_2, %dma_wait3A_51] : memref<1280x128xi32, #tpu.memory_space<hbm>> -> memref<80x128xi32, #tpu.memory_space<hbm>>
      tpu.wait_dma2 semaphore(%run_scoped3A : memref<!tpu.dma_semaphore, #tpu.memory_space<semaphore_mem>>) src(%dma_wait3A_52 : memref<80x128xi32, #tpu.memory_space<hbm>>) dst(%arg9 : memref<80x128xi32, #tpu.memory_space<vmem>>)
      tpu.yield
    }) : () -> ()
    %scan3A = arith.constant 0 : i32
    %scan3A_3 = arith.constant 0 : i32
    %scan3A_4 = arith.constant 128 : i32
    %scan3A_5 = arith.addi %scan3A_3, %scan3A_4 : i32
    %scan3A_6 = arith.constant 1 : i32
    scf.for %scan3A_47 = %scan3A_3 to %scan3A_5 step %scan3A_6  : i32 {
      %broadcast_in_dim3A = arith.constant 0.000000e+00 : f32
      %broadcast_in_dim3A_48 = vector.broadcast %broadcast_in_dim3A : f32 to vector<16xf32>
      %swap3A = arith.index_cast %scan3A_47 : i32 to index
      %swap3A_49 = arith.constant 0 : index
      %swap3A_50 = tpu.vector_load %arg10[%swap3A, %swap3A_49] {strides = array<i32>} : memref<128x128xf32, #tpu.memory_space<vmem>>, vector<1x16xf32>,
      %swap3A_51 = vector.shape_cast %swap3A_50 : vector<1x16xf32> to vector<16xf32>
      %swap3A_52 = vector.shape_cast %broadcast_in_dim3A_48 : vector<16xf32> to vector<1x16xf32>
      tpu.vector_store %arg10[%swap3A, %swap3A_49], %swap3A_52 {strides = array<i32>} : memref<128x128xf32, #tpu.memory_space<vmem>>, vector<1x16xf32>,
      %broadcast_in_dim3A_53 = arith.constant 0.000000e+00 : f32
      %broadcast_in_dim3A_54 = vector.broadcast %broadcast_in_dim3A_53 : f32 to vector<16xf32>
      %swap3A_55 = arith.index_cast %scan3A_47 : i32 to index
      %swap3A_56 = arith.constant 16 : index
      %swap3A_57 = tpu.vector_load %arg10[%swap3A_55, %swap3A_56] {strides = array<i32>} : memref<128x128xf32, #tpu.memory_space<vmem>>, vector<1x16xf32>,
      %swap3A_58 = vector.shape_cast %swap3A_57 : vector<1x16xf32> to vector<16xf32>
      %swap3A_59 = vector.shape_cast %broadcast_in_dim3A_54 : vector<16xf32> to vector<1x16xf32>
      tpu.vector_store %arg10[%swap3A_55, %swap3A_56], %swap3A_59 {strides = array<i32>} : memref<128x128xf32, #tpu.memory_space<vmem>>, vector<1x16xf32>,
      %broadcast_in_dim3A_60 = arith.constant 0.000000e+00 : f32
      %broadcast_in_dim3A_61 = vector.broadcast %broadcast_in_dim3A_60 : f32 to vector<16xf32>
      %swap3A_62 = arith.index_cast %scan3A_47 : i32 to index
      %swap3A_63 = arith.constant 32 : index
      %swap3A_64 = tpu.vector_load %arg10[%swap3A_62, %swap3A_63] {strides = array<i32>} : memref<128x128xf32, #tpu.memory_space<vmem>>, vector<1x16xf32>,
      %swap3A_65 = vector.shape_cast %swap3A_64 : vector<1x16xf32> to vector<16xf32>
      %swap3A_66 = vector.shape_cast %broadcast_in_dim3A_61 : vector<16xf32> to vector<1x16xf32>
      tpu.vector_store %arg10[%swap3A_62, %swap3A_63], %swap3A_66 {strides = array<i32>} : memref<128x128xf32, #tpu.memory_space<vmem>>, vector<1x16xf32>,
      %broadcast_in_dim3A_67 = arith.constant 0.000000e+00 : f32
      %broadcast_in_dim3A_68 = vector.broadcast %broadcast_in_dim3A_67 : f32 to vector<16xf32>
      %swap3A_69 = arith.index_cast %scan3A_47 : i32 to index
      %swap3A_70 = arith.constant 48 : index
      %swap3A_71 = tpu.vector_load %arg10[%swap3A_69, %swap3A_70] {strides = array<i32>} : memref<128x128xf32, #tpu.memory_space<vmem>>, vector<1x16xf32>,
      %swap3A_72 = vector.shape_cast %swap3A_71 : vector<1x16xf32> to vector<16xf32>
      %swap3A_73 = vector.shape_cast %broadcast_in_dim3A_68 : vector<16xf32> to vector<1x16xf32>
      tpu.vector_store %arg10[%swap3A_69, %swap3A_70], %swap3A_73 {strides = array<i32>} : memref<128x128xf32, #tpu.memory_space<vmem>>, vector<1x16xf32>,
      %broadcast_in_dim3A_74 = arith.constant 0.000000e+00 : f32
      %broadcast_in_dim3A_75 = vector.broadcast %broadcast_in_dim3A_74 : f32 to vector<16xf32>
      %swap3A_76 = arith.index_cast %scan3A_47 : i32 to index
      %swap3A_77 = arith.constant 64 : index
      %swap3A_78 = tpu.vector_load %arg10[%swap3A_76, %swap3A_77] {strides = array<i32>} : memref<128x128xf32, #tpu.memory_space<vmem>>, vector<1x16xf32>,
      %swap3A_79 = vector.shape_cast %swap3A_78 : vector<1x16xf32> to vector<16xf32>
      %swap3A_80 = vector.shape_cast %broadcast_in_dim3A_75 : vector<16xf32> to vector<1x16xf32>
      tpu.vector_store %arg10[%swap3A_76, %swap3A_77], %swap3A_80 {strides = array<i32>} : memref<128x128xf32, #tpu.memory_space<vmem>>, vector<1x16xf32>,
      %broadcast_in_dim3A_81 = arith.constant 0.000000e+00 : f32
      %broadcast_in_dim3A_82 = vector.broadcast %broadcast_in_dim3A_81 : f32 to vector<16xf32>
      %swap3A_83 = arith.index_cast %scan3A_47 : i32 to index
      %swap3A_84 = arith.constant 80 : index
      %swap3A_85 = tpu.vector_load %arg10[%swap3A_83, %swap3A_84] {strides = array<i32>} : memref<128x128xf32, #tpu.memory_space<vmem>>, vector<1x16xf32>,
      %swap3A_86 = vector.shape_cast %swap3A_85 : vector<1x16xf32> to vector<16xf32>
      %swap3A_87 = vector.shape_cast %broadcast_in_dim3A_82 : vector<16xf32> to vector<1x16xf32>
      tpu.vector_store %arg10[%swap3A_83, %swap3A_84], %swap3A_87 {strides = array<i32>} : memref<128x128xf32, #tpu.memory_space<vmem>>, vector<1x16xf32>,
      %broadcast_in_dim3A_88 = arith.constant 0.000000e+00 : f32
      %broadcast_in_dim3A_89 = vector.broadcast %broadcast_in_dim3A_88 : f32 to vector<16xf32>
      %swap3A_90 = arith.index_cast %scan3A_47 : i32 to index
      %swap3A_91 = arith.constant 96 : index
      %swap3A_92 = tpu.vector_load %arg10[%swap3A_90, %swap3A_91] {strides = array<i32>} : memref<128x128xf32, #tpu.memory_space<vmem>>, vector<1x16xf32>,
      %swap3A_93 = vector.shape_cast %swap3A_92 : vector<1x16xf32> to vector<16xf32>
      %swap3A_94 = vector.shape_cast %broadcast_in_dim3A_89 : vector<16xf32> to vector<1x16xf32>
      tpu.vector_store %arg10[%swap3A_90, %swap3A_91], %swap3A_94 {strides = array<i32>} : memref<128x128xf32, #tpu.memory_space<vmem>>, vector<1x16xf32>,
      %broadcast_in_dim3A_95 = arith.constant 0.000000e+00 : f32
      %broadcast_in_dim3A_96 = vector.broadcast %broadcast_in_dim3A_95 : f32 to vector<16xf32>
      %swap3A_97 = arith.index_cast %scan3A_47 : i32 to index
      %swap3A_98 = arith.constant 112 : index
      %swap3A_99 = tpu.vector_load %arg10[%swap3A_97, %swap3A_98] {strides = array<i32>} : memref<128x128xf32, #tpu.memory_space<vmem>>, vector<1x16xf32>,
      %swap3A_100 = vector.shape_cast %swap3A_99 : vector<1x16xf32> to vector<16xf32>
      %swap3A_101 = vector.shape_cast %broadcast_in_dim3A_96 : vector<16xf32> to vector<1x16xf32>
      tpu.vector_store %arg10[%swap3A_97, %swap3A_98], %swap3A_101 {strides = array<i32>} : memref<128x128xf32, #tpu.memory_space<vmem>>, vector<1x16xf32>,
    }
    %scan3A_7 = arith.constant 128 : i32
    %mul3A_8 = arith.constant 640 : i32
    %mul3A_9 = arith.muli %arg1, %mul3A_8 : i32
    %add3A = arith.constant 0 : i32
    %add3A_10 = arith.addi %mul3A_9, %add3A : i32
    "tpu.region"() ({
      %run_scoped3A = tpu.sem_alloc : memref<!tpu.dma_semaphore, #tpu.memory_space<semaphore_mem>>
      %dma_start3A = arith.constant 0 : i32
      %dma_start3A_47 = tpu.memref_slice %arg11[%add3A_10, %dma_start3A] : memref<10240x128xf32, #tpu.memory_space<vmem_shared>> -> memref<128x128xf32, #tpu.memory_space<vmem_shared>>
      %dma_start3A_48 = arith.constant 0 : i32
      %dma_start3A_49 = tpu.memref_slice %arg11[%add3A_10, %dma_start3A_48] : memref<10240x128xf32, #tpu.memory_space<vmem_shared>> -> memref<128x128xf32, #tpu.memory_space<vmem_shared>>
      tpu.enqueue_dma source(%arg10 : memref<128x128xf32, #tpu.memory_space<vmem>>) target(%dma_start3A_49 : memref<128x128xf32, #tpu.memory_space<vmem_shared>>) target_semaphore(%run_scoped3A : memref<!tpu.dma_semaphore, #tpu.memory_space<semaphore_mem>>)
      %dma_wait3A = arith.constant 0 : i32
      %dma_wait3A_50 = tpu.memref_slice %arg11[%add3A_10, %dma_wait3A] : memref<10240x128xf32, #tpu.memory_space<vmem_shared>> -> memref<128x128xf32, #tpu.memory_space<vmem_shared>>
      %dma_wait3A_51 = arith.constant 0 : i32
      %dma_wait3A_52 = tpu.memref_slice %arg11[%add3A_10, %dma_wait3A_51] : memref<10240x128xf32, #tpu.memory_space<vmem_shared>> -> memref<128x128xf32, #tpu.memory_space<vmem_shared>>
      tpu.wait_dma2 semaphore(%run_scoped3A : memref<!tpu.dma_semaphore, #tpu.memory_space<semaphore_mem>>) src(%arg10 : memref<128x128xf32, #tpu.memory_space<vmem>>) dst(%dma_wait3A_52 : memref<128x128xf32, #tpu.memory_space<vmem_shared>>)
      tpu.yield
    }) : () -> ()
    %mul3A_11 = arith.constant 640 : i32
    %mul3A_12 = arith.muli %arg1, %mul3A_11 : i32
    %add3A_13 = arith.constant 128 : i32
    %add3A_14 = arith.addi %mul3A_12, %add3A_13 : i32
    "tpu.region"() ({
      %run_scoped3A = tpu.sem_alloc : memref<!tpu.dma_semaphore, #tpu.memory_space<semaphore_mem>>
      %dma_start3A = arith.constant 0 : i32
      %dma_start3A_47 = tpu.memref_slice %arg11[%add3A_14, %dma_start3A] : memref<10240x128xf32, #tpu.memory_space<vmem_shared>> -> memref<128x128xf32, #tpu.memory_space<vmem_shared>>
      %dma_start3A_48 = arith.constant 0 : i32
      %dma_start3A_49 = tpu.memref_slice %arg11[%add3A_14, %dma_start3A_48] : memref<10240x128xf32, #tpu.memory_space<vmem_shared>> -> memref<128x128xf32, #tpu.memory_space<vmem_shared>>
      tpu.enqueue_dma source(%arg10 : memref<128x128xf32, #tpu.memory_space<vmem>>) target(%dma_start3A_49 : memref<128x128xf32, #tpu.memory_space<vmem_shared>>) target_semaphore(%run_scoped3A : memref<!tpu.dma_semaphore, #tpu.memory_space<semaphore_mem>>)
      %dma_wait3A = arith.constant 0 : i32
      %dma_wait3A_50 = tpu.memref_slice %arg11[%add3A_14, %dma_wait3A] : memref<10240x128xf32, #tpu.memory_space<vmem_shared>> -> memref<128x128xf32, #tpu.memory_space<vmem_shared>>
      %dma_wait3A_51 = arith.constant 0 : i32
      %dma_wait3A_52 = tpu.memref_slice %arg11[%add3A_14, %dma_wait3A_51] : memref<10240x128xf32, #tpu.memory_space<vmem_shared>> -> memref<128x128xf32, #tpu.memory_space<vmem_shared>>
      tpu.wait_dma2 semaphore(%run_scoped3A : memref<!tpu.dma_semaphore, #tpu.memory_space<semaphore_mem>>) src(%arg10 : memref<128x128xf32, #tpu.memory_space<vmem>>) dst(%dma_wait3A_52 : memref<128x128xf32, #tpu.memory_space<vmem_shared>>)
      tpu.yield
    }) : () -> ()
    %mul3A_15 = arith.constant 640 : i32
    %mul3A_16 = arith.muli %arg1, %mul3A_15 : i32
    %add3A_17 = arith.constant 256 : i32
    %add3A_18 = arith.addi %mul3A_16, %add3A_17 : i32
    "tpu.region"() ({
      %run_scoped3A = tpu.sem_alloc : memref<!tpu.dma_semaphore, #tpu.memory_space<semaphore_mem>>
      %dma_start3A = arith.constant 0 : i32
      %dma_start3A_47 = tpu.memref_slice %arg11[%add3A_18, %dma_start3A] : memref<10240x128xf32, #tpu.memory_space<vmem_shared>> -> memref<128x128xf32, #tpu.memory_space<vmem_shared>>
      %dma_start3A_48 = arith.constant 0 : i32
      %dma_start3A_49 = tpu.memref_slice %arg11[%add3A_18, %dma_start3A_48] : memref<10240x128xf32, #tpu.memory_space<vmem_shared>> -> memref<128x128xf32, #tpu.memory_space<vmem_shared>>
      tpu.enqueue_dma source(%arg10 : memref<128x128xf32, #tpu.memory_space<vmem>>) target(%dma_start3A_49 : memref<128x128xf32, #tpu.memory_space<vmem_shared>>) target_semaphore(%run_scoped3A : memref<!tpu.dma_semaphore, #tpu.memory_space<semaphore_mem>>)
      %dma_wait3A = arith.constant 0 : i32
      %dma_wait3A_50 = tpu.memref_slice %arg11[%add3A_18, %dma_wait3A] : memref<10240x128xf32, #tpu.memory_space<vmem_shared>> -> memref<128x128xf32, #tpu.memory_space<vmem_shared>>
      %dma_wait3A_51 = arith.constant 0 : i32
      %dma_wait3A_52 = tpu.memref_slice %arg11[%add3A_18, %dma_wait3A_51] : memref<10240x128xf32, #tpu.memory_space<vmem_shared>> -> memref<128x128xf32, #tpu.memory_space<vmem_shared>>
      tpu.wait_dma2 semaphore(%run_scoped3A : memref<!tpu.dma_semaphore, #tpu.memory_space<semaphore_mem>>) src(%arg10 : memref<128x128xf32, #tpu.memory_space<vmem>>) dst(%dma_wait3A_52 : memref<128x128xf32, #tpu.memory_space<vmem_shared>>)
      tpu.yield
    }) : () -> ()
    %mul3A_19 = arith.constant 640 : i32
    %mul3A_20 = arith.muli %arg1, %mul3A_19 : i32
    %add3A_21 = arith.constant 384 : i32
    %add3A_22 = arith.addi %mul3A_20, %add3A_21 : i32
    "tpu.region"() ({
      %run_scoped3A = tpu.sem_alloc : memref<!tpu.dma_semaphore, #tpu.memory_space<semaphore_mem>>
      %dma_start3A = arith.constant 0 : i32
      %dma_start3A_47 = tpu.memref_slice %arg11[%add3A_22, %dma_start3A] : memref<10240x128xf32, #tpu.memory_space<vmem_shared>> -> memref<128x128xf32, #tpu.memory_space<vmem_shared>>
      %dma_start3A_48 = arith.constant 0 : i32
      %dma_start3A_49 = tpu.memref_slice %arg11[%add3A_22, %dma_start3A_48] : memref<10240x128xf32, #tpu.memory_space<vmem_shared>> -> memref<128x128xf32, #tpu.memory_space<vmem_shared>>
      tpu.enqueue_dma source(%arg10 : memref<128x128xf32, #tpu.memory_space<vmem>>) target(%dma_start3A_49 : memref<128x128xf32, #tpu.memory_space<vmem_shared>>) target_semaphore(%run_scoped3A : memref<!tpu.dma_semaphore, #tpu.memory_space<semaphore_mem>>)
      %dma_wait3A = arith.constant 0 : i32
      %dma_wait3A_50 = tpu.memref_slice %arg11[%add3A_22, %dma_wait3A] : memref<10240x128xf32, #tpu.memory_space<vmem_shared>> -> memref<128x128xf32, #tpu.memory_space<vmem_shared>>
      %dma_wait3A_51 = arith.constant 0 : i32
      %dma_wait3A_52 = tpu.memref_slice %arg11[%add3A_22, %dma_wait3A_51] : memref<10240x128xf32, #tpu.memory_space<vmem_shared>> -> memref<128x128xf32, #tpu.memory_space<vmem_shared>>
      tpu.wait_dma2 semaphore(%run_scoped3A : memref<!tpu.dma_semaphore, #tpu.memory_space<semaphore_mem>>) src(%arg10 : memref<128x128xf32, #tpu.memory_space<vmem>>) dst(%dma_wait3A_52 : memref<128x128xf32, #tpu.memory_space<vmem_shared>>)
      tpu.yield
    }) : () -> ()
    %mul3A_23 = arith.constant 640 : i32
    %mul3A_24 = arith.muli %arg1, %mul3A_23 : i32
    %add3A_25 = arith.constant 512 : i32
    %add3A_26 = arith.addi %mul3A_24, %add3A_25 : i32
    "tpu.region"() ({
      %run_scoped3A = tpu.sem_alloc : memref<!tpu.dma_semaphore, #tpu.memory_space<semaphore_mem>>
      %dma_start3A = arith.constant 0 : i32
      %dma_start3A_47 = tpu.memref_slice %arg11[%add3A_26, %dma_start3A] : memref<10240x128xf32, #tpu.memory_space<vmem_shared>> -> memref<128x128xf32, #tpu.memory_space<vmem_shared>>
      %dma_start3A_48 = arith.constant 0 : i32
      %dma_start3A_49 = tpu.memref_slice %arg11[%add3A_26, %dma_start3A_48] : memref<10240x128xf32, #tpu.memory_space<vmem_shared>> -> memref<128x128xf32, #tpu.memory_space<vmem_shared>>
      tpu.enqueue_dma source(%arg10 : memref<128x128xf32, #tpu.memory_space<vmem>>) target(%dma_start3A_49 : memref<128x128xf32, #tpu.memory_space<vmem_shared>>) target_semaphore(%run_scoped3A : memref<!tpu.dma_semaphore, #tpu.memory_space<semaphore_mem>>)
      %dma_wait3A = arith.constant 0 : i32
      %dma_wait3A_50 = tpu.memref_slice %arg11[%add3A_26, %dma_wait3A] : memref<10240x128xf32, #tpu.memory_space<vmem_shared>> -> memref<128x128xf32, #tpu.memory_space<vmem_shared>>
      %dma_wait3A_51 = arith.constant 0 : i32
      %dma_wait3A_52 = tpu.memref_slice %arg11[%add3A_26, %dma_wait3A_51] : memref<10240x128xf32, #tpu.memory_space<vmem_shared>> -> memref<128x128xf32, #tpu.memory_space<vmem_shared>>
      tpu.wait_dma2 semaphore(%run_scoped3A : memref<!tpu.dma_semaphore, #tpu.memory_space<semaphore_mem>>) src(%arg10 : memref<128x128xf32, #tpu.memory_space<vmem>>) dst(%dma_wait3A_52 : memref<128x128xf32, #tpu.memory_space<vmem_shared>>)
      tpu.yield
    }) : () -> ()
    %barrier3A = arith.constant 0 : index
    tpu.barrier barrier_id(%barrier3A)
    %eq3A = arith.constant 0 : i32
    %eq3A_27 = arith.cmpi eq, %arg0, %eq3A : i32
    %convert_element_type3A = arith.extui %eq3A_27 : i1 to i32
    %cond3A = arith.constant 0 : i32
    %cond3A_28 = arith.cmpi ne, %convert_element_type3A, %cond3A : i32
    scf.if %cond3A_28 {
      %scan3A_47 = arith.constant 0 : i32
      %scan3A_48 = arith.constant 0 : i32
      %scan3A_49 = arith.constant 80 : i32
      %scan3A_50 = arith.addi %scan3A_48, %scan3A_49 : i32
      %scan3A_51 = arith.constant 1 : i32
      scf.for %scan3A_53 = %scan3A_48 to %scan3A_50 step %scan3A_51  : i32 {
        %dma_start3A = arith.constant 0 : i32
        %dma_start3A_54 = tpu.memref_slice %arg8[%scan3A_53, %dma_start3A] : memref<80x128xi32, #tpu.memory_space<vmem>> -> memref<1x128xi32, #tpu.memory_space<vmem>>
        %dma_start3A_55 = tpu.memref_squeeze %dma_start3A_54 : memref<1x128xi32, #tpu.memory_space<vmem>> -> memref<128xi32, #tpu.memory_space<vmem>>
        %dma_start3A_56 = arith.constant 0 : i32
        %dma_start3A_57 = arith.constant 0 : i32
        %dma_start3A_58 = tpu.memref_slice %arg2[%dma_start3A_56, %dma_start3A_57] : memref<10000x128xf32, #tpu.memory_space<hbm>> -> memref<10000x128xf32, #tpu.memory_space<hbm>>
        tpu.enqueue_indirect_dma source(%dma_start3A_58 : memref<10000x128xf32, #tpu.memory_space<hbm>>) target(%arg10 : memref<128x128xf32, #tpu.memory_space<vmem>>) offsets(%dma_start3A_55 : memref<128xi32, #tpu.memory_space<vmem>>) semaphore(%arg12 : memref<!tpu.dma_semaphore, #tpu.memory_space<semaphore_mem>>)
        %dma_wait3A = arith.constant 0 : i32
        %dma_wait3A_59 = tpu.memref_slice %arg8[%scan3A_53, %dma_wait3A] : memref<80x128xi32, #tpu.memory_space<vmem>> -> memref<1x128xi32, #tpu.memory_space<vmem>>
        %dma_wait3A_60 = tpu.memref_squeeze %dma_wait3A_59 : memref<1x128xi32, #tpu.memory_space<vmem>> -> memref<128xi32, #tpu.memory_space<vmem>>
        %dma_wait3A_61 = arith.constant 0 : i32
        %dma_wait3A_62 = arith.constant 0 : i32
        %dma_wait3A_63 = tpu.memref_slice %arg2[%dma_wait3A_61, %dma_wait3A_62] : memref<10000x128xf32, #tpu.memory_space<hbm>> -> memref<10000x128xf32, #tpu.memory_space<hbm>>
        tpu.wait_indirect_dma semaphore(%arg12 : memref<!tpu.dma_semaphore, #tpu.memory_space<semaphore_mem>>) src(%dma_wait3A_63 : memref<10000x128xf32, #tpu.memory_space<hbm>>) dst(%arg10 : memref<128x128xf32, #tpu.memory_space<vmem>>)
        "tpu.region"() ({
          %run_scoped3A = tpu.sem_alloc : memref<!tpu.dma_semaphore, #tpu.memory_space<semaphore_mem>>
          %dma_start3A_64 = arith.constant 0 : i32
          %dma_start3A_65 = tpu.memref_slice %arg9[%scan3A_53, %dma_start3A_64] : memref<80x128xi32, #tpu.memory_space<vmem>> -> memref<1x128xi32, #tpu.memory_space<vmem>>
          %dma_start3A_66 = tpu.memref_squeeze %dma_start3A_65 : memref<1x128xi32, #tpu.memory_space<vmem>> -> memref<128xi32, #tpu.memory_space<vmem>>
          %dma_start3A_67 = arith.constant 0 : i32
          %dma_start3A_68 = arith.constant 0 : i32
          %dma_start3A_69 = tpu.memref_slice %arg11[%dma_start3A_67, %dma_start3A_68] : memref<10240x128xf32, #tpu.memory_space<vmem_shared>> -> memref<10240x128xf32, #tpu.memory_space<vmem_shared>>
          tpu.enqueue_indirect_dma source(%arg10 : memref<128x128xf32, #tpu.memory_space<vmem>>) target(%dma_start3A_69 : memref<10240x128xf32, #tpu.memory_space<vmem_shared>>) offsets(%dma_start3A_66 : memref<128xi32, #tpu.memory_space<vmem>>) semaphore(%run_scoped3A : memref<!tpu.dma_semaphore, #tpu.memory_space<semaphore_mem>>) {add = true}
          %dma_wait3A_70 = arith.constant 0 : i32
          %dma_wait3A_71 = tpu.memref_slice %arg9[%scan3A_53, %dma_wait3A_70] : memref<80x128xi32, #tpu.memory_space<vmem>> -> memref<1x128xi32, #tpu.memory_space<vmem>>
          %dma_wait3A_72 = tpu.memref_squeeze %dma_wait3A_71 : memref<1x128xi32, #tpu.memory_space<vmem>> -> memref<128xi32, #tpu.memory_space<vmem>>
          %dma_wait3A_73 = arith.constant 0 : i32
          %dma_wait3A_74 = arith.constant 0 : i32
          %dma_wait3A_75 = tpu.memref_slice %arg11[%dma_wait3A_73, %dma_wait3A_74] : memref<10240x128xf32, #tpu.memory_space<vmem_shared>> -> memref<10240x128xf32, #tpu.memory_space<vmem_shared>>
          tpu.wait_indirect_dma semaphore(%run_scoped3A : memref<!tpu.dma_semaphore, #tpu.memory_space<semaphore_mem>>) src(%arg10 : memref<128x128xf32, #tpu.memory_space<vmem>>) dst(%dma_wait3A_75 : memref<10240x128xf32, #tpu.memory_space<vmem_shared>>)
          tpu.yield
        }) : () -> ()
      }
      %scan3A_52 = arith.constant 80 : i32
    } else {
    }
    %eq3A_29 = arith.constant 1 : i32
    %eq3A_30 = arith.cmpi eq, %arg0, %eq3A_29 : i32
    %convert_element_type3A_31 = arith.extui %eq3A_30 : i1 to i32
    %cond3A_32 = arith.constant 0 : i32
    %cond3A_33 = arith.cmpi ne, %convert_element_type3A_31, %cond3A_32 : i32
    scf.if %cond3A_33 {
      %scan3A_47 = arith.constant 0 : i32
      %scan3A_48 = arith.constant 0 : i32
      %scan3A_49 = arith.constant 80 : i32
      %scan3A_50 = arith.addi %scan3A_48, %scan3A_49 : i32
      %scan3A_51 = arith.constant 1 : i32
      scf.for %scan3A_53 = %scan3A_48 to %scan3A_50 step %scan3A_51  : i32 {
        %dma_start3A = arith.constant 0 : i32
        %dma_start3A_54 = tpu.memref_slice %arg8[%scan3A_53, %dma_start3A] : memref<80x128xi32, #tpu.memory_space<vmem>> -> memref<1x128xi32, #tpu.memory_space<vmem>>
        %dma_start3A_55 = tpu.memref_squeeze %dma_start3A_54 : memref<1x128xi32, #tpu.memory_space<vmem>> -> memref<128xi32, #tpu.memory_space<vmem>>
        %dma_start3A_56 = arith.constant 0 : i32
        %dma_start3A_57 = arith.constant 0 : i32
        %dma_start3A_58 = tpu.memref_slice %arg3[%dma_start3A_56, %dma_start3A_57] : memref<10000x128xf32, #tpu.memory_space<hbm>> -> memref<10000x128xf32, #tpu.memory_space<hbm>>
        tpu.enqueue_indirect_dma source(%dma_start3A_58 : memref<10000x128xf32, #tpu.memory_space<hbm>>) target(%arg10 : memref<128x128xf32, #tpu.memory_space<vmem>>) offsets(%dma_start3A_55 : memref<128xi32, #tpu.memory_space<vmem>>) semaphore(%arg12 : memref<!tpu.dma_semaphore, #tpu.memory_space<semaphore_mem>>)
        %dma_wait3A = arith.constant 0 : i32
        %dma_wait3A_59 = tpu.memref_slice %arg8[%scan3A_53, %dma_wait3A] : memref<80x128xi32, #tpu.memory_space<vmem>> -> memref<1x128xi32, #tpu.memory_space<vmem>>
        %dma_wait3A_60 = tpu.memref_squeeze %dma_wait3A_59 : memref<1x128xi32, #tpu.memory_space<vmem>> -> memref<128xi32, #tpu.memory_space<vmem>>
        %dma_wait3A_61 = arith.constant 0 : i32
        %dma_wait3A_62 = arith.constant 0 : i32
        %dma_wait3A_63 = tpu.memref_slice %arg3[%dma_wait3A_61, %dma_wait3A_62] : memref<10000x128xf32, #tpu.memory_space<hbm>> -> memref<10000x128xf32, #tpu.memory_space<hbm>>
        tpu.wait_indirect_dma semaphore(%arg12 : memref<!tpu.dma_semaphore, #tpu.memory_space<semaphore_mem>>) src(%dma_wait3A_63 : memref<10000x128xf32, #tpu.memory_space<hbm>>) dst(%arg10 : memref<128x128xf32, #tpu.memory_space<vmem>>)
        "tpu.region"() ({
          %run_scoped3A = tpu.sem_alloc : memref<!tpu.dma_semaphore, #tpu.memory_space<semaphore_mem>>
          %dma_start3A_64 = arith.constant 0 : i32
          %dma_start3A_65 = tpu.memref_slice %arg9[%scan3A_53, %dma_start3A_64] : memref<80x128xi32, #tpu.memory_space<vmem>> -> memref<1x128xi32, #tpu.memory_space<vmem>>
          %dma_start3A_66 = tpu.memref_squeeze %dma_start3A_65 : memref<1x128xi32, #tpu.memory_space<vmem>> -> memref<128xi32, #tpu.memory_space<vmem>>
          %dma_start3A_67 = arith.constant 0 : i32
          %dma_start3A_68 = arith.constant 0 : i32
          %dma_start3A_69 = tpu.memref_slice %arg11[%dma_start3A_67, %dma_start3A_68] : memref<10240x128xf32, #tpu.memory_space<vmem_shared>> -> memref<10240x128xf32, #tpu.memory_space<vmem_shared>>
          tpu.enqueue_indirect_dma source(%arg10 : memref<128x128xf32, #tpu.memory_space<vmem>>) target(%dma_start3A_69 : memref<10240x128xf32, #tpu.memory_space<vmem_shared>>) offsets(%dma_start3A_66 : memref<128xi32, #tpu.memory_space<vmem>>) semaphore(%run_scoped3A : memref<!tpu.dma_semaphore, #tpu.memory_space<semaphore_mem>>) {add = true}
          %dma_wait3A_70 = arith.constant 0 : i32
          %dma_wait3A_71 = tpu.memref_slice %arg9[%scan3A_53, %dma_wait3A_70] : memref<80x128xi32, #tpu.memory_space<vmem>> -> memref<1x128xi32, #tpu.memory_space<vmem>>
          %dma_wait3A_72 = tpu.memref_squeeze %dma_wait3A_71 : memref<1x128xi32, #tpu.memory_space<vmem>> -> memref<128xi32, #tpu.memory_space<vmem>>
          %dma_wait3A_73 = arith.constant 0 : i32
          %dma_wait3A_74 = arith.constant 0 : i32
          %dma_wait3A_75 = tpu.memref_slice %arg11[%dma_wait3A_73, %dma_wait3A_74] : memref<10240x128xf32, #tpu.memory_space<vmem_shared>> -> memref<10240x128xf32, #tpu.memory_space<vmem_shared>>
          tpu.wait_indirect_dma semaphore(%run_scoped3A : memref<!tpu.dma_semaphore, #tpu.memory_space<semaphore_mem>>) src(%arg10 : memref<128x128xf32, #tpu.memory_space<vmem>>) dst(%dma_wait3A_75 : memref<10240x128xf32, #tpu.memory_space<vmem_shared>>)
          tpu.yield
        }) : () -> ()
      }
      %scan3A_52 = arith.constant 80 : i32
    } else {
    }
    %barrier3A_34 = arith.constant 0 : index
    tpu.barrier barrier_id(%barrier3A_34)
    %mul3A_35 = arith.constant 640 : i32
    %mul3A_36 = arith.muli %arg1, %mul3A_35 : i32
    %eq3A_37 = arith.constant 0 : i32
    %eq3A_38 = arith.cmpi eq, %arg0, %eq3A_37 : i32
    %convert_element_type3A_39 = arith.extui %eq3A_38 : i1 to i32
    %cond3A_40 = arith.constant 0 : i32
    %cond3A_41 = arith.cmpi ne, %convert_element_type3A_39, %cond3A_40 : i32
    scf.if %cond3A_41 {
      "tpu.region"() ({
        %run_scoped3A = tpu.sem_alloc : memref<!tpu.dma_semaphore, #tpu.memory_space<semaphore_mem>>
        %dma_start3A = arith.constant 0 : i32
        %dma_start3A_47 = tpu.memref_slice %arg6[%mul3A_36, %dma_start3A] : memref<10240x128xf32, #tpu.memory_space<hbm>> -> memref<640x128xf32, #tpu.memory_space<hbm>>
        %dma_start3A_48 = arith.constant 0 : i32
        %dma_start3A_49 = tpu.memref_slice %arg11[%mul3A_36, %dma_start3A_48] : memref<10240x128xf32, #tpu.memory_space<vmem_shared>> -> memref<640x128xf32, #tpu.memory_space<vmem_shared>>
        tpu.enqueue_dma source(%dma_start3A_49 : memref<640x128xf32, #tpu.memory_space<vmem_shared>>) target(%dma_start3A_47 : memref<640x128xf32, #tpu.memory_space<hbm>>) target_semaphore(%run_scoped3A : memref<!tpu.dma_semaphore, #tpu.memory_space<semaphore_mem>>)
        %dma_wait3A = arith.constant 0 : i32
        %dma_wait3A_50 = tpu.memref_slice %arg6[%mul3A_36, %dma_wait3A] : memref<10240x128xf32, #tpu.memory_space<hbm>> -> memref<640x128xf32, #tpu.memory_space<hbm>>
        %dma_wait3A_51 = arith.constant 0 : i32
        %dma_wait3A_52 = tpu.memref_slice %arg11[%mul3A_36, %dma_wait3A_51] : memref<10240x128xf32, #tpu.memory_space<vmem_shared>> -> memref<640x128xf32, #tpu.memory_space<vmem_shared>>
        tpu.wait_dma2 semaphore(%run_scoped3A : memref<!tpu.dma_semaphore, #tpu.memory_space<semaphore_mem>>) src(%dma_wait3A_52 : memref<640x128xf32, #tpu.memory_space<vmem_shared>>) dst(%dma_wait3A_50 : memref<640x128xf32, #tpu.memory_space<hbm>>)
        tpu.yield
      }) : () -> ()
    } else {
    }
    %eq3A_42 = arith.constant 1 : i32
    %eq3A_43 = arith.cmpi eq, %arg0, %eq3A_42 : i32
    %convert_element_type3A_44 = arith.extui %eq3A_43 : i1 to i32
    %cond3A_45 = arith.constant 0 : i32
    %cond3A_46 = arith.cmpi ne, %convert_element_type3A_44, %cond3A_45 : i32
    scf.if %cond3A_46 {
      "tpu.region"() ({
        %run_scoped3A = tpu.sem_alloc : memref<!tpu.dma_semaphore, #tpu.memory_space<semaphore_mem>>
        %dma_start3A = arith.constant 0 : i32
        %dma_start3A_47 = tpu.memref_slice %arg7[%mul3A_36, %dma_start3A] : memref<10240x128xf32, #tpu.memory_space<hbm>> -> memref<640x128xf32, #tpu.memory_space<hbm>>
        %dma_start3A_48 = arith.constant 0 : i32
        %dma_start3A_49 = tpu.memref_slice %arg11[%mul3A_36, %dma_start3A_48] : memref<10240x128xf32, #tpu.memory_space<vmem_shared>> -> memref<640x128xf32, #tpu.memory_space<vmem_shared>>
        tpu.enqueue_dma source(%dma_start3A_49 : memref<640x128xf32, #tpu.memory_space<vmem_shared>>) target(%dma_start3A_47 : memref<640x128xf32, #tpu.memory_space<hbm>>) target_semaphore(%run_scoped3A : memref<!tpu.dma_semaphore, #tpu.memory_space<semaphore_mem>>)
        %dma_wait3A = arith.constant 0 : i32
        %dma_wait3A_50 = tpu.memref_slice %arg7[%mul3A_36, %dma_wait3A] : memref<10240x128xf32, #tpu.memory_space<hbm>> -> memref<640x128xf32, #tpu.memory_space<hbm>>
        %dma_wait3A_51 = arith.constant 0 : i32
        %dma_wait3A_52 = tpu.memref_slice %arg11[%mul3A_36, %dma_wait3A_51] : memref<10240x128xf32, #tpu.memory_space<vmem_shared>> -> memref<640x128xf32, #tpu.memory_space<vmem_shared>>
        tpu.wait_dma2 semaphore(%run_scoped3A : memref<!tpu.dma_semaphore, #tpu.memory_space<semaphore_mem>>) src(%dma_wait3A_52 : memref<640x128xf32, #tpu.memory_space<vmem_shared>>) dst(%dma_wait3A_50 : memref<640x128xf32, #tpu.memory_space<hbm>>)
        tpu.yield
      }) : () -> ()
    } else {
    }
    return
  }
}

#map = affine_map<(d0, d1) -> (0, 0)>
module attributes {stable_mosaic.version = 14 : i64} {
  func.func @_sc_agg_body(%arg0: i32, %arg1: i32, %arg2: memref<10000x128xf32, #tpu.memory_space<hbm>>, %arg3: memref<10000x128xf32, #tpu.memory_space<hbm>>, %arg4: memref<1280x128xi32, #tpu.memory_space<hbm>>, %arg5: memref<1280x128xi32, #tpu.memory_space<hbm>>, %arg6: memref<10240x128xf32, #tpu.memory_space<hbm>>, %arg7: memref<10240x128xf32, #tpu.memory_space<hbm>>, %arg8: memref<80x128xi32, #tpu.memory_space<vmem>>, %arg9: memref<80x128xi32, #tpu.memory_space<vmem>>, %arg10: memref<128x128xf32, #tpu.memory_space<vmem>>, %arg11: memref<10240x128xf32, #tpu.memory_space<vmem_shared>>, %arg12: memref<!tpu.dma_semaphore, #tpu.memory_space<semaphore_mem>>) attributes {dimension_semantics = [#tpu.dimension_semantics<core_parallel>, #tpu.dimension_semantics<subcore_parallel>], iteration_bounds = array<i64: 2, 16>, scalar_prefetch = 0 : i64, scratch_operands = 5 : i64, tpu.core_type = #tpu.core_type<sc_vector_subcore>, window_params = [{transform_indices = #map}, {transform_indices = #map}, {transform_indices = #map}, {transform_indices = #map}, {transform_indices = #map}, {transform_indices = #map}]} {
    %mul3A = arith.constant 80 : i32
    %mul3A_0 = arith.muli %arg1, %mul3A : i32
    "tpu.region"() ({
      %run_scoped3A = tpu.sem_alloc : memref<!tpu.dma_semaphore, #tpu.memory_space<semaphore_mem>>
      %dma_start3A = arith.constant 0 : i32
      %dma_start3A_47 = tpu.memref_slice %arg4[%mul3A_0, %dma_start3A] : memref<1280x128xi32, #tpu.memory_space<hbm>> -> memref<80x128xi32, #tpu.memory_space<hbm>>
      %dma_start3A_48 = arith.constant 0 : i32
      %dma_start3A_49 = tpu.memref_slice %arg4[%mul3A_0, %dma_start3A_48] : memref<1280x128xi32, #tpu.memory_space<hbm>> -> memref<80x128xi32, #tpu.memory_space<hbm>>
      tpu.enqueue_dma source(%dma_start3A_49 : memref<80x128xi32, #tpu.memory_space<hbm>>) target(%arg8 : memref<80x128xi32, #tpu.memory_space<vmem>>) target_semaphore(%run_scoped3A : memref<!tpu.dma_semaphore, #tpu.memory_space<semaphore_mem>>)
      %dma_wait3A = arith.constant 0 : i32
      %dma_wait3A_50 = tpu.memref_slice %arg4[%mul3A_0, %dma_wait3A] : memref<1280x128xi32, #tpu.memory_space<hbm>> -> memref<80x128xi32, #tpu.memory_space<hbm>>
      %dma_wait3A_51 = arith.constant 0 : i32
      %dma_wait3A_52 = tpu.memref_slice %arg4[%mul3A_0, %dma_wait3A_51] : memref<1280x128xi32, #tpu.memory_space<hbm>> -> memref<80x128xi32, #tpu.memory_space<hbm>>
      tpu.wait_dma2 semaphore(%run_scoped3A : memref<!tpu.dma_semaphore, #tpu.memory_space<semaphore_mem>>) src(%dma_wait3A_52 : memref<80x128xi32, #tpu.memory_space<hbm>>) dst(%arg8 : memref<80x128xi32, #tpu.memory_space<vmem>>)
      tpu.yield
    }) : () -> ()
    %mul3A_1 = arith.constant 80 : i32
    %mul3A_2 = arith.muli %arg1, %mul3A_1 : i32
    "tpu.region"() ({
      %run_scoped3A = tpu.sem_alloc : memref<!tpu.dma_semaphore, #tpu.memory_space<semaphore_mem>>
      %dma_start3A = arith.constant 0 : i32
      %dma_start3A_47 = tpu.memref_slice %arg5[%mul3A_2, %dma_start3A] : memref<1280x128xi32, #tpu.memory_space<hbm>> -> memref<80x128xi32, #tpu.memory_space<hbm>>
      %dma_start3A_48 = arith.constant 0 : i32
      %dma_start3A_49 = tpu.memref_slice %arg5[%mul3A_2, %dma_start3A_48] : memref<1280x128xi32, #tpu.memory_space<hbm>> -> memref<80x128xi32, #tpu.memory_space<hbm>>
      tpu.enqueue_dma source(%dma_start3A_49 : memref<80x128xi32, #tpu.memory_space<hbm>>) target(%arg9 : memref<80x128xi32, #tpu.memory_space<vmem>>) target_semaphore(%run_scoped3A : memref<!tpu.dma_semaphore, #tpu.memory_space<semaphore_mem>>)
      %dma_wait3A = arith.constant 0 : i32
      %dma_wait3A_50 = tpu.memref_slice %arg5[%mul3A_2, %dma_wait3A] : memref<1280x128xi32, #tpu.memory_space<hbm>> -> memref<80x128xi32, #tpu.memory_space<hbm>>
      %dma_wait3A_51 = arith.constant 0 : i32
      %dma_wait3A_52 = tpu.memref_slice %arg5[%mul3A_2, %dma_wait3A_51] : memref<1280x128xi32, #tpu.memory_space<hbm>> -> memref<80x128xi32, #tpu.memory_space<hbm>>
      tpu.wait_dma2 semaphore(%run_scoped3A : memref<!tpu.dma_semaphore, #tpu.memory_space<semaphore_mem>>) src(%dma_wait3A_52 : memref<80x128xi32, #tpu.memory_space<hbm>>) dst(%arg9 : memref<80x128xi32, #tpu.memory_space<vmem>>)
      tpu.yield
    }) : () -> ()
    %scan3A = arith.constant 0 : i32
    %scan3A_3 = arith.constant 0 : i32
    %scan3A_4 = arith.constant 128 : i32
    %scan3A_5 = arith.addi %scan3A_3, %scan3A_4 : i32
    %scan3A_6 = arith.constant 1 : i32
    scf.for %scan3A_47 = %scan3A_3 to %scan3A_5 step %scan3A_6  : i32 {
      %broadcast_in_dim3A = arith.constant 0.000000e+00 : f32
      %broadcast_in_dim3A_48 = vector.broadcast %broadcast_in_dim3A : f32 to vector<16xf32>
      %swap3A = arith.index_cast %scan3A_47 : i32 to index
      %swap3A_49 = arith.constant 0 : index
      %swap3A_50 = tpu.vector_load %arg10[%swap3A, %swap3A_49] {strides = array<i32>} : memref<128x128xf32, #tpu.memory_space<vmem>>, vector<1x16xf32>,
      %swap3A_51 = vector.shape_cast %swap3A_50 : vector<1x16xf32> to vector<16xf32>
      %swap3A_52 = vector.shape_cast %broadcast_in_dim3A_48 : vector<16xf32> to vector<1x16xf32>
      tpu.vector_store %arg10[%swap3A, %swap3A_49], %swap3A_52 {strides = array<i32>} : memref<128x128xf32, #tpu.memory_space<vmem>>, vector<1x16xf32>,
      %broadcast_in_dim3A_53 = arith.constant 0.000000e+00 : f32
      %broadcast_in_dim3A_54 = vector.broadcast %broadcast_in_dim3A_53 : f32 to vector<16xf32>
      %swap3A_55 = arith.index_cast %scan3A_47 : i32 to index
      %swap3A_56 = arith.constant 16 : index
      %swap3A_57 = tpu.vector_load %arg10[%swap3A_55, %swap3A_56] {strides = array<i32>} : memref<128x128xf32, #tpu.memory_space<vmem>>, vector<1x16xf32>,
      %swap3A_58 = vector.shape_cast %swap3A_57 : vector<1x16xf32> to vector<16xf32>
      %swap3A_59 = vector.shape_cast %broadcast_in_dim3A_54 : vector<16xf32> to vector<1x16xf32>
      tpu.vector_store %arg10[%swap3A_55, %swap3A_56], %swap3A_59 {strides = array<i32>} : memref<128x128xf32, #tpu.memory_space<vmem>>, vector<1x16xf32>,
      %broadcast_in_dim3A_60 = arith.constant 0.000000e+00 : f32
      %broadcast_in_dim3A_61 = vector.broadcast %broadcast_in_dim3A_60 : f32 to vector<16xf32>
      %swap3A_62 = arith.index_cast %scan3A_47 : i32 to index
      %swap3A_63 = arith.constant 32 : index
      %swap3A_64 = tpu.vector_load %arg10[%swap3A_62, %swap3A_63] {strides = array<i32>} : memref<128x128xf32, #tpu.memory_space<vmem>>, vector<1x16xf32>,
      %swap3A_65 = vector.shape_cast %swap3A_64 : vector<1x16xf32> to vector<16xf32>
      %swap3A_66 = vector.shape_cast %broadcast_in_dim3A_61 : vector<16xf32> to vector<1x16xf32>
      tpu.vector_store %arg10[%swap3A_62, %swap3A_63], %swap3A_66 {strides = array<i32>} : memref<128x128xf32, #tpu.memory_space<vmem>>, vector<1x16xf32>,
      %broadcast_in_dim3A_67 = arith.constant 0.000000e+00 : f32
      %broadcast_in_dim3A_68 = vector.broadcast %broadcast_in_dim3A_67 : f32 to vector<16xf32>
      %swap3A_69 = arith.index_cast %scan3A_47 : i32 to index
      %swap3A_70 = arith.constant 48 : index
      %swap3A_71 = tpu.vector_load %arg10[%swap3A_69, %swap3A_70] {strides = array<i32>} : memref<128x128xf32, #tpu.memory_space<vmem>>, vector<1x16xf32>,
      %swap3A_72 = vector.shape_cast %swap3A_71 : vector<1x16xf32> to vector<16xf32>
      %swap3A_73 = vector.shape_cast %broadcast_in_dim3A_68 : vector<16xf32> to vector<1x16xf32>
      tpu.vector_store %arg10[%swap3A_69, %swap3A_70], %swap3A_73 {strides = array<i32>} : memref<128x128xf32, #tpu.memory_space<vmem>>, vector<1x16xf32>,
      %broadcast_in_dim3A_74 = arith.constant 0.000000e+00 : f32
      %broadcast_in_dim3A_75 = vector.broadcast %broadcast_in_dim3A_74 : f32 to vector<16xf32>
      %swap3A_76 = arith.index_cast %scan3A_47 : i32 to index
      %swap3A_77 = arith.constant 64 : index
      %swap3A_78 = tpu.vector_load %arg10[%swap3A_76, %swap3A_77] {strides = array<i32>} : memref<128x128xf32, #tpu.memory_space<vmem>>, vector<1x16xf32>,
      %swap3A_79 = vector.shape_cast %swap3A_78 : vector<1x16xf32> to vector<16xf32>
      %swap3A_80 = vector.shape_cast %broadcast_in_dim3A_75 : vector<16xf32> to vector<1x16xf32>
      tpu.vector_store %arg10[%swap3A_76, %swap3A_77], %swap3A_80 {strides = array<i32>} : memref<128x128xf32, #tpu.memory_space<vmem>>, vector<1x16xf32>,
      %broadcast_in_dim3A_81 = arith.constant 0.000000e+00 : f32
      %broadcast_in_dim3A_82 = vector.broadcast %broadcast_in_dim3A_81 : f32 to vector<16xf32>
      %swap3A_83 = arith.index_cast %scan3A_47 : i32 to index
      %swap3A_84 = arith.constant 80 : index
      %swap3A_85 = tpu.vector_load %arg10[%swap3A_83, %swap3A_84] {strides = array<i32>} : memref<128x128xf32, #tpu.memory_space<vmem>>, vector<1x16xf32>,
      %swap3A_86 = vector.shape_cast %swap3A_85 : vector<1x16xf32> to vector<16xf32>
      %swap3A_87 = vector.shape_cast %broadcast_in_dim3A_82 : vector<16xf32> to vector<1x16xf32>
      tpu.vector_store %arg10[%swap3A_83, %swap3A_84], %swap3A_87 {strides = array<i32>} : memref<128x128xf32, #tpu.memory_space<vmem>>, vector<1x16xf32>,
      %broadcast_in_dim3A_88 = arith.constant 0.000000e+00 : f32
      %broadcast_in_dim3A_89 = vector.broadcast %broadcast_in_dim3A_88 : f32 to vector<16xf32>
      %swap3A_90 = arith.index_cast %scan3A_47 : i32 to index
      %swap3A_91 = arith.constant 96 : index
      %swap3A_92 = tpu.vector_load %arg10[%swap3A_90, %swap3A_91] {strides = array<i32>} : memref<128x128xf32, #tpu.memory_space<vmem>>, vector<1x16xf32>,
      %swap3A_93 = vector.shape_cast %swap3A_92 : vector<1x16xf32> to vector<16xf32>
      %swap3A_94 = vector.shape_cast %broadcast_in_dim3A_89 : vector<16xf32> to vector<1x16xf32>
      tpu.vector_store %arg10[%swap3A_90, %swap3A_91], %swap3A_94 {strides = array<i32>} : memref<128x128xf32, #tpu.memory_space<vmem>>, vector<1x16xf32>,
      %broadcast_in_dim3A_95 = arith.constant 0.000000e+00 : f32
      %broadcast_in_dim3A_96 = vector.broadcast %broadcast_in_dim3A_95 : f32 to vector<16xf32>
      %swap3A_97 = arith.index_cast %scan3A_47 : i32 to index
      %swap3A_98 = arith.constant 112 : index
      %swap3A_99 = tpu.vector_load %arg10[%swap3A_97, %swap3A_98] {strides = array<i32>} : memref<128x128xf32, #tpu.memory_space<vmem>>, vector<1x16xf32>,
      %swap3A_100 = vector.shape_cast %swap3A_99 : vector<1x16xf32> to vector<16xf32>
      %swap3A_101 = vector.shape_cast %broadcast_in_dim3A_96 : vector<16xf32> to vector<1x16xf32>
      tpu.vector_store %arg10[%swap3A_97, %swap3A_98], %swap3A_101 {strides = array<i32>} : memref<128x128xf32, #tpu.memory_space<vmem>>, vector<1x16xf32>,
    }
    %scan3A_7 = arith.constant 128 : i32
    %mul3A_8 = arith.constant 640 : i32
    %mul3A_9 = arith.muli %arg1, %mul3A_8 : i32
    %add3A = arith.constant 0 : i32
    %add3A_10 = arith.addi %mul3A_9, %add3A : i32
    "tpu.region"() ({
      %run_scoped3A = tpu.sem_alloc : memref<!tpu.dma_semaphore, #tpu.memory_space<semaphore_mem>>
      %dma_start3A = arith.constant 0 : i32
      %dma_start3A_47 = tpu.memref_slice %arg11[%add3A_10, %dma_start3A] : memref<10240x128xf32, #tpu.memory_space<vmem_shared>> -> memref<128x128xf32, #tpu.memory_space<vmem_shared>>
      %dma_start3A_48 = arith.constant 0 : i32
      %dma_start3A_49 = tpu.memref_slice %arg11[%add3A_10, %dma_start3A_48] : memref<10240x128xf32, #tpu.memory_space<vmem_shared>> -> memref<128x128xf32, #tpu.memory_space<vmem_shared>>
      tpu.enqueue_dma source(%arg10 : memref<128x128xf32, #tpu.memory_space<vmem>>) target(%dma_start3A_49 : memref<128x128xf32, #tpu.memory_space<vmem_shared>>) target_semaphore(%run_scoped3A : memref<!tpu.dma_semaphore, #tpu.memory_space<semaphore_mem>>)
      %dma_wait3A = arith.constant 0 : i32
      %dma_wait3A_50 = tpu.memref_slice %arg11[%add3A_10, %dma_wait3A] : memref<10240x128xf32, #tpu.memory_space<vmem_shared>> -> memref<128x128xf32, #tpu.memory_space<vmem_shared>>
      %dma_wait3A_51 = arith.constant 0 : i32
      %dma_wait3A_52 = tpu.memref_slice %arg11[%add3A_10, %dma_wait3A_51] : memref<10240x128xf32, #tpu.memory_space<vmem_shared>> -> memref<128x128xf32, #tpu.memory_space<vmem_shared>>
      tpu.wait_dma2 semaphore(%run_scoped3A : memref<!tpu.dma_semaphore, #tpu.memory_space<semaphore_mem>>) src(%arg10 : memref<128x128xf32, #tpu.memory_space<vmem>>) dst(%dma_wait3A_52 : memref<128x128xf32, #tpu.memory_space<vmem_shared>>)
      tpu.yield
    }) : () -> ()
    %mul3A_11 = arith.constant 640 : i32
    %mul3A_12 = arith.muli %arg1, %mul3A_11 : i32
    %add3A_13 = arith.constant 128 : i32
    %add3A_14 = arith.addi %mul3A_12, %add3A_13 : i32
    "tpu.region"() ({
      %run_scoped3A = tpu.sem_alloc : memref<!tpu.dma_semaphore, #tpu.memory_space<semaphore_mem>>
      %dma_start3A = arith.constant 0 : i32
      %dma_start3A_47 = tpu.memref_slice %arg11[%add3A_14, %dma_start3A] : memref<10240x128xf32, #tpu.memory_space<vmem_shared>> -> memref<128x128xf32, #tpu.memory_space<vmem_shared>>
      %dma_start3A_48 = arith.constant 0 : i32
      %dma_start3A_49 = tpu.memref_slice %arg11[%add3A_14, %dma_start3A_48] : memref<10240x128xf32, #tpu.memory_space<vmem_shared>> -> memref<128x128xf32, #tpu.memory_space<vmem_shared>>
      tpu.enqueue_dma source(%arg10 : memref<128x128xf32, #tpu.memory_space<vmem>>) target(%dma_start3A_49 : memref<128x128xf32, #tpu.memory_space<vmem_shared>>) target_semaphore(%run_scoped3A : memref<!tpu.dma_semaphore, #tpu.memory_space<semaphore_mem>>)
      %dma_wait3A = arith.constant 0 : i32
      %dma_wait3A_50 = tpu.memref_slice %arg11[%add3A_14, %dma_wait3A] : memref<10240x128xf32, #tpu.memory_space<vmem_shared>> -> memref<128x128xf32, #tpu.memory_space<vmem_shared>>
      %dma_wait3A_51 = arith.constant 0 : i32
      %dma_wait3A_52 = tpu.memref_slice %arg11[%add3A_14, %dma_wait3A_51] : memref<10240x128xf32, #tpu.memory_space<vmem_shared>> -> memref<128x128xf32, #tpu.memory_space<vmem_shared>>
      tpu.wait_dma2 semaphore(%run_scoped3A : memref<!tpu.dma_semaphore, #tpu.memory_space<semaphore_mem>>) src(%arg10 : memref<128x128xf32, #tpu.memory_space<vmem>>) dst(%dma_wait3A_52 : memref<128x128xf32, #tpu.memory_space<vmem_shared>>)
      tpu.yield
    }) : () -> ()
    %mul3A_15 = arith.constant 640 : i32
    %mul3A_16 = arith.muli %arg1, %mul3A_15 : i32
    %add3A_17 = arith.constant 256 : i32
    %add3A_18 = arith.addi %mul3A_16, %add3A_17 : i32
    "tpu.region"() ({
      %run_scoped3A = tpu.sem_alloc : memref<!tpu.dma_semaphore, #tpu.memory_space<semaphore_mem>>
      %dma_start3A = arith.constant 0 : i32
      %dma_start3A_47 = tpu.memref_slice %arg11[%add3A_18, %dma_start3A] : memref<10240x128xf32, #tpu.memory_space<vmem_shared>> -> memref<128x128xf32, #tpu.memory_space<vmem_shared>>
      %dma_start3A_48 = arith.constant 0 : i32
      %dma_start3A_49 = tpu.memref_slice %arg11[%add3A_18, %dma_start3A_48] : memref<10240x128xf32, #tpu.memory_space<vmem_shared>> -> memref<128x128xf32, #tpu.memory_space<vmem_shared>>
      tpu.enqueue_dma source(%arg10 : memref<128x128xf32, #tpu.memory_space<vmem>>) target(%dma_start3A_49 : memref<128x128xf32, #tpu.memory_space<vmem_shared>>) target_semaphore(%run_scoped3A : memref<!tpu.dma_semaphore, #tpu.memory_space<semaphore_mem>>)
      %dma_wait3A = arith.constant 0 : i32
      %dma_wait3A_50 = tpu.memref_slice %arg11[%add3A_18, %dma_wait3A] : memref<10240x128xf32, #tpu.memory_space<vmem_shared>> -> memref<128x128xf32, #tpu.memory_space<vmem_shared>>
      %dma_wait3A_51 = arith.constant 0 : i32
      %dma_wait3A_52 = tpu.memref_slice %arg11[%add3A_18, %dma_wait3A_51] : memref<10240x128xf32, #tpu.memory_space<vmem_shared>> -> memref<128x128xf32, #tpu.memory_space<vmem_shared>>
      tpu.wait_dma2 semaphore(%run_scoped3A : memref<!tpu.dma_semaphore, #tpu.memory_space<semaphore_mem>>) src(%arg10 : memref<128x128xf32, #tpu.memory_space<vmem>>) dst(%dma_wait3A_52 : memref<128x128xf32, #tpu.memory_space<vmem_shared>>)
      tpu.yield
    }) : () -> ()
    %mul3A_19 = arith.constant 640 : i32
    %mul3A_20 = arith.muli %arg1, %mul3A_19 : i32
    %add3A_21 = arith.constant 384 : i32
    %add3A_22 = arith.addi %mul3A_20, %add3A_21 : i32
    "tpu.region"() ({
      %run_scoped3A = tpu.sem_alloc : memref<!tpu.dma_semaphore, #tpu.memory_space<semaphore_mem>>
      %dma_start3A = arith.constant 0 : i32
      %dma_start3A_47 = tpu.memref_slice %arg11[%add3A_22, %dma_start3A] : memref<10240x128xf32, #tpu.memory_space<vmem_shared>> -> memref<128x128xf32, #tpu.memory_space<vmem_shared>>
      %dma_start3A_48 = arith.constant 0 : i32
      %dma_start3A_49 = tpu.memref_slice %arg11[%add3A_22, %dma_start3A_48] : memref<10240x128xf32, #tpu.memory_space<vmem_shared>> -> memref<128x128xf32, #tpu.memory_space<vmem_shared>>
      tpu.enqueue_dma source(%arg10 : memref<128x128xf32, #tpu.memory_space<vmem>>) target(%dma_start3A_49 : memref<128x128xf32, #tpu.memory_space<vmem_shared>>) target_semaphore(%run_scoped3A : memref<!tpu.dma_semaphore, #tpu.memory_space<semaphore_mem>>)
      %dma_wait3A = arith.constant 0 : i32
      %dma_wait3A_50 = tpu.memref_slice %arg11[%add3A_22, %dma_wait3A] : memref<10240x128xf32, #tpu.memory_space<vmem_shared>> -> memref<128x128xf32, #tpu.memory_space<vmem_shared>>
      %dma_wait3A_51 = arith.constant 0 : i32
      %dma_wait3A_52 = tpu.memref_slice %arg11[%add3A_22, %dma_wait3A_51] : memref<10240x128xf32, #tpu.memory_space<vmem_shared>> -> memref<128x128xf32, #tpu.memory_space<vmem_shared>>
      tpu.wait_dma2 semaphore(%run_scoped3A : memref<!tpu.dma_semaphore, #tpu.memory_space<semaphore_mem>>) src(%arg10 : memref<128x128xf32, #tpu.memory_space<vmem>>) dst(%dma_wait3A_52 : memref<128x128xf32, #tpu.memory_space<vmem_shared>>)
      tpu.yield
    }) : () -> ()
    %mul3A_23 = arith.constant 640 : i32
    %mul3A_24 = arith.muli %arg1, %mul3A_23 : i32
    %add3A_25 = arith.constant 512 : i32
    %add3A_26 = arith.addi %mul3A_24, %add3A_25 : i32
    "tpu.region"() ({
      %run_scoped3A = tpu.sem_alloc : memref<!tpu.dma_semaphore, #tpu.memory_space<semaphore_mem>>
      %dma_start3A = arith.constant 0 : i32
      %dma_start3A_47 = tpu.memref_slice %arg11[%add3A_26, %dma_start3A] : memref<10240x128xf32, #tpu.memory_space<vmem_shared>> -> memref<128x128xf32, #tpu.memory_space<vmem_shared>>
      %dma_start3A_48 = arith.constant 0 : i32
      %dma_start3A_49 = tpu.memref_slice %arg11[%add3A_26, %dma_start3A_48] : memref<10240x128xf32, #tpu.memory_space<vmem_shared>> -> memref<128x128xf32, #tpu.memory_space<vmem_shared>>
      tpu.enqueue_dma source(%arg10 : memref<128x128xf32, #tpu.memory_space<vmem>>) target(%dma_start3A_49 : memref<128x128xf32, #tpu.memory_space<vmem_shared>>) target_semaphore(%run_scoped3A : memref<!tpu.dma_semaphore, #tpu.memory_space<semaphore_mem>>)
      %dma_wait3A = arith.constant 0 : i32
      %dma_wait3A_50 = tpu.memref_slice %arg11[%add3A_26, %dma_wait3A] : memref<10240x128xf32, #tpu.memory_space<vmem_shared>> -> memref<128x128xf32, #tpu.memory_space<vmem_shared>>
      %dma_wait3A_51 = arith.constant 0 : i32
      %dma_wait3A_52 = tpu.memref_slice %arg11[%add3A_26, %dma_wait3A_51] : memref<10240x128xf32, #tpu.memory_space<vmem_shared>> -> memref<128x128xf32, #tpu.memory_space<vmem_shared>>
      tpu.wait_dma2 semaphore(%run_scoped3A : memref<!tpu.dma_semaphore, #tpu.memory_space<semaphore_mem>>) src(%arg10 : memref<128x128xf32, #tpu.memory_space<vmem>>) dst(%dma_wait3A_52 : memref<128x128xf32, #tpu.memory_space<vmem_shared>>)
      tpu.yield
    }) : () -> ()
    %barrier3A = arith.constant 0 : index
    tpu.barrier barrier_id(%barrier3A)
    %eq3A = arith.constant 0 : i32
    %eq3A_27 = arith.cmpi eq, %arg0, %eq3A : i32
    %convert_element_type3A = arith.extui %eq3A_27 : i1 to i32
    %cond3A = arith.constant 0 : i32
    %cond3A_28 = arith.cmpi ne, %convert_element_type3A, %cond3A : i32
    scf.if %cond3A_28 {
      %scan3A_47 = arith.constant 0 : i32
      %scan3A_48 = arith.constant 0 : i32
      %scan3A_49 = arith.constant 80 : i32
      %scan3A_50 = arith.addi %scan3A_48, %scan3A_49 : i32
      %scan3A_51 = arith.constant 1 : i32
      scf.for %scan3A_53 = %scan3A_48 to %scan3A_50 step %scan3A_51  : i32 {
        %dma_start3A = arith.constant 0 : i32
        %dma_start3A_54 = tpu.memref_slice %arg8[%scan3A_53, %dma_start3A] : memref<80x128xi32, #tpu.memory_space<vmem>> -> memref<1x128xi32, #tpu.memory_space<vmem>>
        %dma_start3A_55 = tpu.memref_squeeze %dma_start3A_54 : memref<1x128xi32, #tpu.memory_space<vmem>> -> memref<128xi32, #tpu.memory_space<vmem>>
        %dma_start3A_56 = arith.constant 0 : i32
        %dma_start3A_57 = arith.constant 0 : i32
        %dma_start3A_58 = tpu.memref_slice %arg2[%dma_start3A_56, %dma_start3A_57] : memref<10000x128xf32, #tpu.memory_space<hbm>> -> memref<10000x128xf32, #tpu.memory_space<hbm>>
        tpu.enqueue_indirect_dma source(%dma_start3A_58 : memref<10000x128xf32, #tpu.memory_space<hbm>>) target(%arg10 : memref<128x128xf32, #tpu.memory_space<vmem>>) offsets(%dma_start3A_55 : memref<128xi32, #tpu.memory_space<vmem>>) semaphore(%arg12 : memref<!tpu.dma_semaphore, #tpu.memory_space<semaphore_mem>>)
        %dma_wait3A = arith.constant 0 : i32
        %dma_wait3A_59 = tpu.memref_slice %arg8[%scan3A_53, %dma_wait3A] : memref<80x128xi32, #tpu.memory_space<vmem>> -> memref<1x128xi32, #tpu.memory_space<vmem>>
        %dma_wait3A_60 = tpu.memref_squeeze %dma_wait3A_59 : memref<1x128xi32, #tpu.memory_space<vmem>> -> memref<128xi32, #tpu.memory_space<vmem>>
        %dma_wait3A_61 = arith.constant 0 : i32
        %dma_wait3A_62 = arith.constant 0 : i32
        %dma_wait3A_63 = tpu.memref_slice %arg2[%dma_wait3A_61, %dma_wait3A_62] : memref<10000x128xf32, #tpu.memory_space<hbm>> -> memref<10000x128xf32, #tpu.memory_space<hbm>>
        tpu.wait_indirect_dma semaphore(%arg12 : memref<!tpu.dma_semaphore, #tpu.memory_space<semaphore_mem>>) src(%dma_wait3A_63 : memref<10000x128xf32, #tpu.memory_space<hbm>>) dst(%arg10 : memref<128x128xf32, #tpu.memory_space<vmem>>)
        "tpu.region"() ({
          %run_scoped3A = tpu.sem_alloc : memref<!tpu.dma_semaphore, #tpu.memory_space<semaphore_mem>>
          %dma_start3A_64 = arith.constant 0 : i32
          %dma_start3A_65 = tpu.memref_slice %arg9[%scan3A_53, %dma_start3A_64] : memref<80x128xi32, #tpu.memory_space<vmem>> -> memref<1x128xi32, #tpu.memory_space<vmem>>
          %dma_start3A_66 = tpu.memref_squeeze %dma_start3A_65 : memref<1x128xi32, #tpu.memory_space<vmem>> -> memref<128xi32, #tpu.memory_space<vmem>>
          %dma_start3A_67 = arith.constant 0 : i32
          %dma_start3A_68 = arith.constant 0 : i32
          %dma_start3A_69 = tpu.memref_slice %arg11[%dma_start3A_67, %dma_start3A_68] : memref<10240x128xf32, #tpu.memory_space<vmem_shared>> -> memref<10240x128xf32, #tpu.memory_space<vmem_shared>>
          tpu.enqueue_indirect_dma source(%arg10 : memref<128x128xf32, #tpu.memory_space<vmem>>) target(%dma_start3A_69 : memref<10240x128xf32, #tpu.memory_space<vmem_shared>>) offsets(%dma_start3A_66 : memref<128xi32, #tpu.memory_space<vmem>>) semaphore(%run_scoped3A : memref<!tpu.dma_semaphore, #tpu.memory_space<semaphore_mem>>) {add = true}
          %dma_wait3A_70 = arith.constant 0 : i32
          %dma_wait3A_71 = tpu.memref_slice %arg9[%scan3A_53, %dma_wait3A_70] : memref<80x128xi32, #tpu.memory_space<vmem>> -> memref<1x128xi32, #tpu.memory_space<vmem>>
          %dma_wait3A_72 = tpu.memref_squeeze %dma_wait3A_71 : memref<1x128xi32, #tpu.memory_space<vmem>> -> memref<128xi32, #tpu.memory_space<vmem>>
          %dma_wait3A_73 = arith.constant 0 : i32
          %dma_wait3A_74 = arith.constant 0 : i32
          %dma_wait3A_75 = tpu.memref_slice %arg11[%dma_wait3A_73, %dma_wait3A_74] : memref<10240x128xf32, #tpu.memory_space<vmem_shared>> -> memref<10240x128xf32, #tpu.memory_space<vmem_shared>>
          tpu.wait_indirect_dma semaphore(%run_scoped3A : memref<!tpu.dma_semaphore, #tpu.memory_space<semaphore_mem>>) src(%arg10 : memref<128x128xf32, #tpu.memory_space<vmem>>) dst(%dma_wait3A_75 : memref<10240x128xf32, #tpu.memory_space<vmem_shared>>)
          tpu.yield
        }) : () -> ()
      }
      %scan3A_52 = arith.constant 80 : i32
    } else {
    }
    %eq3A_29 = arith.constant 1 : i32
    %eq3A_30 = arith.cmpi eq, %arg0, %eq3A_29 : i32
    %convert_element_type3A_31 = arith.extui %eq3A_30 : i1 to i32
    %cond3A_32 = arith.constant 0 : i32
    %cond3A_33 = arith.cmpi ne, %convert_element_type3A_31, %cond3A_32 : i32
    scf.if %cond3A_33 {
      %scan3A_47 = arith.constant 0 : i32
      %scan3A_48 = arith.constant 0 : i32
      %scan3A_49 = arith.constant 80 : i32
      %scan3A_50 = arith.addi %scan3A_48, %scan3A_49 : i32
      %scan3A_51 = arith.constant 1 : i32
      scf.for %scan3A_53 = %scan3A_48 to %scan3A_50 step %scan3A_51  : i32 {
        %dma_start3A = arith.constant 0 : i32
        %dma_start3A_54 = tpu.memref_slice %arg8[%scan3A_53, %dma_start3A] : memref<80x128xi32, #tpu.memory_space<vmem>> -> memref<1x128xi32, #tpu.memory_space<vmem>>
        %dma_start3A_55 = tpu.memref_squeeze %dma_start3A_54 : memref<1x128xi32, #tpu.memory_space<vmem>> -> memref<128xi32, #tpu.memory_space<vmem>>
        %dma_start3A_56 = arith.constant 0 : i32
        %dma_start3A_57 = arith.constant 0 : i32
        %dma_start3A_58 = tpu.memref_slice %arg3[%dma_start3A_56, %dma_start3A_57] : memref<10000x128xf32, #tpu.memory_space<hbm>> -> memref<10000x128xf32, #tpu.memory_space<hbm>>
        tpu.enqueue_indirect_dma source(%dma_start3A_58 : memref<10000x128xf32, #tpu.memory_space<hbm>>) target(%arg10 : memref<128x128xf32, #tpu.memory_space<vmem>>) offsets(%dma_start3A_55 : memref<128xi32, #tpu.memory_space<vmem>>) semaphore(%arg12 : memref<!tpu.dma_semaphore, #tpu.memory_space<semaphore_mem>>)
        %dma_wait3A = arith.constant 0 : i32
        %dma_wait3A_59 = tpu.memref_slice %arg8[%scan3A_53, %dma_wait3A] : memref<80x128xi32, #tpu.memory_space<vmem>> -> memref<1x128xi32, #tpu.memory_space<vmem>>
        %dma_wait3A_60 = tpu.memref_squeeze %dma_wait3A_59 : memref<1x128xi32, #tpu.memory_space<vmem>> -> memref<128xi32, #tpu.memory_space<vmem>>
        %dma_wait3A_61 = arith.constant 0 : i32
        %dma_wait3A_62 = arith.constant 0 : i32
        %dma_wait3A_63 = tpu.memref_slice %arg3[%dma_wait3A_61, %dma_wait3A_62] : memref<10000x128xf32, #tpu.memory_space<hbm>> -> memref<10000x128xf32, #tpu.memory_space<hbm>>
        tpu.wait_indirect_dma semaphore(%arg12 : memref<!tpu.dma_semaphore, #tpu.memory_space<semaphore_mem>>) src(%dma_wait3A_63 : memref<10000x128xf32, #tpu.memory_space<hbm>>) dst(%arg10 : memref<128x128xf32, #tpu.memory_space<vmem>>)
        "tpu.region"() ({
          %run_scoped3A = tpu.sem_alloc : memref<!tpu.dma_semaphore, #tpu.memory_space<semaphore_mem>>
          %dma_start3A_64 = arith.constant 0 : i32
          %dma_start3A_65 = tpu.memref_slice %arg9[%scan3A_53, %dma_start3A_64] : memref<80x128xi32, #tpu.memory_space<vmem>> -> memref<1x128xi32, #tpu.memory_space<vmem>>
          %dma_start3A_66 = tpu.memref_squeeze %dma_start3A_65 : memref<1x128xi32, #tpu.memory_space<vmem>> -> memref<128xi32, #tpu.memory_space<vmem>>
          %dma_start3A_67 = arith.constant 0 : i32
          %dma_start3A_68 = arith.constant 0 : i32
          %dma_start3A_69 = tpu.memref_slice %arg11[%dma_start3A_67, %dma_start3A_68] : memref<10240x128xf32, #tpu.memory_space<vmem_shared>> -> memref<10240x128xf32, #tpu.memory_space<vmem_shared>>
          tpu.enqueue_indirect_dma source(%arg10 : memref<128x128xf32, #tpu.memory_space<vmem>>) target(%dma_start3A_69 : memref<10240x128xf32, #tpu.memory_space<vmem_shared>>) offsets(%dma_start3A_66 : memref<128xi32, #tpu.memory_space<vmem>>) semaphore(%run_scoped3A : memref<!tpu.dma_semaphore, #tpu.memory_space<semaphore_mem>>) {add = true}
          %dma_wait3A_70 = arith.constant 0 : i32
          %dma_wait3A_71 = tpu.memref_slice %arg9[%scan3A_53, %dma_wait3A_70] : memref<80x128xi32, #tpu.memory_space<vmem>> -> memref<1x128xi32, #tpu.memory_space<vmem>>
          %dma_wait3A_72 = tpu.memref_squeeze %dma_wait3A_71 : memref<1x128xi32, #tpu.memory_space<vmem>> -> memref<128xi32, #tpu.memory_space<vmem>>
          %dma_wait3A_73 = arith.constant 0 : i32
          %dma_wait3A_74 = arith.constant 0 : i32
          %dma_wait3A_75 = tpu.memref_slice %arg11[%dma_wait3A_73, %dma_wait3A_74] : memref<10240x128xf32, #tpu.memory_space<vmem_shared>> -> memref<10240x128xf32, #tpu.memory_space<vmem_shared>>
          tpu.wait_indirect_dma semaphore(%run_scoped3A : memref<!tpu.dma_semaphore, #tpu.memory_space<semaphore_mem>>) src(%arg10 : memref<128x128xf32, #tpu.memory_space<vmem>>) dst(%dma_wait3A_75 : memref<10240x128xf32, #tpu.memory_space<vmem_shared>>)
          tpu.yield
        }) : () -> ()
      }
      %scan3A_52 = arith.constant 80 : i32
    } else {
    }
    %barrier3A_34 = arith.constant 0 : index
    tpu.barrier barrier_id(%barrier3A_34)
    %mul3A_35 = arith.constant 640 : i32
    %mul3A_36 = arith.muli %arg1, %mul3A_35 : i32
    %eq3A_37 = arith.constant 0 : i32
    %eq3A_38 = arith.cmpi eq, %arg0, %eq3A_37 : i32
    %convert_element_type3A_39 = arith.extui %eq3A_38 : i1 to i32
    %cond3A_40 = arith.constant 0 : i32
    %cond3A_41 = arith.cmpi ne, %convert_element_type3A_39, %cond3A_40 : i32
    scf.if %cond3A_41 {
      "tpu.region"() ({
        %run_scoped3A = tpu.sem_alloc : memref<!tpu.dma_semaphore, #tpu.memory_space<semaphore_mem>>
        %dma_start3A = arith.constant 0 : i32
        %dma_start3A_47 = tpu.memref_slice %arg6[%mul3A_36, %dma_start3A] : memref<10240x128xf32, #tpu.memory_space<hbm>> -> memref<640x128xf32, #tpu.memory_space<hbm>>
        %dma_start3A_48 = arith.constant 0 : i32
        %dma_start3A_49 = tpu.memref_slice %arg11[%mul3A_36, %dma_start3A_48] : memref<10240x128xf32, #tpu.memory_space<vmem_shared>> -> memref<640x128xf32, #tpu.memory_space<vmem_shared>>
        tpu.enqueue_dma source(%dma_start3A_49 : memref<640x128xf32, #tpu.memory_space<vmem_shared>>) target(%dma_start3A_47 : memref<640x128xf32, #tpu.memory_space<hbm>>) target_semaphore(%run_scoped3A : memref<!tpu.dma_semaphore, #tpu.memory_space<semaphore_mem>>)
        %dma_wait3A = arith.constant 0 : i32
        %dma_wait3A_50 = tpu.memref_slice %arg6[%mul3A_36, %dma_wait3A] : memref<10240x128xf32, #tpu.memory_space<hbm>> -> memref<640x128xf32, #tpu.memory_space<hbm>>
        %dma_wait3A_51 = arith.constant 0 : i32
        %dma_wait3A_52 = tpu.memref_slice %arg11[%mul3A_36, %dma_wait3A_51] : memref<10240x128xf32, #tpu.memory_space<vmem_shared>> -> memref<640x128xf32, #tpu.memory_space<vmem_shared>>
        tpu.wait_dma2 semaphore(%run_scoped3A : memref<!tpu.dma_semaphore, #tpu.memory_space<semaphore_mem>>) src(%dma_wait3A_52 : memref<640x128xf32, #tpu.memory_space<vmem_shared>>) dst(%dma_wait3A_50 : memref<640x128xf32, #tpu.memory_space<hbm>>)
        tpu.yield
      }) : () -> ()
    } else {
    }
    %eq3A_42 = arith.constant 1 : i32
    %eq3A_43 = arith.cmpi eq, %arg0, %eq3A_42 : i32
    %convert_element_type3A_44 = arith.extui %eq3A_43 : i1 to i32
    %cond3A_45 = arith.constant 0 : i32
    %cond3A_46 = arith.cmpi ne, %convert_element_type3A_44, %cond3A_45 : i32
    scf.if %cond3A_46 {
      "tpu.region"() ({
        %run_scoped3A = tpu.sem_alloc : memref<!tpu.dma_semaphore, #tpu.memory_space<semaphore_mem>>
        %dma_start3A = arith.constant 0 : i32
        %dma_start3A_47 = tpu.memref_slice %arg7[%mul3A_36, %dma_start3A] : memref<10240x128xf32, #tpu.memory_space<hbm>> -> memref<640x128xf32, #tpu.memory_space<hbm>>
        %dma_start3A_48 = arith.constant 0 : i32
        %dma_start3A_49 = tpu.memref_slice %arg11[%mul3A_36, %dma_start3A_48] : memref<10240x128xf32, #tpu.memory_space<vmem_shared>> -> memref<640x128xf32, #tpu.memory_space<vmem_shared>>
        tpu.enqueue_dma source(%dma_start3A_49 : memref<640x128xf32, #tpu.memory_space<vmem_shared>>) target(%dma_start3A_47 : memref<640x128xf32, #tpu.memory_space<hbm>>) target_semaphore(%run_scoped3A : memref<!tpu.dma_semaphore, #tpu.memory_space<semaphore_mem>>)
        %dma_wait3A = arith.constant 0 : i32
        %dma_wait3A_50 = tpu.memref_slice %arg7[%mul3A_36, %dma_wait3A] : memref<10240x128xf32, #tpu.memory_space<hbm>> -> memref<640x128xf32, #tpu.memory_space<hbm>>
        %dma_wait3A_51 = arith.constant 0 : i32
        %dma_wait3A_52 = tpu.memref_slice %arg11[%mul3A_36, %dma_wait3A_51] : memref<10240x128xf32, #tpu.memory_space<vmem_shared>> -> memref<640x128xf32, #tpu.memory_space<vmem_shared>>
        tpu.wait_dma2 semaphore(%run_scoped3A : memref<!tpu.dma_semaphore, #tpu.memory_space<semaphore_mem>>) src(%dma_wait3A_52 : memref<640x128xf32, #tpu.memory_space<vmem_shared>>) dst(%dma_wait3A_50 : memref<640x128xf32, #tpu.memory_space<hbm>>)
        tpu.yield
      }) : () -> ()
    } else {
    }
    return
  }
}

#map = affine_map<(d0, d1) -> (0, 0)>
module attributes {stable_mosaic.version = 14 : i64} {
  func.func @_sc_agg_body(%arg0: i32, %arg1: i32, %arg2: memref<10000x128xf32, #tpu.memory_space<hbm>>, %arg3: memref<10000x128xf32, #tpu.memory_space<hbm>>, %arg4: memref<1280x128xi32, #tpu.memory_space<hbm>>, %arg5: memref<1280x128xi32, #tpu.memory_space<hbm>>, %arg6: memref<10240x128xf32, #tpu.memory_space<hbm>>, %arg7: memref<10240x128xf32, #tpu.memory_space<hbm>>, %arg8: memref<80x128xi32, #tpu.memory_space<vmem>>, %arg9: memref<80x128xi32, #tpu.memory_space<vmem>>, %arg10: memref<128x128xf32, #tpu.memory_space<vmem>>, %arg11: memref<10240x128xf32, #tpu.memory_space<vmem_shared>>, %arg12: memref<!tpu.dma_semaphore, #tpu.memory_space<semaphore_mem>>) attributes {dimension_semantics = [#tpu.dimension_semantics<core_parallel>, #tpu.dimension_semantics<subcore_parallel>], iteration_bounds = array<i64: 2, 16>, scalar_prefetch = 0 : i64, scratch_operands = 5 : i64, tpu.core_type = #tpu.core_type<sc_vector_subcore>, window_params = [{transform_indices = #map}, {transform_indices = #map}, {transform_indices = #map}, {transform_indices = #map}, {transform_indices = #map}, {transform_indices = #map}]} {
    %mul3A = arith.constant 80 : i32
    %mul3A_0 = arith.muli %arg1, %mul3A : i32
    "tpu.region"() ({
      %run_scoped3A = tpu.sem_alloc : memref<!tpu.dma_semaphore, #tpu.memory_space<semaphore_mem>>
      %dma_start3A = arith.constant 0 : i32
      %dma_start3A_47 = tpu.memref_slice %arg4[%mul3A_0, %dma_start3A] : memref<1280x128xi32, #tpu.memory_space<hbm>> -> memref<80x128xi32, #tpu.memory_space<hbm>>
      %dma_start3A_48 = arith.constant 0 : i32
      %dma_start3A_49 = tpu.memref_slice %arg4[%mul3A_0, %dma_start3A_48] : memref<1280x128xi32, #tpu.memory_space<hbm>> -> memref<80x128xi32, #tpu.memory_space<hbm>>
      tpu.enqueue_dma source(%dma_start3A_49 : memref<80x128xi32, #tpu.memory_space<hbm>>) target(%arg8 : memref<80x128xi32, #tpu.memory_space<vmem>>) target_semaphore(%run_scoped3A : memref<!tpu.dma_semaphore, #tpu.memory_space<semaphore_mem>>)
      %dma_wait3A = arith.constant 0 : i32
      %dma_wait3A_50 = tpu.memref_slice %arg4[%mul3A_0, %dma_wait3A] : memref<1280x128xi32, #tpu.memory_space<hbm>> -> memref<80x128xi32, #tpu.memory_space<hbm>>
      %dma_wait3A_51 = arith.constant 0 : i32
      %dma_wait3A_52 = tpu.memref_slice %arg4[%mul3A_0, %dma_wait3A_51] : memref<1280x128xi32, #tpu.memory_space<hbm>> -> memref<80x128xi32, #tpu.memory_space<hbm>>
      tpu.wait_dma2 semaphore(%run_scoped3A : memref<!tpu.dma_semaphore, #tpu.memory_space<semaphore_mem>>) src(%dma_wait3A_52 : memref<80x128xi32, #tpu.memory_space<hbm>>) dst(%arg8 : memref<80x128xi32, #tpu.memory_space<vmem>>)
      tpu.yield
    }) : () -> ()
    %mul3A_1 = arith.constant 80 : i32
    %mul3A_2 = arith.muli %arg1, %mul3A_1 : i32
    "tpu.region"() ({
      %run_scoped3A = tpu.sem_alloc : memref<!tpu.dma_semaphore, #tpu.memory_space<semaphore_mem>>
      %dma_start3A = arith.constant 0 : i32
      %dma_start3A_47 = tpu.memref_slice %arg5[%mul3A_2, %dma_start3A] : memref<1280x128xi32, #tpu.memory_space<hbm>> -> memref<80x128xi32, #tpu.memory_space<hbm>>
      %dma_start3A_48 = arith.constant 0 : i32
      %dma_start3A_49 = tpu.memref_slice %arg5[%mul3A_2, %dma_start3A_48] : memref<1280x128xi32, #tpu.memory_space<hbm>> -> memref<80x128xi32, #tpu.memory_space<hbm>>
      tpu.enqueue_dma source(%dma_start3A_49 : memref<80x128xi32, #tpu.memory_space<hbm>>) target(%arg9 : memref<80x128xi32, #tpu.memory_space<vmem>>) target_semaphore(%run_scoped3A : memref<!tpu.dma_semaphore, #tpu.memory_space<semaphore_mem>>)
      %dma_wait3A = arith.constant 0 : i32
      %dma_wait3A_50 = tpu.memref_slice %arg5[%mul3A_2, %dma_wait3A] : memref<1280x128xi32, #tpu.memory_space<hbm>> -> memref<80x128xi32, #tpu.memory_space<hbm>>
      %dma_wait3A_51 = arith.constant 0 : i32
      %dma_wait3A_52 = tpu.memref_slice %arg5[%mul3A_2, %dma_wait3A_51] : memref<1280x128xi32, #tpu.memory_space<hbm>> -> memref<80x128xi32, #tpu.memory_space<hbm>>
      tpu.wait_dma2 semaphore(%run_scoped3A : memref<!tpu.dma_semaphore, #tpu.memory_space<semaphore_mem>>) src(%dma_wait3A_52 : memref<80x128xi32, #tpu.memory_space<hbm>>) dst(%arg9 : memref<80x128xi32, #tpu.memory_space<vmem>>)
      tpu.yield
    }) : () -> ()
    %scan3A = arith.constant 0 : i32
    %scan3A_3 = arith.constant 0 : i32
    %scan3A_4 = arith.constant 128 : i32
    %scan3A_5 = arith.addi %scan3A_3, %scan3A_4 : i32
    %scan3A_6 = arith.constant 1 : i32
    scf.for %scan3A_47 = %scan3A_3 to %scan3A_5 step %scan3A_6  : i32 {
      %broadcast_in_dim3A = arith.constant 0.000000e+00 : f32
      %broadcast_in_dim3A_48 = vector.broadcast %broadcast_in_dim3A : f32 to vector<16xf32>
      %swap3A = arith.index_cast %scan3A_47 : i32 to index
      %swap3A_49 = arith.constant 0 : index
      %swap3A_50 = tpu.vector_load %arg10[%swap3A, %swap3A_49] {strides = array<i32>} : memref<128x128xf32, #tpu.memory_space<vmem>>, vector<1x16xf32>,
      %swap3A_51 = vector.shape_cast %swap3A_50 : vector<1x16xf32> to vector<16xf32>
      %swap3A_52 = vector.shape_cast %broadcast_in_dim3A_48 : vector<16xf32> to vector<1x16xf32>
      tpu.vector_store %arg10[%swap3A, %swap3A_49], %swap3A_52 {strides = array<i32>} : memref<128x128xf32, #tpu.memory_space<vmem>>, vector<1x16xf32>,
      %broadcast_in_dim3A_53 = arith.constant 0.000000e+00 : f32
      %broadcast_in_dim3A_54 = vector.broadcast %broadcast_in_dim3A_53 : f32 to vector<16xf32>
      %swap3A_55 = arith.index_cast %scan3A_47 : i32 to index
      %swap3A_56 = arith.constant 16 : index
      %swap3A_57 = tpu.vector_load %arg10[%swap3A_55, %swap3A_56] {strides = array<i32>} : memref<128x128xf32, #tpu.memory_space<vmem>>, vector<1x16xf32>,
      %swap3A_58 = vector.shape_cast %swap3A_57 : vector<1x16xf32> to vector<16xf32>
      %swap3A_59 = vector.shape_cast %broadcast_in_dim3A_54 : vector<16xf32> to vector<1x16xf32>
      tpu.vector_store %arg10[%swap3A_55, %swap3A_56], %swap3A_59 {strides = array<i32>} : memref<128x128xf32, #tpu.memory_space<vmem>>, vector<1x16xf32>,
      %broadcast_in_dim3A_60 = arith.constant 0.000000e+00 : f32
      %broadcast_in_dim3A_61 = vector.broadcast %broadcast_in_dim3A_60 : f32 to vector<16xf32>
      %swap3A_62 = arith.index_cast %scan3A_47 : i32 to index
      %swap3A_63 = arith.constant 32 : index
      %swap3A_64 = tpu.vector_load %arg10[%swap3A_62, %swap3A_63] {strides = array<i32>} : memref<128x128xf32, #tpu.memory_space<vmem>>, vector<1x16xf32>,
      %swap3A_65 = vector.shape_cast %swap3A_64 : vector<1x16xf32> to vector<16xf32>
      %swap3A_66 = vector.shape_cast %broadcast_in_dim3A_61 : vector<16xf32> to vector<1x16xf32>
      tpu.vector_store %arg10[%swap3A_62, %swap3A_63], %swap3A_66 {strides = array<i32>} : memref<128x128xf32, #tpu.memory_space<vmem>>, vector<1x16xf32>,
      %broadcast_in_dim3A_67 = arith.constant 0.000000e+00 : f32
      %broadcast_in_dim3A_68 = vector.broadcast %broadcast_in_dim3A_67 : f32 to vector<16xf32>
      %swap3A_69 = arith.index_cast %scan3A_47 : i32 to index
      %swap3A_70 = arith.constant 48 : index
      %swap3A_71 = tpu.vector_load %arg10[%swap3A_69, %swap3A_70] {strides = array<i32>} : memref<128x128xf32, #tpu.memory_space<vmem>>, vector<1x16xf32>,
      %swap3A_72 = vector.shape_cast %swap3A_71 : vector<1x16xf32> to vector<16xf32>
      %swap3A_73 = vector.shape_cast %broadcast_in_dim3A_68 : vector<16xf32> to vector<1x16xf32>
      tpu.vector_store %arg10[%swap3A_69, %swap3A_70], %swap3A_73 {strides = array<i32>} : memref<128x128xf32, #tpu.memory_space<vmem>>, vector<1x16xf32>,
      %broadcast_in_dim3A_74 = arith.constant 0.000000e+00 : f32
      %broadcast_in_dim3A_75 = vector.broadcast %broadcast_in_dim3A_74 : f32 to vector<16xf32>
      %swap3A_76 = arith.index_cast %scan3A_47 : i32 to index
      %swap3A_77 = arith.constant 64 : index
      %swap3A_78 = tpu.vector_load %arg10[%swap3A_76, %swap3A_77] {strides = array<i32>} : memref<128x128xf32, #tpu.memory_space<vmem>>, vector<1x16xf32>,
      %swap3A_79 = vector.shape_cast %swap3A_78 : vector<1x16xf32> to vector<16xf32>
      %swap3A_80 = vector.shape_cast %broadcast_in_dim3A_75 : vector<16xf32> to vector<1x16xf32>
      tpu.vector_store %arg10[%swap3A_76, %swap3A_77], %swap3A_80 {strides = array<i32>} : memref<128x128xf32, #tpu.memory_space<vmem>>, vector<1x16xf32>,
      %broadcast_in_dim3A_81 = arith.constant 0.000000e+00 : f32
      %broadcast_in_dim3A_82 = vector.broadcast %broadcast_in_dim3A_81 : f32 to vector<16xf32>
      %swap3A_83 = arith.index_cast %scan3A_47 : i32 to index
      %swap3A_84 = arith.constant 80 : index
      %swap3A_85 = tpu.vector_load %arg10[%swap3A_83, %swap3A_84] {strides = array<i32>} : memref<128x128xf32, #tpu.memory_space<vmem>>, vector<1x16xf32>,
      %swap3A_86 = vector.shape_cast %swap3A_85 : vector<1x16xf32> to vector<16xf32>
      %swap3A_87 = vector.shape_cast %broadcast_in_dim3A_82 : vector<16xf32> to vector<1x16xf32>
      tpu.vector_store %arg10[%swap3A_83, %swap3A_84], %swap3A_87 {strides = array<i32>} : memref<128x128xf32, #tpu.memory_space<vmem>>, vector<1x16xf32>,
      %broadcast_in_dim3A_88 = arith.constant 0.000000e+00 : f32
      %broadcast_in_dim3A_89 = vector.broadcast %broadcast_in_dim3A_88 : f32 to vector<16xf32>
      %swap3A_90 = arith.index_cast %scan3A_47 : i32 to index
      %swap3A_91 = arith.constant 96 : index
      %swap3A_92 = tpu.vector_load %arg10[%swap3A_90, %swap3A_91] {strides = array<i32>} : memref<128x128xf32, #tpu.memory_space<vmem>>, vector<1x16xf32>,
      %swap3A_93 = vector.shape_cast %swap3A_92 : vector<1x16xf32> to vector<16xf32>
      %swap3A_94 = vector.shape_cast %broadcast_in_dim3A_89 : vector<16xf32> to vector<1x16xf32>
      tpu.vector_store %arg10[%swap3A_90, %swap3A_91], %swap3A_94 {strides = array<i32>} : memref<128x128xf32, #tpu.memory_space<vmem>>, vector<1x16xf32>,
      %broadcast_in_dim3A_95 = arith.constant 0.000000e+00 : f32
      %broadcast_in_dim3A_96 = vector.broadcast %broadcast_in_dim3A_95 : f32 to vector<16xf32>
      %swap3A_97 = arith.index_cast %scan3A_47 : i32 to index
      %swap3A_98 = arith.constant 112 : index
      %swap3A_99 = tpu.vector_load %arg10[%swap3A_97, %swap3A_98] {strides = array<i32>} : memref<128x128xf32, #tpu.memory_space<vmem>>, vector<1x16xf32>,
      %swap3A_100 = vector.shape_cast %swap3A_99 : vector<1x16xf32> to vector<16xf32>
      %swap3A_101 = vector.shape_cast %broadcast_in_dim3A_96 : vector<16xf32> to vector<1x16xf32>
      tpu.vector_store %arg10[%swap3A_97, %swap3A_98], %swap3A_101 {strides = array<i32>} : memref<128x128xf32, #tpu.memory_space<vmem>>, vector<1x16xf32>,
    }
    %scan3A_7 = arith.constant 128 : i32
    %mul3A_8 = arith.constant 640 : i32
    %mul3A_9 = arith.muli %arg1, %mul3A_8 : i32
    %add3A = arith.constant 0 : i32
    %add3A_10 = arith.addi %mul3A_9, %add3A : i32
    "tpu.region"() ({
      %run_scoped3A = tpu.sem_alloc : memref<!tpu.dma_semaphore, #tpu.memory_space<semaphore_mem>>
      %dma_start3A = arith.constant 0 : i32
      %dma_start3A_47 = tpu.memref_slice %arg11[%add3A_10, %dma_start3A] : memref<10240x128xf32, #tpu.memory_space<vmem_shared>> -> memref<128x128xf32, #tpu.memory_space<vmem_shared>>
      %dma_start3A_48 = arith.constant 0 : i32
      %dma_start3A_49 = tpu.memref_slice %arg11[%add3A_10, %dma_start3A_48] : memref<10240x128xf32, #tpu.memory_space<vmem_shared>> -> memref<128x128xf32, #tpu.memory_space<vmem_shared>>
      tpu.enqueue_dma source(%arg10 : memref<128x128xf32, #tpu.memory_space<vmem>>) target(%dma_start3A_49 : memref<128x128xf32, #tpu.memory_space<vmem_shared>>) target_semaphore(%run_scoped3A : memref<!tpu.dma_semaphore, #tpu.memory_space<semaphore_mem>>)
      %dma_wait3A = arith.constant 0 : i32
      %dma_wait3A_50 = tpu.memref_slice %arg11[%add3A_10, %dma_wait3A] : memref<10240x128xf32, #tpu.memory_space<vmem_shared>> -> memref<128x128xf32, #tpu.memory_space<vmem_shared>>
      %dma_wait3A_51 = arith.constant 0 : i32
      %dma_wait3A_52 = tpu.memref_slice %arg11[%add3A_10, %dma_wait3A_51] : memref<10240x128xf32, #tpu.memory_space<vmem_shared>> -> memref<128x128xf32, #tpu.memory_space<vmem_shared>>
      tpu.wait_dma2 semaphore(%run_scoped3A : memref<!tpu.dma_semaphore, #tpu.memory_space<semaphore_mem>>) src(%arg10 : memref<128x128xf32, #tpu.memory_space<vmem>>) dst(%dma_wait3A_52 : memref<128x128xf32, #tpu.memory_space<vmem_shared>>)
      tpu.yield
    }) : () -> ()
    %mul3A_11 = arith.constant 640 : i32
    %mul3A_12 = arith.muli %arg1, %mul3A_11 : i32
    %add3A_13 = arith.constant 128 : i32
    %add3A_14 = arith.addi %mul3A_12, %add3A_13 : i32
    "tpu.region"() ({
      %run_scoped3A = tpu.sem_alloc : memref<!tpu.dma_semaphore, #tpu.memory_space<semaphore_mem>>
      %dma_start3A = arith.constant 0 : i32
      %dma_start3A_47 = tpu.memref_slice %arg11[%add3A_14, %dma_start3A] : memref<10240x128xf32, #tpu.memory_space<vmem_shared>> -> memref<128x128xf32, #tpu.memory_space<vmem_shared>>
      %dma_start3A_48 = arith.constant 0 : i32
      %dma_start3A_49 = tpu.memref_slice %arg11[%add3A_14, %dma_start3A_48] : memref<10240x128xf32, #tpu.memory_space<vmem_shared>> -> memref<128x128xf32, #tpu.memory_space<vmem_shared>>
      tpu.enqueue_dma source(%arg10 : memref<128x128xf32, #tpu.memory_space<vmem>>) target(%dma_start3A_49 : memref<128x128xf32, #tpu.memory_space<vmem_shared>>) target_semaphore(%run_scoped3A : memref<!tpu.dma_semaphore, #tpu.memory_space<semaphore_mem>>)
      %dma_wait3A = arith.constant 0 : i32
      %dma_wait3A_50 = tpu.memref_slice %arg11[%add3A_14, %dma_wait3A] : memref<10240x128xf32, #tpu.memory_space<vmem_shared>> -> memref<128x128xf32, #tpu.memory_space<vmem_shared>>
      %dma_wait3A_51 = arith.constant 0 : i32
      %dma_wait3A_52 = tpu.memref_slice %arg11[%add3A_14, %dma_wait3A_51] : memref<10240x128xf32, #tpu.memory_space<vmem_shared>> -> memref<128x128xf32, #tpu.memory_space<vmem_shared>>
      tpu.wait_dma2 semaphore(%run_scoped3A : memref<!tpu.dma_semaphore, #tpu.memory_space<semaphore_mem>>) src(%arg10 : memref<128x128xf32, #tpu.memory_space<vmem>>) dst(%dma_wait3A_52 : memref<128x128xf32, #tpu.memory_space<vmem_shared>>)
      tpu.yield
    }) : () -> ()
    %mul3A_15 = arith.constant 640 : i32
    %mul3A_16 = arith.muli %arg1, %mul3A_15 : i32
    %add3A_17 = arith.constant 256 : i32
    %add3A_18 = arith.addi %mul3A_16, %add3A_17 : i32
    "tpu.region"() ({
      %run_scoped3A = tpu.sem_alloc : memref<!tpu.dma_semaphore, #tpu.memory_space<semaphore_mem>>
      %dma_start3A = arith.constant 0 : i32
      %dma_start3A_47 = tpu.memref_slice %arg11[%add3A_18, %dma_start3A] : memref<10240x128xf32, #tpu.memory_space<vmem_shared>> -> memref<128x128xf32, #tpu.memory_space<vmem_shared>>
      %dma_start3A_48 = arith.constant 0 : i32
      %dma_start3A_49 = tpu.memref_slice %arg11[%add3A_18, %dma_start3A_48] : memref<10240x128xf32, #tpu.memory_space<vmem_shared>> -> memref<128x128xf32, #tpu.memory_space<vmem_shared>>
      tpu.enqueue_dma source(%arg10 : memref<128x128xf32, #tpu.memory_space<vmem>>) target(%dma_start3A_49 : memref<128x128xf32, #tpu.memory_space<vmem_shared>>) target_semaphore(%run_scoped3A : memref<!tpu.dma_semaphore, #tpu.memory_space<semaphore_mem>>)
      %dma_wait3A = arith.constant 0 : i32
      %dma_wait3A_50 = tpu.memref_slice %arg11[%add3A_18, %dma_wait3A] : memref<10240x128xf32, #tpu.memory_space<vmem_shared>> -> memref<128x128xf32, #tpu.memory_space<vmem_shared>>
      %dma_wait3A_51 = arith.constant 0 : i32
      %dma_wait3A_52 = tpu.memref_slice %arg11[%add3A_18, %dma_wait3A_51] : memref<10240x128xf32, #tpu.memory_space<vmem_shared>> -> memref<128x128xf32, #tpu.memory_space<vmem_shared>>
      tpu.wait_dma2 semaphore(%run_scoped3A : memref<!tpu.dma_semaphore, #tpu.memory_space<semaphore_mem>>) src(%arg10 : memref<128x128xf32, #tpu.memory_space<vmem>>) dst(%dma_wait3A_52 : memref<128x128xf32, #tpu.memory_space<vmem_shared>>)
      tpu.yield
    }) : () -> ()
    %mul3A_19 = arith.constant 640 : i32
    %mul3A_20 = arith.muli %arg1, %mul3A_19 : i32
    %add3A_21 = arith.constant 384 : i32
    %add3A_22 = arith.addi %mul3A_20, %add3A_21 : i32
    "tpu.region"() ({
      %run_scoped3A = tpu.sem_alloc : memref<!tpu.dma_semaphore, #tpu.memory_space<semaphore_mem>>
      %dma_start3A = arith.constant 0 : i32
      %dma_start3A_47 = tpu.memref_slice %arg11[%add3A_22, %dma_start3A] : memref<10240x128xf32, #tpu.memory_space<vmem_shared>> -> memref<128x128xf32, #tpu.memory_space<vmem_shared>>
      %dma_start3A_48 = arith.constant 0 : i32
      %dma_start3A_49 = tpu.memref_slice %arg11[%add3A_22, %dma_start3A_48] : memref<10240x128xf32, #tpu.memory_space<vmem_shared>> -> memref<128x128xf32, #tpu.memory_space<vmem_shared>>
      tpu.enqueue_dma source(%arg10 : memref<128x128xf32, #tpu.memory_space<vmem>>) target(%dma_start3A_49 : memref<128x128xf32, #tpu.memory_space<vmem_shared>>) target_semaphore(%run_scoped3A : memref<!tpu.dma_semaphore, #tpu.memory_space<semaphore_mem>>)
      %dma_wait3A = arith.constant 0 : i32
      %dma_wait3A_50 = tpu.memref_slice %arg11[%add3A_22, %dma_wait3A] : memref<10240x128xf32, #tpu.memory_space<vmem_shared>> -> memref<128x128xf32, #tpu.memory_space<vmem_shared>>
      %dma_wait3A_51 = arith.constant 0 : i32
      %dma_wait3A_52 = tpu.memref_slice %arg11[%add3A_22, %dma_wait3A_51] : memref<10240x128xf32, #tpu.memory_space<vmem_shared>> -> memref<128x128xf32, #tpu.memory_space<vmem_shared>>
      tpu.wait_dma2 semaphore(%run_scoped3A : memref<!tpu.dma_semaphore, #tpu.memory_space<semaphore_mem>>) src(%arg10 : memref<128x128xf32, #tpu.memory_space<vmem>>) dst(%dma_wait3A_52 : memref<128x128xf32, #tpu.memory_space<vmem_shared>>)
      tpu.yield
    }) : () -> ()
    %mul3A_23 = arith.constant 640 : i32
    %mul3A_24 = arith.muli %arg1, %mul3A_23 : i32
    %add3A_25 = arith.constant 512 : i32
    %add3A_26 = arith.addi %mul3A_24, %add3A_25 : i32
    "tpu.region"() ({
      %run_scoped3A = tpu.sem_alloc : memref<!tpu.dma_semaphore, #tpu.memory_space<semaphore_mem>>
      %dma_start3A = arith.constant 0 : i32
      %dma_start3A_47 = tpu.memref_slice %arg11[%add3A_26, %dma_start3A] : memref<10240x128xf32, #tpu.memory_space<vmem_shared>> -> memref<128x128xf32, #tpu.memory_space<vmem_shared>>
      %dma_start3A_48 = arith.constant 0 : i32
      %dma_start3A_49 = tpu.memref_slice %arg11[%add3A_26, %dma_start3A_48] : memref<10240x128xf32, #tpu.memory_space<vmem_shared>> -> memref<128x128xf32, #tpu.memory_space<vmem_shared>>
      tpu.enqueue_dma source(%arg10 : memref<128x128xf32, #tpu.memory_space<vmem>>) target(%dma_start3A_49 : memref<128x128xf32, #tpu.memory_space<vmem_shared>>) target_semaphore(%run_scoped3A : memref<!tpu.dma_semaphore, #tpu.memory_space<semaphore_mem>>)
      %dma_wait3A = arith.constant 0 : i32
      %dma_wait3A_50 = tpu.memref_slice %arg11[%add3A_26, %dma_wait3A] : memref<10240x128xf32, #tpu.memory_space<vmem_shared>> -> memref<128x128xf32, #tpu.memory_space<vmem_shared>>
      %dma_wait3A_51 = arith.constant 0 : i32
      %dma_wait3A_52 = tpu.memref_slice %arg11[%add3A_26, %dma_wait3A_51] : memref<10240x128xf32, #tpu.memory_space<vmem_shared>> -> memref<128x128xf32, #tpu.memory_space<vmem_shared>>
      tpu.wait_dma2 semaphore(%run_scoped3A : memref<!tpu.dma_semaphore, #tpu.memory_space<semaphore_mem>>) src(%arg10 : memref<128x128xf32, #tpu.memory_space<vmem>>) dst(%dma_wait3A_52 : memref<128x128xf32, #tpu.memory_space<vmem_shared>>)
      tpu.yield
    }) : () -> ()
    %barrier3A = arith.constant 0 : index
    tpu.barrier barrier_id(%barrier3A)
    %eq3A = arith.constant 0 : i32
    %eq3A_27 = arith.cmpi eq, %arg0, %eq3A : i32
    %convert_element_type3A = arith.extui %eq3A_27 : i1 to i32
    %cond3A = arith.constant 0 : i32
    %cond3A_28 = arith.cmpi ne, %convert_element_type3A, %cond3A : i32
    scf.if %cond3A_28 {
      %scan3A_47 = arith.constant 0 : i32
      %scan3A_48 = arith.constant 0 : i32
      %scan3A_49 = arith.constant 80 : i32
      %scan3A_50 = arith.addi %scan3A_48, %scan3A_49 : i32
      %scan3A_51 = arith.constant 1 : i32
      scf.for %scan3A_53 = %scan3A_48 to %scan3A_50 step %scan3A_51  : i32 {
        %dma_start3A = arith.constant 0 : i32
        %dma_start3A_54 = tpu.memref_slice %arg8[%scan3A_53, %dma_start3A] : memref<80x128xi32, #tpu.memory_space<vmem>> -> memref<1x128xi32, #tpu.memory_space<vmem>>
        %dma_start3A_55 = tpu.memref_squeeze %dma_start3A_54 : memref<1x128xi32, #tpu.memory_space<vmem>> -> memref<128xi32, #tpu.memory_space<vmem>>
        %dma_start3A_56 = arith.constant 0 : i32
        %dma_start3A_57 = arith.constant 0 : i32
        %dma_start3A_58 = tpu.memref_slice %arg2[%dma_start3A_56, %dma_start3A_57] : memref<10000x128xf32, #tpu.memory_space<hbm>> -> memref<10000x128xf32, #tpu.memory_space<hbm>>
        tpu.enqueue_indirect_dma source(%dma_start3A_58 : memref<10000x128xf32, #tpu.memory_space<hbm>>) target(%arg10 : memref<128x128xf32, #tpu.memory_space<vmem>>) offsets(%dma_start3A_55 : memref<128xi32, #tpu.memory_space<vmem>>) semaphore(%arg12 : memref<!tpu.dma_semaphore, #tpu.memory_space<semaphore_mem>>)
        %dma_wait3A = arith.constant 0 : i32
        %dma_wait3A_59 = tpu.memref_slice %arg8[%scan3A_53, %dma_wait3A] : memref<80x128xi32, #tpu.memory_space<vmem>> -> memref<1x128xi32, #tpu.memory_space<vmem>>
        %dma_wait3A_60 = tpu.memref_squeeze %dma_wait3A_59 : memref<1x128xi32, #tpu.memory_space<vmem>> -> memref<128xi32, #tpu.memory_space<vmem>>
        %dma_wait3A_61 = arith.constant 0 : i32
        %dma_wait3A_62 = arith.constant 0 : i32
        %dma_wait3A_63 = tpu.memref_slice %arg2[%dma_wait3A_61, %dma_wait3A_62] : memref<10000x128xf32, #tpu.memory_space<hbm>> -> memref<10000x128xf32, #tpu.memory_space<hbm>>
        tpu.wait_indirect_dma semaphore(%arg12 : memref<!tpu.dma_semaphore, #tpu.memory_space<semaphore_mem>>) src(%dma_wait3A_63 : memref<10000x128xf32, #tpu.memory_space<hbm>>) dst(%arg10 : memref<128x128xf32, #tpu.memory_space<vmem>>)
        "tpu.region"() ({
          %run_scoped3A = tpu.sem_alloc : memref<!tpu.dma_semaphore, #tpu.memory_space<semaphore_mem>>
          %dma_start3A_64 = arith.constant 0 : i32
          %dma_start3A_65 = tpu.memref_slice %arg9[%scan3A_53, %dma_start3A_64] : memref<80x128xi32, #tpu.memory_space<vmem>> -> memref<1x128xi32, #tpu.memory_space<vmem>>
          %dma_start3A_66 = tpu.memref_squeeze %dma_start3A_65 : memref<1x128xi32, #tpu.memory_space<vmem>> -> memref<128xi32, #tpu.memory_space<vmem>>
          %dma_start3A_67 = arith.constant 0 : i32
          %dma_start3A_68 = arith.constant 0 : i32
          %dma_start3A_69 = tpu.memref_slice %arg11[%dma_start3A_67, %dma_start3A_68] : memref<10240x128xf32, #tpu.memory_space<vmem_shared>> -> memref<10240x128xf32, #tpu.memory_space<vmem_shared>>
          tpu.enqueue_indirect_dma source(%arg10 : memref<128x128xf32, #tpu.memory_space<vmem>>) target(%dma_start3A_69 : memref<10240x128xf32, #tpu.memory_space<vmem_shared>>) offsets(%dma_start3A_66 : memref<128xi32, #tpu.memory_space<vmem>>) semaphore(%run_scoped3A : memref<!tpu.dma_semaphore, #tpu.memory_space<semaphore_mem>>) {add = true}
          %dma_wait3A_70 = arith.constant 0 : i32
          %dma_wait3A_71 = tpu.memref_slice %arg9[%scan3A_53, %dma_wait3A_70] : memref<80x128xi32, #tpu.memory_space<vmem>> -> memref<1x128xi32, #tpu.memory_space<vmem>>
          %dma_wait3A_72 = tpu.memref_squeeze %dma_wait3A_71 : memref<1x128xi32, #tpu.memory_space<vmem>> -> memref<128xi32, #tpu.memory_space<vmem>>
          %dma_wait3A_73 = arith.constant 0 : i32
          %dma_wait3A_74 = arith.constant 0 : i32
          %dma_wait3A_75 = tpu.memref_slice %arg11[%dma_wait3A_73, %dma_wait3A_74] : memref<10240x128xf32, #tpu.memory_space<vmem_shared>> -> memref<10240x128xf32, #tpu.memory_space<vmem_shared>>
          tpu.wait_indirect_dma semaphore(%run_scoped3A : memref<!tpu.dma_semaphore, #tpu.memory_space<semaphore_mem>>) src(%arg10 : memref<128x128xf32, #tpu.memory_space<vmem>>) dst(%dma_wait3A_75 : memref<10240x128xf32, #tpu.memory_space<vmem_shared>>)
          tpu.yield
        }) : () -> ()
      }
      %scan3A_52 = arith.constant 80 : i32
    } else {
    }
    %eq3A_29 = arith.constant 1 : i32
    %eq3A_30 = arith.cmpi eq, %arg0, %eq3A_29 : i32
    %convert_element_type3A_31 = arith.extui %eq3A_30 : i1 to i32
    %cond3A_32 = arith.constant 0 : i32
    %cond3A_33 = arith.cmpi ne, %convert_element_type3A_31, %cond3A_32 : i32
    scf.if %cond3A_33 {
      %scan3A_47 = arith.constant 0 : i32
      %scan3A_48 = arith.constant 0 : i32
      %scan3A_49 = arith.constant 80 : i32
      %scan3A_50 = arith.addi %scan3A_48, %scan3A_49 : i32
      %scan3A_51 = arith.constant 1 : i32
      scf.for %scan3A_53 = %scan3A_48 to %scan3A_50 step %scan3A_51  : i32 {
        %dma_start3A = arith.constant 0 : i32
        %dma_start3A_54 = tpu.memref_slice %arg8[%scan3A_53, %dma_start3A] : memref<80x128xi32, #tpu.memory_space<vmem>> -> memref<1x128xi32, #tpu.memory_space<vmem>>
        %dma_start3A_55 = tpu.memref_squeeze %dma_start3A_54 : memref<1x128xi32, #tpu.memory_space<vmem>> -> memref<128xi32, #tpu.memory_space<vmem>>
        %dma_start3A_56 = arith.constant 0 : i32
        %dma_start3A_57 = arith.constant 0 : i32
        %dma_start3A_58 = tpu.memref_slice %arg3[%dma_start3A_56, %dma_start3A_57] : memref<10000x128xf32, #tpu.memory_space<hbm>> -> memref<10000x128xf32, #tpu.memory_space<hbm>>
        tpu.enqueue_indirect_dma source(%dma_start3A_58 : memref<10000x128xf32, #tpu.memory_space<hbm>>) target(%arg10 : memref<128x128xf32, #tpu.memory_space<vmem>>) offsets(%dma_start3A_55 : memref<128xi32, #tpu.memory_space<vmem>>) semaphore(%arg12 : memref<!tpu.dma_semaphore, #tpu.memory_space<semaphore_mem>>)
        %dma_wait3A = arith.constant 0 : i32
        %dma_wait3A_59 = tpu.memref_slice %arg8[%scan3A_53, %dma_wait3A] : memref<80x128xi32, #tpu.memory_space<vmem>> -> memref<1x128xi32, #tpu.memory_space<vmem>>
        %dma_wait3A_60 = tpu.memref_squeeze %dma_wait3A_59 : memref<1x128xi32, #tpu.memory_space<vmem>> -> memref<128xi32, #tpu.memory_space<vmem>>
        %dma_wait3A_61 = arith.constant 0 : i32
        %dma_wait3A_62 = arith.constant 0 : i32
        %dma_wait3A_63 = tpu.memref_slice %arg3[%dma_wait3A_61, %dma_wait3A_62] : memref<10000x128xf32, #tpu.memory_space<hbm>> -> memref<10000x128xf32, #tpu.memory_space<hbm>>
        tpu.wait_indirect_dma semaphore(%arg12 : memref<!tpu.dma_semaphore, #tpu.memory_space<semaphore_mem>>) src(%dma_wait3A_63 : memref<10000x128xf32, #tpu.memory_space<hbm>>) dst(%arg10 : memref<128x128xf32, #tpu.memory_space<vmem>>)
        "tpu.region"() ({
          %run_scoped3A = tpu.sem_alloc : memref<!tpu.dma_semaphore, #tpu.memory_space<semaphore_mem>>
          %dma_start3A_64 = arith.constant 0 : i32
          %dma_start3A_65 = tpu.memref_slice %arg9[%scan3A_53, %dma_start3A_64] : memref<80x128xi32, #tpu.memory_space<vmem>> -> memref<1x128xi32, #tpu.memory_space<vmem>>
          %dma_start3A_66 = tpu.memref_squeeze %dma_start3A_65 : memref<1x128xi32, #tpu.memory_space<vmem>> -> memref<128xi32, #tpu.memory_space<vmem>>
          %dma_start3A_67 = arith.constant 0 : i32
          %dma_start3A_68 = arith.constant 0 : i32
          %dma_start3A_69 = tpu.memref_slice %arg11[%dma_start3A_67, %dma_start3A_68] : memref<10240x128xf32, #tpu.memory_space<vmem_shared>> -> memref<10240x128xf32, #tpu.memory_space<vmem_shared>>
          tpu.enqueue_indirect_dma source(%arg10 : memref<128x128xf32, #tpu.memory_space<vmem>>) target(%dma_start3A_69 : memref<10240x128xf32, #tpu.memory_space<vmem_shared>>) offsets(%dma_start3A_66 : memref<128xi32, #tpu.memory_space<vmem>>) semaphore(%run_scoped3A : memref<!tpu.dma_semaphore, #tpu.memory_space<semaphore_mem>>) {add = true}
          %dma_wait3A_70 = arith.constant 0 : i32
          %dma_wait3A_71 = tpu.memref_slice %arg9[%scan3A_53, %dma_wait3A_70] : memref<80x128xi32, #tpu.memory_space<vmem>> -> memref<1x128xi32, #tpu.memory_space<vmem>>
          %dma_wait3A_72 = tpu.memref_squeeze %dma_wait3A_71 : memref<1x128xi32, #tpu.memory_space<vmem>> -> memref<128xi32, #tpu.memory_space<vmem>>
          %dma_wait3A_73 = arith.constant 0 : i32
          %dma_wait3A_74 = arith.constant 0 : i32
          %dma_wait3A_75 = tpu.memref_slice %arg11[%dma_wait3A_73, %dma_wait3A_74] : memref<10240x128xf32, #tpu.memory_space<vmem_shared>> -> memref<10240x128xf32, #tpu.memory_space<vmem_shared>>
          tpu.wait_indirect_dma semaphore(%run_scoped3A : memref<!tpu.dma_semaphore, #tpu.memory_space<semaphore_mem>>) src(%arg10 : memref<128x128xf32, #tpu.memory_space<vmem>>) dst(%dma_wait3A_75 : memref<10240x128xf32, #tpu.memory_space<vmem_shared>>)
          tpu.yield
        }) : () -> ()
      }
      %scan3A_52 = arith.constant 80 : i32
    } else {
    }
    %barrier3A_34 = arith.constant 0 : index
    tpu.barrier barrier_id(%barrier3A_34)
    %mul3A_35 = arith.constant 640 : i32
    %mul3A_36 = arith.muli %arg1, %mul3A_35 : i32
    %eq3A_37 = arith.constant 0 : i32
    %eq3A_38 = arith.cmpi eq, %arg0, %eq3A_37 : i32
    %convert_element_type3A_39 = arith.extui %eq3A_38 : i1 to i32
    %cond3A_40 = arith.constant 0 : i32
    %cond3A_41 = arith.cmpi ne, %convert_element_type3A_39, %cond3A_40 : i32
    scf.if %cond3A_41 {
      "tpu.region"() ({
        %run_scoped3A = tpu.sem_alloc : memref<!tpu.dma_semaphore, #tpu.memory_space<semaphore_mem>>
        %dma_start3A = arith.constant 0 : i32
        %dma_start3A_47 = tpu.memref_slice %arg6[%mul3A_36, %dma_start3A] : memref<10240x128xf32, #tpu.memory_space<hbm>> -> memref<640x128xf32, #tpu.memory_space<hbm>>
        %dma_start3A_48 = arith.constant 0 : i32
        %dma_start3A_49 = tpu.memref_slice %arg11[%mul3A_36, %dma_start3A_48] : memref<10240x128xf32, #tpu.memory_space<vmem_shared>> -> memref<640x128xf32, #tpu.memory_space<vmem_shared>>
        tpu.enqueue_dma source(%dma_start3A_49 : memref<640x128xf32, #tpu.memory_space<vmem_shared>>) target(%dma_start3A_47 : memref<640x128xf32, #tpu.memory_space<hbm>>) target_semaphore(%run_scoped3A : memref<!tpu.dma_semaphore, #tpu.memory_space<semaphore_mem>>)
        %dma_wait3A = arith.constant 0 : i32
        %dma_wait3A_50 = tpu.memref_slice %arg6[%mul3A_36, %dma_wait3A] : memref<10240x128xf32, #tpu.memory_space<hbm>> -> memref<640x128xf32, #tpu.memory_space<hbm>>
        %dma_wait3A_51 = arith.constant 0 : i32
        %dma_wait3A_52 = tpu.memref_slice %arg11[%mul3A_36, %dma_wait3A_51] : memref<10240x128xf32, #tpu.memory_space<vmem_shared>> -> memref<640x128xf32, #tpu.memory_space<vmem_shared>>
        tpu.wait_dma2 semaphore(%run_scoped3A : memref<!tpu.dma_semaphore, #tpu.memory_space<semaphore_mem>>) src(%dma_wait3A_52 : memref<640x128xf32, #tpu.memory_space<vmem_shared>>) dst(%dma_wait3A_50 : memref<640x128xf32, #tpu.memory_space<hbm>>)
        tpu.yield
      }) : () -> ()
    } else {
    }
    %eq3A_42 = arith.constant 1 : i32
    %eq3A_43 = arith.cmpi eq, %arg0, %eq3A_42 : i32
    %convert_element_type3A_44 = arith.extui %eq3A_43 : i1 to i32
    %cond3A_45 = arith.constant 0 : i32
    %cond3A_46 = arith.cmpi ne, %convert_element_type3A_44, %cond3A_45 : i32
    scf.if %cond3A_46 {
      "tpu.region"() ({
        %run_scoped3A = tpu.sem_alloc : memref<!tpu.dma_semaphore, #tpu.memory_space<semaphore_mem>>
        %dma_start3A = arith.constant 0 : i32
        %dma_start3A_47 = tpu.memref_slice %arg7[%mul3A_36, %dma_start3A] : memref<10240x128xf32, #tpu.memory_space<hbm>> -> memref<640x128xf32, #tpu.memory_space<hbm>>
        %dma_start3A_48 = arith.constant 0 : i32
        %dma_start3A_49 = tpu.memref_slice %arg11[%mul3A_36, %dma_start3A_48] : memref<10240x128xf32, #tpu.memory_space<vmem_shared>> -> memref<640x128xf32, #tpu.memory_space<vmem_shared>>
        tpu.enqueue_dma source(%dma_start3A_49 : memref<640x128xf32, #tpu.memory_space<vmem_shared>>) target(%dma_start3A_47 : memref<640x128xf32, #tpu.memory_space<hbm>>) target_semaphore(%run_scoped3A : memref<!tpu.dma_semaphore, #tpu.memory_space<semaphore_mem>>)
        %dma_wait3A = arith.constant 0 : i32
        %dma_wait3A_50 = tpu.memref_slice %arg7[%mul3A_36, %dma_wait3A] : memref<10240x128xf32, #tpu.memory_space<hbm>> -> memref<640x128xf32, #tpu.memory_space<hbm>>
        %dma_wait3A_51 = arith.constant 0 : i32
        %dma_wait3A_52 = tpu.memref_slice %arg11[%mul3A_36, %dma_wait3A_51] : memref<10240x128xf32, #tpu.memory_space<vmem_shared>> -> memref<640x128xf32, #tpu.memory_space<vmem_shared>>
        tpu.wait_dma2 semaphore(%run_scoped3A : memref<!tpu.dma_semaphore, #tpu.memory_space<semaphore_mem>>) src(%dma_wait3A_52 : memref<640x128xf32, #tpu.memory_space<vmem_shared>>) dst(%dma_wait3A_50 : memref<640x128xf32, #tpu.memory_space<hbm>>)
        tpu.yield
      }) : () -> ()
    } else {
    }
    return
  }
}

#map = affine_map<(d0, d1) -> (0, 0)>
module attributes {stable_mosaic.version = 14 : i64} {
  func.func @_sc_agg_body(%arg0: i32, %arg1: i32, %arg2: memref<10000x128xf32, #tpu.memory_space<hbm>>, %arg3: memref<10000x128xf32, #tpu.memory_space<hbm>>, %arg4: memref<1280x128xi32, #tpu.memory_space<hbm>>, %arg5: memref<1280x128xi32, #tpu.memory_space<hbm>>, %arg6: memref<10240x128xf32, #tpu.memory_space<hbm>>, %arg7: memref<10240x128xf32, #tpu.memory_space<hbm>>, %arg8: memref<80x128xi32, #tpu.memory_space<vmem>>, %arg9: memref<80x128xi32, #tpu.memory_space<vmem>>, %arg10: memref<128x128xf32, #tpu.memory_space<vmem>>, %arg11: memref<10240x128xf32, #tpu.memory_space<vmem_shared>>, %arg12: memref<!tpu.dma_semaphore, #tpu.memory_space<semaphore_mem>>) attributes {dimension_semantics = [#tpu.dimension_semantics<core_parallel>, #tpu.dimension_semantics<subcore_parallel>], iteration_bounds = array<i64: 2, 16>, scalar_prefetch = 0 : i64, scratch_operands = 5 : i64, tpu.core_type = #tpu.core_type<sc_vector_subcore>, window_params = [{transform_indices = #map}, {transform_indices = #map}, {transform_indices = #map}, {transform_indices = #map}, {transform_indices = #map}, {transform_indices = #map}]} {
    %mul3A = arith.constant 80 : i32
    %mul3A_0 = arith.muli %arg1, %mul3A : i32
    "tpu.region"() ({
      %run_scoped3A = tpu.sem_alloc : memref<!tpu.dma_semaphore, #tpu.memory_space<semaphore_mem>>
      %dma_start3A = arith.constant 0 : i32
      %dma_start3A_47 = tpu.memref_slice %arg4[%mul3A_0, %dma_start3A] : memref<1280x128xi32, #tpu.memory_space<hbm>> -> memref<80x128xi32, #tpu.memory_space<hbm>>
      %dma_start3A_48 = arith.constant 0 : i32
      %dma_start3A_49 = tpu.memref_slice %arg4[%mul3A_0, %dma_start3A_48] : memref<1280x128xi32, #tpu.memory_space<hbm>> -> memref<80x128xi32, #tpu.memory_space<hbm>>
      tpu.enqueue_dma source(%dma_start3A_49 : memref<80x128xi32, #tpu.memory_space<hbm>>) target(%arg8 : memref<80x128xi32, #tpu.memory_space<vmem>>) target_semaphore(%run_scoped3A : memref<!tpu.dma_semaphore, #tpu.memory_space<semaphore_mem>>)
      %dma_wait3A = arith.constant 0 : i32
      %dma_wait3A_50 = tpu.memref_slice %arg4[%mul3A_0, %dma_wait3A] : memref<1280x128xi32, #tpu.memory_space<hbm>> -> memref<80x128xi32, #tpu.memory_space<hbm>>
      %dma_wait3A_51 = arith.constant 0 : i32
      %dma_wait3A_52 = tpu.memref_slice %arg4[%mul3A_0, %dma_wait3A_51] : memref<1280x128xi32, #tpu.memory_space<hbm>> -> memref<80x128xi32, #tpu.memory_space<hbm>>
      tpu.wait_dma2 semaphore(%run_scoped3A : memref<!tpu.dma_semaphore, #tpu.memory_space<semaphore_mem>>) src(%dma_wait3A_52 : memref<80x128xi32, #tpu.memory_space<hbm>>) dst(%arg8 : memref<80x128xi32, #tpu.memory_space<vmem>>)
      tpu.yield
    }) : () -> ()
    %mul3A_1 = arith.constant 80 : i32
    %mul3A_2 = arith.muli %arg1, %mul3A_1 : i32
    "tpu.region"() ({
      %run_scoped3A = tpu.sem_alloc : memref<!tpu.dma_semaphore, #tpu.memory_space<semaphore_mem>>
      %dma_start3A = arith.constant 0 : i32
      %dma_start3A_47 = tpu.memref_slice %arg5[%mul3A_2, %dma_start3A] : memref<1280x128xi32, #tpu.memory_space<hbm>> -> memref<80x128xi32, #tpu.memory_space<hbm>>
      %dma_start3A_48 = arith.constant 0 : i32
      %dma_start3A_49 = tpu.memref_slice %arg5[%mul3A_2, %dma_start3A_48] : memref<1280x128xi32, #tpu.memory_space<hbm>> -> memref<80x128xi32, #tpu.memory_space<hbm>>
      tpu.enqueue_dma source(%dma_start3A_49 : memref<80x128xi32, #tpu.memory_space<hbm>>) target(%arg9 : memref<80x128xi32, #tpu.memory_space<vmem>>) target_semaphore(%run_scoped3A : memref<!tpu.dma_semaphore, #tpu.memory_space<semaphore_mem>>)
      %dma_wait3A = arith.constant 0 : i32
      %dma_wait3A_50 = tpu.memref_slice %arg5[%mul3A_2, %dma_wait3A] : memref<1280x128xi32, #tpu.memory_space<hbm>> -> memref<80x128xi32, #tpu.memory_space<hbm>>
      %dma_wait3A_51 = arith.constant 0 : i32
      %dma_wait3A_52 = tpu.memref_slice %arg5[%mul3A_2, %dma_wait3A_51] : memref<1280x128xi32, #tpu.memory_space<hbm>> -> memref<80x128xi32, #tpu.memory_space<hbm>>
      tpu.wait_dma2 semaphore(%run_scoped3A : memref<!tpu.dma_semaphore, #tpu.memory_space<semaphore_mem>>) src(%dma_wait3A_52 : memref<80x128xi32, #tpu.memory_space<hbm>>) dst(%arg9 : memref<80x128xi32, #tpu.memory_space<vmem>>)
      tpu.yield
    }) : () -> ()
    %scan3A = arith.constant 0 : i32
    %scan3A_3 = arith.constant 0 : i32
    %scan3A_4 = arith.constant 128 : i32
    %scan3A_5 = arith.addi %scan3A_3, %scan3A_4 : i32
    %scan3A_6 = arith.constant 1 : i32
    scf.for %scan3A_47 = %scan3A_3 to %scan3A_5 step %scan3A_6  : i32 {
      %broadcast_in_dim3A = arith.constant 0.000000e+00 : f32
      %broadcast_in_dim3A_48 = vector.broadcast %broadcast_in_dim3A : f32 to vector<16xf32>
      %swap3A = arith.index_cast %scan3A_47 : i32 to index
      %swap3A_49 = arith.constant 0 : index
      %swap3A_50 = tpu.vector_load %arg10[%swap3A, %swap3A_49] {strides = array<i32>} : memref<128x128xf32, #tpu.memory_space<vmem>>, vector<1x16xf32>,
      %swap3A_51 = vector.shape_cast %swap3A_50 : vector<1x16xf32> to vector<16xf32>
      %swap3A_52 = vector.shape_cast %broadcast_in_dim3A_48 : vector<16xf32> to vector<1x16xf32>
      tpu.vector_store %arg10[%swap3A, %swap3A_49], %swap3A_52 {strides = array<i32>} : memref<128x128xf32, #tpu.memory_space<vmem>>, vector<1x16xf32>,
      %broadcast_in_dim3A_53 = arith.constant 0.000000e+00 : f32
      %broadcast_in_dim3A_54 = vector.broadcast %broadcast_in_dim3A_53 : f32 to vector<16xf32>
      %swap3A_55 = arith.index_cast %scan3A_47 : i32 to index
      %swap3A_56 = arith.constant 16 : index
      %swap3A_57 = tpu.vector_load %arg10[%swap3A_55, %swap3A_56] {strides = array<i32>} : memref<128x128xf32, #tpu.memory_space<vmem>>, vector<1x16xf32>,
      %swap3A_58 = vector.shape_cast %swap3A_57 : vector<1x16xf32> to vector<16xf32>
      %swap3A_59 = vector.shape_cast %broadcast_in_dim3A_54 : vector<16xf32> to vector<1x16xf32>
      tpu.vector_store %arg10[%swap3A_55, %swap3A_56], %swap3A_59 {strides = array<i32>} : memref<128x128xf32, #tpu.memory_space<vmem>>, vector<1x16xf32>,
      %broadcast_in_dim3A_60 = arith.constant 0.000000e+00 : f32
      %broadcast_in_dim3A_61 = vector.broadcast %broadcast_in_dim3A_60 : f32 to vector<16xf32>
      %swap3A_62 = arith.index_cast %scan3A_47 : i32 to index
      %swap3A_63 = arith.constant 32 : index
      %swap3A_64 = tpu.vector_load %arg10[%swap3A_62, %swap3A_63] {strides = array<i32>} : memref<128x128xf32, #tpu.memory_space<vmem>>, vector<1x16xf32>,
      %swap3A_65 = vector.shape_cast %swap3A_64 : vector<1x16xf32> to vector<16xf32>
      %swap3A_66 = vector.shape_cast %broadcast_in_dim3A_61 : vector<16xf32> to vector<1x16xf32>
      tpu.vector_store %arg10[%swap3A_62, %swap3A_63], %swap3A_66 {strides = array<i32>} : memref<128x128xf32, #tpu.memory_space<vmem>>, vector<1x16xf32>,
      %broadcast_in_dim3A_67 = arith.constant 0.000000e+00 : f32
      %broadcast_in_dim3A_68 = vector.broadcast %broadcast_in_dim3A_67 : f32 to vector<16xf32>
      %swap3A_69 = arith.index_cast %scan3A_47 : i32 to index
      %swap3A_70 = arith.constant 48 : index
      %swap3A_71 = tpu.vector_load %arg10[%swap3A_69, %swap3A_70] {strides = array<i32>} : memref<128x128xf32, #tpu.memory_space<vmem>>, vector<1x16xf32>,
      %swap3A_72 = vector.shape_cast %swap3A_71 : vector<1x16xf32> to vector<16xf32>
      %swap3A_73 = vector.shape_cast %broadcast_in_dim3A_68 : vector<16xf32> to vector<1x16xf32>
      tpu.vector_store %arg10[%swap3A_69, %swap3A_70], %swap3A_73 {strides = array<i32>} : memref<128x128xf32, #tpu.memory_space<vmem>>, vector<1x16xf32>,
      %broadcast_in_dim3A_74 = arith.constant 0.000000e+00 : f32
      %broadcast_in_dim3A_75 = vector.broadcast %broadcast_in_dim3A_74 : f32 to vector<16xf32>
      %swap3A_76 = arith.index_cast %scan3A_47 : i32 to index
      %swap3A_77 = arith.constant 64 : index
      %swap3A_78 = tpu.vector_load %arg10[%swap3A_76, %swap3A_77] {strides = array<i32>} : memref<128x128xf32, #tpu.memory_space<vmem>>, vector<1x16xf32>,
      %swap3A_79 = vector.shape_cast %swap3A_78 : vector<1x16xf32> to vector<16xf32>
      %swap3A_80 = vector.shape_cast %broadcast_in_dim3A_75 : vector<16xf32> to vector<1x16xf32>
      tpu.vector_store %arg10[%swap3A_76, %swap3A_77], %swap3A_80 {strides = array<i32>} : memref<128x128xf32, #tpu.memory_space<vmem>>, vector<1x16xf32>,
      %broadcast_in_dim3A_81 = arith.constant 0.000000e+00 : f32
      %broadcast_in_dim3A_82 = vector.broadcast %broadcast_in_dim3A_81 : f32 to vector<16xf32>
      %swap3A_83 = arith.index_cast %scan3A_47 : i32 to index
      %swap3A_84 = arith.constant 80 : index
      %swap3A_85 = tpu.vector_load %arg10[%swap3A_83, %swap3A_84] {strides = array<i32>} : memref<128x128xf32, #tpu.memory_space<vmem>>, vector<1x16xf32>,
      %swap3A_86 = vector.shape_cast %swap3A_85 : vector<1x16xf32> to vector<16xf32>
      %swap3A_87 = vector.shape_cast %broadcast_in_dim3A_82 : vector<16xf32> to vector<1x16xf32>
      tpu.vector_store %arg10[%swap3A_83, %swap3A_84], %swap3A_87 {strides = array<i32>} : memref<128x128xf32, #tpu.memory_space<vmem>>, vector<1x16xf32>,
      %broadcast_in_dim3A_88 = arith.constant 0.000000e+00 : f32
      %broadcast_in_dim3A_89 = vector.broadcast %broadcast_in_dim3A_88 : f32 to vector<16xf32>
      %swap3A_90 = arith.index_cast %scan3A_47 : i32 to index
      %swap3A_91 = arith.constant 96 : index
      %swap3A_92 = tpu.vector_load %arg10[%swap3A_90, %swap3A_91] {strides = array<i32>} : memref<128x128xf32, #tpu.memory_space<vmem>>, vector<1x16xf32>,
      %swap3A_93 = vector.shape_cast %swap3A_92 : vector<1x16xf32> to vector<16xf32>
      %swap3A_94 = vector.shape_cast %broadcast_in_dim3A_89 : vector<16xf32> to vector<1x16xf32>
      tpu.vector_store %arg10[%swap3A_90, %swap3A_91], %swap3A_94 {strides = array<i32>} : memref<128x128xf32, #tpu.memory_space<vmem>>, vector<1x16xf32>,
      %broadcast_in_dim3A_95 = arith.constant 0.000000e+00 : f32
      %broadcast_in_dim3A_96 = vector.broadcast %broadcast_in_dim3A_95 : f32 to vector<16xf32>
      %swap3A_97 = arith.index_cast %scan3A_47 : i32 to index
      %swap3A_98 = arith.constant 112 : index
      %swap3A_99 = tpu.vector_load %arg10[%swap3A_97, %swap3A_98] {strides = array<i32>} : memref<128x128xf32, #tpu.memory_space<vmem>>, vector<1x16xf32>,
      %swap3A_100 = vector.shape_cast %swap3A_99 : vector<1x16xf32> to vector<16xf32>
      %swap3A_101 = vector.shape_cast %broadcast_in_dim3A_96 : vector<16xf32> to vector<1x16xf32>
      tpu.vector_store %arg10[%swap3A_97, %swap3A_98], %swap3A_101 {strides = array<i32>} : memref<128x128xf32, #tpu.memory_space<vmem>>, vector<1x16xf32>,
    }
    %scan3A_7 = arith.constant 128 : i32
    %mul3A_8 = arith.constant 640 : i32
    %mul3A_9 = arith.muli %arg1, %mul3A_8 : i32
    %add3A = arith.constant 0 : i32
    %add3A_10 = arith.addi %mul3A_9, %add3A : i32
    "tpu.region"() ({
      %run_scoped3A = tpu.sem_alloc : memref<!tpu.dma_semaphore, #tpu.memory_space<semaphore_mem>>
      %dma_start3A = arith.constant 0 : i32
      %dma_start3A_47 = tpu.memref_slice %arg11[%add3A_10, %dma_start3A] : memref<10240x128xf32, #tpu.memory_space<vmem_shared>> -> memref<128x128xf32, #tpu.memory_space<vmem_shared>>
      %dma_start3A_48 = arith.constant 0 : i32
      %dma_start3A_49 = tpu.memref_slice %arg11[%add3A_10, %dma_start3A_48] : memref<10240x128xf32, #tpu.memory_space<vmem_shared>> -> memref<128x128xf32, #tpu.memory_space<vmem_shared>>
      tpu.enqueue_dma source(%arg10 : memref<128x128xf32, #tpu.memory_space<vmem>>) target(%dma_start3A_49 : memref<128x128xf32, #tpu.memory_space<vmem_shared>>) target_semaphore(%run_scoped3A : memref<!tpu.dma_semaphore, #tpu.memory_space<semaphore_mem>>)
      %dma_wait3A = arith.constant 0 : i32
      %dma_wait3A_50 = tpu.memref_slice %arg11[%add3A_10, %dma_wait3A] : memref<10240x128xf32, #tpu.memory_space<vmem_shared>> -> memref<128x128xf32, #tpu.memory_space<vmem_shared>>
      %dma_wait3A_51 = arith.constant 0 : i32
      %dma_wait3A_52 = tpu.memref_slice %arg11[%add3A_10, %dma_wait3A_51] : memref<10240x128xf32, #tpu.memory_space<vmem_shared>> -> memref<128x128xf32, #tpu.memory_space<vmem_shared>>
      tpu.wait_dma2 semaphore(%run_scoped3A : memref<!tpu.dma_semaphore, #tpu.memory_space<semaphore_mem>>) src(%arg10 : memref<128x128xf32, #tpu.memory_space<vmem>>) dst(%dma_wait3A_52 : memref<128x128xf32, #tpu.memory_space<vmem_shared>>)
      tpu.yield
    }) : () -> ()
    %mul3A_11 = arith.constant 640 : i32
    %mul3A_12 = arith.muli %arg1, %mul3A_11 : i32
    %add3A_13 = arith.constant 128 : i32
    %add3A_14 = arith.addi %mul3A_12, %add3A_13 : i32
    "tpu.region"() ({
      %run_scoped3A = tpu.sem_alloc : memref<!tpu.dma_semaphore, #tpu.memory_space<semaphore_mem>>
      %dma_start3A = arith.constant 0 : i32
      %dma_start3A_47 = tpu.memref_slice %arg11[%add3A_14, %dma_start3A] : memref<10240x128xf32, #tpu.memory_space<vmem_shared>> -> memref<128x128xf32, #tpu.memory_space<vmem_shared>>
      %dma_start3A_48 = arith.constant 0 : i32
      %dma_start3A_49 = tpu.memref_slice %arg11[%add3A_14, %dma_start3A_48] : memref<10240x128xf32, #tpu.memory_space<vmem_shared>> -> memref<128x128xf32, #tpu.memory_space<vmem_shared>>
      tpu.enqueue_dma source(%arg10 : memref<128x128xf32, #tpu.memory_space<vmem>>) target(%dma_start3A_49 : memref<128x128xf32, #tpu.memory_space<vmem_shared>>) target_semaphore(%run_scoped3A : memref<!tpu.dma_semaphore, #tpu.memory_space<semaphore_mem>>)
      %dma_wait3A = arith.constant 0 : i32
      %dma_wait3A_50 = tpu.memref_slice %arg11[%add3A_14, %dma_wait3A] : memref<10240x128xf32, #tpu.memory_space<vmem_shared>> -> memref<128x128xf32, #tpu.memory_space<vmem_shared>>
      %dma_wait3A_51 = arith.constant 0 : i32
      %dma_wait3A_52 = tpu.memref_slice %arg11[%add3A_14, %dma_wait3A_51] : memref<10240x128xf32, #tpu.memory_space<vmem_shared>> -> memref<128x128xf32, #tpu.memory_space<vmem_shared>>
      tpu.wait_dma2 semaphore(%run_scoped3A : memref<!tpu.dma_semaphore, #tpu.memory_space<semaphore_mem>>) src(%arg10 : memref<128x128xf32, #tpu.memory_space<vmem>>) dst(%dma_wait3A_52 : memref<128x128xf32, #tpu.memory_space<vmem_shared>>)
      tpu.yield
    }) : () -> ()
    %mul3A_15 = arith.constant 640 : i32
    %mul3A_16 = arith.muli %arg1, %mul3A_15 : i32
    %add3A_17 = arith.constant 256 : i32
    %add3A_18 = arith.addi %mul3A_16, %add3A_17 : i32
    "tpu.region"() ({
      %run_scoped3A = tpu.sem_alloc : memref<!tpu.dma_semaphore, #tpu.memory_space<semaphore_mem>>
      %dma_start3A = arith.constant 0 : i32
      %dma_start3A_47 = tpu.memref_slice %arg11[%add3A_18, %dma_start3A] : memref<10240x128xf32, #tpu.memory_space<vmem_shared>> -> memref<128x128xf32, #tpu.memory_space<vmem_shared>>
      %dma_start3A_48 = arith.constant 0 : i32
      %dma_start3A_49 = tpu.memref_slice %arg11[%add3A_18, %dma_start3A_48] : memref<10240x128xf32, #tpu.memory_space<vmem_shared>> -> memref<128x128xf32, #tpu.memory_space<vmem_shared>>
      tpu.enqueue_dma source(%arg10 : memref<128x128xf32, #tpu.memory_space<vmem>>) target(%dma_start3A_49 : memref<128x128xf32, #tpu.memory_space<vmem_shared>>) target_semaphore(%run_scoped3A : memref<!tpu.dma_semaphore, #tpu.memory_space<semaphore_mem>>)
      %dma_wait3A = arith.constant 0 : i32
      %dma_wait3A_50 = tpu.memref_slice %arg11[%add3A_18, %dma_wait3A] : memref<10240x128xf32, #tpu.memory_space<vmem_shared>> -> memref<128x128xf32, #tpu.memory_space<vmem_shared>>
      %dma_wait3A_51 = arith.constant 0 : i32
      %dma_wait3A_52 = tpu.memref_slice %arg11[%add3A_18, %dma_wait3A_51] : memref<10240x128xf32, #tpu.memory_space<vmem_shared>> -> memref<128x128xf32, #tpu.memory_space<vmem_shared>>
      tpu.wait_dma2 semaphore(%run_scoped3A : memref<!tpu.dma_semaphore, #tpu.memory_space<semaphore_mem>>) src(%arg10 : memref<128x128xf32, #tpu.memory_space<vmem>>) dst(%dma_wait3A_52 : memref<128x128xf32, #tpu.memory_space<vmem_shared>>)
      tpu.yield
    }) : () -> ()
    %mul3A_19 = arith.constant 640 : i32
    %mul3A_20 = arith.muli %arg1, %mul3A_19 : i32
    %add3A_21 = arith.constant 384 : i32
    %add3A_22 = arith.addi %mul3A_20, %add3A_21 : i32
    "tpu.region"() ({
      %run_scoped3A = tpu.sem_alloc : memref<!tpu.dma_semaphore, #tpu.memory_space<semaphore_mem>>
      %dma_start3A = arith.constant 0 : i32
      %dma_start3A_47 = tpu.memref_slice %arg11[%add3A_22, %dma_start3A] : memref<10240x128xf32, #tpu.memory_space<vmem_shared>> -> memref<128x128xf32, #tpu.memory_space<vmem_shared>>
      %dma_start3A_48 = arith.constant 0 : i32
      %dma_start3A_49 = tpu.memref_slice %arg11[%add3A_22, %dma_start3A_48] : memref<10240x128xf32, #tpu.memory_space<vmem_shared>> -> memref<128x128xf32, #tpu.memory_space<vmem_shared>>
      tpu.enqueue_dma source(%arg10 : memref<128x128xf32, #tpu.memory_space<vmem>>) target(%dma_start3A_49 : memref<128x128xf32, #tpu.memory_space<vmem_shared>>) target_semaphore(%run_scoped3A : memref<!tpu.dma_semaphore, #tpu.memory_space<semaphore_mem>>)
      %dma_wait3A = arith.constant 0 : i32
      %dma_wait3A_50 = tpu.memref_slice %arg11[%add3A_22, %dma_wait3A] : memref<10240x128xf32, #tpu.memory_space<vmem_shared>> -> memref<128x128xf32, #tpu.memory_space<vmem_shared>>
      %dma_wait3A_51 = arith.constant 0 : i32
      %dma_wait3A_52 = tpu.memref_slice %arg11[%add3A_22, %dma_wait3A_51] : memref<10240x128xf32, #tpu.memory_space<vmem_shared>> -> memref<128x128xf32, #tpu.memory_space<vmem_shared>>
      tpu.wait_dma2 semaphore(%run_scoped3A : memref<!tpu.dma_semaphore, #tpu.memory_space<semaphore_mem>>) src(%arg10 : memref<128x128xf32, #tpu.memory_space<vmem>>) dst(%dma_wait3A_52 : memref<128x128xf32, #tpu.memory_space<vmem_shared>>)
      tpu.yield
    }) : () -> ()
    %mul3A_23 = arith.constant 640 : i32
    %mul3A_24 = arith.muli %arg1, %mul3A_23 : i32
    %add3A_25 = arith.constant 512 : i32
    %add3A_26 = arith.addi %mul3A_24, %add3A_25 : i32
    "tpu.region"() ({
      %run_scoped3A = tpu.sem_alloc : memref<!tpu.dma_semaphore, #tpu.memory_space<semaphore_mem>>
      %dma_start3A = arith.constant 0 : i32
      %dma_start3A_47 = tpu.memref_slice %arg11[%add3A_26, %dma_start3A] : memref<10240x128xf32, #tpu.memory_space<vmem_shared>> -> memref<128x128xf32, #tpu.memory_space<vmem_shared>>
      %dma_start3A_48 = arith.constant 0 : i32
      %dma_start3A_49 = tpu.memref_slice %arg11[%add3A_26, %dma_start3A_48] : memref<10240x128xf32, #tpu.memory_space<vmem_shared>> -> memref<128x128xf32, #tpu.memory_space<vmem_shared>>
      tpu.enqueue_dma source(%arg10 : memref<128x128xf32, #tpu.memory_space<vmem>>) target(%dma_start3A_49 : memref<128x128xf32, #tpu.memory_space<vmem_shared>>) target_semaphore(%run_scoped3A : memref<!tpu.dma_semaphore, #tpu.memory_space<semaphore_mem>>)
      %dma_wait3A = arith.constant 0 : i32
      %dma_wait3A_50 = tpu.memref_slice %arg11[%add3A_26, %dma_wait3A] : memref<10240x128xf32, #tpu.memory_space<vmem_shared>> -> memref<128x128xf32, #tpu.memory_space<vmem_shared>>
      %dma_wait3A_51 = arith.constant 0 : i32
      %dma_wait3A_52 = tpu.memref_slice %arg11[%add3A_26, %dma_wait3A_51] : memref<10240x128xf32, #tpu.memory_space<vmem_shared>> -> memref<128x128xf32, #tpu.memory_space<vmem_shared>>
      tpu.wait_dma2 semaphore(%run_scoped3A : memref<!tpu.dma_semaphore, #tpu.memory_space<semaphore_mem>>) src(%arg10 : memref<128x128xf32, #tpu.memory_space<vmem>>) dst(%dma_wait3A_52 : memref<128x128xf32, #tpu.memory_space<vmem_shared>>)
      tpu.yield
    }) : () -> ()
    %barrier3A = arith.constant 0 : index
    tpu.barrier barrier_id(%barrier3A)
    %eq3A = arith.constant 0 : i32
    %eq3A_27 = arith.cmpi eq, %arg0, %eq3A : i32
    %convert_element_type3A = arith.extui %eq3A_27 : i1 to i32
    %cond3A = arith.constant 0 : i32
    %cond3A_28 = arith.cmpi ne, %convert_element_type3A, %cond3A : i32
    scf.if %cond3A_28 {
      %scan3A_47 = arith.constant 0 : i32
      %scan3A_48 = arith.constant 0 : i32
      %scan3A_49 = arith.constant 80 : i32
      %scan3A_50 = arith.addi %scan3A_48, %scan3A_49 : i32
      %scan3A_51 = arith.constant 1 : i32
      scf.for %scan3A_53 = %scan3A_48 to %scan3A_50 step %scan3A_51  : i32 {
        %dma_start3A = arith.constant 0 : i32
        %dma_start3A_54 = tpu.memref_slice %arg8[%scan3A_53, %dma_start3A] : memref<80x128xi32, #tpu.memory_space<vmem>> -> memref<1x128xi32, #tpu.memory_space<vmem>>
        %dma_start3A_55 = tpu.memref_squeeze %dma_start3A_54 : memref<1x128xi32, #tpu.memory_space<vmem>> -> memref<128xi32, #tpu.memory_space<vmem>>
        %dma_start3A_56 = arith.constant 0 : i32
        %dma_start3A_57 = arith.constant 0 : i32
        %dma_start3A_58 = tpu.memref_slice %arg2[%dma_start3A_56, %dma_start3A_57] : memref<10000x128xf32, #tpu.memory_space<hbm>> -> memref<10000x128xf32, #tpu.memory_space<hbm>>
        tpu.enqueue_indirect_dma source(%dma_start3A_58 : memref<10000x128xf32, #tpu.memory_space<hbm>>) target(%arg10 : memref<128x128xf32, #tpu.memory_space<vmem>>) offsets(%dma_start3A_55 : memref<128xi32, #tpu.memory_space<vmem>>) semaphore(%arg12 : memref<!tpu.dma_semaphore, #tpu.memory_space<semaphore_mem>>)
        %dma_wait3A = arith.constant 0 : i32
        %dma_wait3A_59 = tpu.memref_slice %arg8[%scan3A_53, %dma_wait3A] : memref<80x128xi32, #tpu.memory_space<vmem>> -> memref<1x128xi32, #tpu.memory_space<vmem>>
        %dma_wait3A_60 = tpu.memref_squeeze %dma_wait3A_59 : memref<1x128xi32, #tpu.memory_space<vmem>> -> memref<128xi32, #tpu.memory_space<vmem>>
        %dma_wait3A_61 = arith.constant 0 : i32
        %dma_wait3A_62 = arith.constant 0 : i32
        %dma_wait3A_63 = tpu.memref_slice %arg2[%dma_wait3A_61, %dma_wait3A_62] : memref<10000x128xf32, #tpu.memory_space<hbm>> -> memref<10000x128xf32, #tpu.memory_space<hbm>>
        tpu.wait_indirect_dma semaphore(%arg12 : memref<!tpu.dma_semaphore, #tpu.memory_space<semaphore_mem>>) src(%dma_wait3A_63 : memref<10000x128xf32, #tpu.memory_space<hbm>>) dst(%arg10 : memref<128x128xf32, #tpu.memory_space<vmem>>)
        "tpu.region"() ({
          %run_scoped3A = tpu.sem_alloc : memref<!tpu.dma_semaphore, #tpu.memory_space<semaphore_mem>>
          %dma_start3A_64 = arith.constant 0 : i32
          %dma_start3A_65 = tpu.memref_slice %arg9[%scan3A_53, %dma_start3A_64] : memref<80x128xi32, #tpu.memory_space<vmem>> -> memref<1x128xi32, #tpu.memory_space<vmem>>
          %dma_start3A_66 = tpu.memref_squeeze %dma_start3A_65 : memref<1x128xi32, #tpu.memory_space<vmem>> -> memref<128xi32, #tpu.memory_space<vmem>>
          %dma_start3A_67 = arith.constant 0 : i32
          %dma_start3A_68 = arith.constant 0 : i32
          %dma_start3A_69 = tpu.memref_slice %arg11[%dma_start3A_67, %dma_start3A_68] : memref<10240x128xf32, #tpu.memory_space<vmem_shared>> -> memref<10240x128xf32, #tpu.memory_space<vmem_shared>>
          tpu.enqueue_indirect_dma source(%arg10 : memref<128x128xf32, #tpu.memory_space<vmem>>) target(%dma_start3A_69 : memref<10240x128xf32, #tpu.memory_space<vmem_shared>>) offsets(%dma_start3A_66 : memref<128xi32, #tpu.memory_space<vmem>>) semaphore(%run_scoped3A : memref<!tpu.dma_semaphore, #tpu.memory_space<semaphore_mem>>) {add = true}
          %dma_wait3A_70 = arith.constant 0 : i32
          %dma_wait3A_71 = tpu.memref_slice %arg9[%scan3A_53, %dma_wait3A_70] : memref<80x128xi32, #tpu.memory_space<vmem>> -> memref<1x128xi32, #tpu.memory_space<vmem>>
          %dma_wait3A_72 = tpu.memref_squeeze %dma_wait3A_71 : memref<1x128xi32, #tpu.memory_space<vmem>> -> memref<128xi32, #tpu.memory_space<vmem>>
          %dma_wait3A_73 = arith.constant 0 : i32
          %dma_wait3A_74 = arith.constant 0 : i32
          %dma_wait3A_75 = tpu.memref_slice %arg11[%dma_wait3A_73, %dma_wait3A_74] : memref<10240x128xf32, #tpu.memory_space<vmem_shared>> -> memref<10240x128xf32, #tpu.memory_space<vmem_shared>>
          tpu.wait_indirect_dma semaphore(%run_scoped3A : memref<!tpu.dma_semaphore, #tpu.memory_space<semaphore_mem>>) src(%arg10 : memref<128x128xf32, #tpu.memory_space<vmem>>) dst(%dma_wait3A_75 : memref<10240x128xf32, #tpu.memory_space<vmem_shared>>)
          tpu.yield
        }) : () -> ()
      }
      %scan3A_52 = arith.constant 80 : i32
    } else {
    }
    %eq3A_29 = arith.constant 1 : i32
    %eq3A_30 = arith.cmpi eq, %arg0, %eq3A_29 : i32
    %convert_element_type3A_31 = arith.extui %eq3A_30 : i1 to i32
    %cond3A_32 = arith.constant 0 : i32
    %cond3A_33 = arith.cmpi ne, %convert_element_type3A_31, %cond3A_32 : i32
    scf.if %cond3A_33 {
      %scan3A_47 = arith.constant 0 : i32
      %scan3A_48 = arith.constant 0 : i32
      %scan3A_49 = arith.constant 80 : i32
      %scan3A_50 = arith.addi %scan3A_48, %scan3A_49 : i32
      %scan3A_51 = arith.constant 1 : i32
      scf.for %scan3A_53 = %scan3A_48 to %scan3A_50 step %scan3A_51  : i32 {
        %dma_start3A = arith.constant 0 : i32
        %dma_start3A_54 = tpu.memref_slice %arg8[%scan3A_53, %dma_start3A] : memref<80x128xi32, #tpu.memory_space<vmem>> -> memref<1x128xi32, #tpu.memory_space<vmem>>
        %dma_start3A_55 = tpu.memref_squeeze %dma_start3A_54 : memref<1x128xi32, #tpu.memory_space<vmem>> -> memref<128xi32, #tpu.memory_space<vmem>>
        %dma_start3A_56 = arith.constant 0 : i32
        %dma_start3A_57 = arith.constant 0 : i32
        %dma_start3A_58 = tpu.memref_slice %arg3[%dma_start3A_56, %dma_start3A_57] : memref<10000x128xf32, #tpu.memory_space<hbm>> -> memref<10000x128xf32, #tpu.memory_space<hbm>>
        tpu.enqueue_indirect_dma source(%dma_start3A_58 : memref<10000x128xf32, #tpu.memory_space<hbm>>) target(%arg10 : memref<128x128xf32, #tpu.memory_space<vmem>>) offsets(%dma_start3A_55 : memref<128xi32, #tpu.memory_space<vmem>>) semaphore(%arg12 : memref<!tpu.dma_semaphore, #tpu.memory_space<semaphore_mem>>)
        %dma_wait3A = arith.constant 0 : i32
        %dma_wait3A_59 = tpu.memref_slice %arg8[%scan3A_53, %dma_wait3A] : memref<80x128xi32, #tpu.memory_space<vmem>> -> memref<1x128xi32, #tpu.memory_space<vmem>>
        %dma_wait3A_60 = tpu.memref_squeeze %dma_wait3A_59 : memref<1x128xi32, #tpu.memory_space<vmem>> -> memref<128xi32, #tpu.memory_space<vmem>>
        %dma_wait3A_61 = arith.constant 0 : i32
        %dma_wait3A_62 = arith.constant 0 : i32
        %dma_wait3A_63 = tpu.memref_slice %arg3[%dma_wait3A_61, %dma_wait3A_62] : memref<10000x128xf32, #tpu.memory_space<hbm>> -> memref<10000x128xf32, #tpu.memory_space<hbm>>
        tpu.wait_indirect_dma semaphore(%arg12 : memref<!tpu.dma_semaphore, #tpu.memory_space<semaphore_mem>>) src(%dma_wait3A_63 : memref<10000x128xf32, #tpu.memory_space<hbm>>) dst(%arg10 : memref<128x128xf32, #tpu.memory_space<vmem>>)
        "tpu.region"() ({
          %run_scoped3A = tpu.sem_alloc : memref<!tpu.dma_semaphore, #tpu.memory_space<semaphore_mem>>
          %dma_start3A_64 = arith.constant 0 : i32
          %dma_start3A_65 = tpu.memref_slice %arg9[%scan3A_53, %dma_start3A_64] : memref<80x128xi32, #tpu.memory_space<vmem>> -> memref<1x128xi32, #tpu.memory_space<vmem>>
          %dma_start3A_66 = tpu.memref_squeeze %dma_start3A_65 : memref<1x128xi32, #tpu.memory_space<vmem>> -> memref<128xi32, #tpu.memory_space<vmem>>
          %dma_start3A_67 = arith.constant 0 : i32
          %dma_start3A_68 = arith.constant 0 : i32
          %dma_start3A_69 = tpu.memref_slice %arg11[%dma_start3A_67, %dma_start3A_68] : memref<10240x128xf32, #tpu.memory_space<vmem_shared>> -> memref<10240x128xf32, #tpu.memory_space<vmem_shared>>
          tpu.enqueue_indirect_dma source(%arg10 : memref<128x128xf32, #tpu.memory_space<vmem>>) target(%dma_start3A_69 : memref<10240x128xf32, #tpu.memory_space<vmem_shared>>) offsets(%dma_start3A_66 : memref<128xi32, #tpu.memory_space<vmem>>) semaphore(%run_scoped3A : memref<!tpu.dma_semaphore, #tpu.memory_space<semaphore_mem>>) {add = true}
          %dma_wait3A_70 = arith.constant 0 : i32
          %dma_wait3A_71 = tpu.memref_slice %arg9[%scan3A_53, %dma_wait3A_70] : memref<80x128xi32, #tpu.memory_space<vmem>> -> memref<1x128xi32, #tpu.memory_space<vmem>>
          %dma_wait3A_72 = tpu.memref_squeeze %dma_wait3A_71 : memref<1x128xi32, #tpu.memory_space<vmem>> -> memref<128xi32, #tpu.memory_space<vmem>>
          %dma_wait3A_73 = arith.constant 0 : i32
          %dma_wait3A_74 = arith.constant 0 : i32
          %dma_wait3A_75 = tpu.memref_slice %arg11[%dma_wait3A_73, %dma_wait3A_74] : memref<10240x128xf32, #tpu.memory_space<vmem_shared>> -> memref<10240x128xf32, #tpu.memory_space<vmem_shared>>
          tpu.wait_indirect_dma semaphore(%run_scoped3A : memref<!tpu.dma_semaphore, #tpu.memory_space<semaphore_mem>>) src(%arg10 : memref<128x128xf32, #tpu.memory_space<vmem>>) dst(%dma_wait3A_75 : memref<10240x128xf32, #tpu.memory_space<vmem_shared>>)
          tpu.yield
        }) : () -> ()
      }
      %scan3A_52 = arith.constant 80 : i32
    } else {
    }
    %barrier3A_34 = arith.constant 0 : index
    tpu.barrier barrier_id(%barrier3A_34)
    %mul3A_35 = arith.constant 640 : i32
    %mul3A_36 = arith.muli %arg1, %mul3A_35 : i32
    %eq3A_37 = arith.constant 0 : i32
    %eq3A_38 = arith.cmpi eq, %arg0, %eq3A_37 : i32
    %convert_element_type3A_39 = arith.extui %eq3A_38 : i1 to i32
    %cond3A_40 = arith.constant 0 : i32
    %cond3A_41 = arith.cmpi ne, %convert_element_type3A_39, %cond3A_40 : i32
    scf.if %cond3A_41 {
      "tpu.region"() ({
        %run_scoped3A = tpu.sem_alloc : memref<!tpu.dma_semaphore, #tpu.memory_space<semaphore_mem>>
        %dma_start3A = arith.constant 0 : i32
        %dma_start3A_47 = tpu.memref_slice %arg6[%mul3A_36, %dma_start3A] : memref<10240x128xf32, #tpu.memory_space<hbm>> -> memref<640x128xf32, #tpu.memory_space<hbm>>
        %dma_start3A_48 = arith.constant 0 : i32
        %dma_start3A_49 = tpu.memref_slice %arg11[%mul3A_36, %dma_start3A_48] : memref<10240x128xf32, #tpu.memory_space<vmem_shared>> -> memref<640x128xf32, #tpu.memory_space<vmem_shared>>
        tpu.enqueue_dma source(%dma_start3A_49 : memref<640x128xf32, #tpu.memory_space<vmem_shared>>) target(%dma_start3A_47 : memref<640x128xf32, #tpu.memory_space<hbm>>) target_semaphore(%run_scoped3A : memref<!tpu.dma_semaphore, #tpu.memory_space<semaphore_mem>>)
        %dma_wait3A = arith.constant 0 : i32
        %dma_wait3A_50 = tpu.memref_slice %arg6[%mul3A_36, %dma_wait3A] : memref<10240x128xf32, #tpu.memory_space<hbm>> -> memref<640x128xf32, #tpu.memory_space<hbm>>
        %dma_wait3A_51 = arith.constant 0 : i32
        %dma_wait3A_52 = tpu.memref_slice %arg11[%mul3A_36, %dma_wait3A_51] : memref<10240x128xf32, #tpu.memory_space<vmem_shared>> -> memref<640x128xf32, #tpu.memory_space<vmem_shared>>
        tpu.wait_dma2 semaphore(%run_scoped3A : memref<!tpu.dma_semaphore, #tpu.memory_space<semaphore_mem>>) src(%dma_wait3A_52 : memref<640x128xf32, #tpu.memory_space<vmem_shared>>) dst(%dma_wait3A_50 : memref<640x128xf32, #tpu.memory_space<hbm>>)
        tpu.yield
      }) : () -> ()
    } else {
    }
    %eq3A_42 = arith.constant 1 : i32
    %eq3A_43 = arith.cmpi eq, %arg0, %eq3A_42 : i32
    %convert_element_type3A_44 = arith.extui %eq3A_43 : i1 to i32
    %cond3A_45 = arith.constant 0 : i32
    %cond3A_46 = arith.cmpi ne, %convert_element_type3A_44, %cond3A_45 : i32
    scf.if %cond3A_46 {
      "tpu.region"() ({
        %run_scoped3A = tpu.sem_alloc : memref<!tpu.dma_semaphore, #tpu.memory_space<semaphore_mem>>
        %dma_start3A = arith.constant 0 : i32
        %dma_start3A_47 = tpu.memref_slice %arg7[%mul3A_36, %dma_start3A] : memref<10240x128xf32, #tpu.memory_space<hbm>> -> memref<640x128xf32, #tpu.memory_space<hbm>>
        %dma_start3A_48 = arith.constant 0 : i32
        %dma_start3A_49 = tpu.memref_slice %arg11[%mul3A_36, %dma_start3A_48] : memref<10240x128xf32, #tpu.memory_space<vmem_shared>> -> memref<640x128xf32, #tpu.memory_space<vmem_shared>>
        tpu.enqueue_dma source(%dma_start3A_49 : memref<640x128xf32, #tpu.memory_space<vmem_shared>>) target(%dma_start3A_47 : memref<640x128xf32, #tpu.memory_space<hbm>>) target_semaphore(%run_scoped3A : memref<!tpu.dma_semaphore, #tpu.memory_space<semaphore_mem>>)
        %dma_wait3A = arith.constant 0 : i32
        %dma_wait3A_50 = tpu.memref_slice %arg7[%mul3A_36, %dma_wait3A] : memref<10240x128xf32, #tpu.memory_space<hbm>> -> memref<640x128xf32, #tpu.memory_space<hbm>>
        %dma_wait3A_51 = arith.constant 0 : i32
        %dma_wait3A_52 = tpu.memref_slice %arg11[%mul3A_36, %dma_wait3A_51] : memref<10240x128xf32, #tpu.memory_space<vmem_shared>> -> memref<640x128xf32, #tpu.memory_space<vmem_shared>>
        tpu.wait_dma2 semaphore(%run_scoped3A : memref<!tpu.dma_semaphore, #tpu.memory_space<semaphore_mem>>) src(%dma_wait3A_52 : memref<640x128xf32, #tpu.memory_space<vmem_shared>>) dst(%dma_wait3A_50 : memref<640x128xf32, #tpu.memory_space<hbm>>)
        tpu.yield
      }) : () -> ()
    } else {
    }
    return
  }
}

module attributes {stable_mosaic.version = 14 : i64} {
  func.func @_enc_body(%arg0: i32, %arg1: memref<400x256xf32, #tpu.memory_space<vmem>>, %arg2: memref<256x256xf32, #tpu.memory_space<vmem>>, %arg3: memref<256x256xf32, #tpu.memory_space<vmem>>, %arg4: memref<400x256xf32, #tpu.memory_space<vmem>>, %arg5: memref<400x128xf32, #tpu.memory_space<vmem>>, %arg6: memref<400x128xf32, #tpu.memory_space<vmem>>) attributes {dimension_semantics = [#tpu.dimension_semantics<arbitrary>], iteration_bounds = array<i64: 25>, scalar_prefetch = 0 : i64, scratch_operands = 0 : i64, tpu.core_type = #tpu.core_type<tc>, window_params = [{transform_indices = @transform_0, window_bounds = array<i64: 400, 256>}, {pipeline_mode = #tpu.pipeline_mode<synchronous>, transform_indices = @transform_1, window_bounds = array<i64: 256, 256>}, {pipeline_mode = #tpu.pipeline_mode<synchronous>, transform_indices = @transform_2, window_bounds = array<i64: 256, 256>}, {transform_indices = @transform_3, window_bounds = array<i64: 400, 256>}, {transform_indices = @transform_4, window_bounds = array<i64: 400, 128>}, {transform_indices = @transform_5, window_bounds = array<i64: 400, 128>}]} {
    %get3A = arith.constant 0 : index
    %get3A_0 = arith.constant 0 : index
    %get3A_1 = vector.load %arg1[%get3A, %get3A_0] : memref<400x256xf32, #tpu.memory_space<vmem>>, vector<400x256xf32>
    %get3A_2 = arith.constant 0 : index
    %get3A_3 = arith.constant 0 : index
    %get3A_4 = vector.load %arg2[%get3A_2, %get3A_3] : memref<256x256xf32, #tpu.memory_space<vmem>>, vector<256x256xf32>
    %dot_general3A = arith.constant dense<0.000000e+00> : vector<400x256xf32>
    %dot_general3A_5 = tpu.matmul %get3A_1, %get3A_4, %dot_general3A {dimension_numbers = #tpu.dot_dimension_numbers<[1], [0], [0], [1], [0, 0, 1, 1], [], []>, transpose_lhs_hint = false} : vector<400x256xf32>, vector<256x256xf32>, vector<400x256xf32> -> vector<400x256xf32>
    %swap3A = arith.constant 0 : index
    %swap3A_6 = arith.constant 0 : index
    %swap3A_7 = vector.load %arg4[%swap3A, %swap3A_6] : memref<400x256xf32, #tpu.memory_space<vmem>>, vector<400x256xf32>
    tpu.vector_store %arg4[%swap3A, %swap3A_6], %dot_general3A_5 {strides = array<i32>} : memref<400x256xf32, #tpu.memory_space<vmem>>, vector<400x256xf32>,
    %get3A_8 = arith.constant 0 : index
    %get3A_9 = arith.constant 0 : index
    %get3A_10 = vector.load %arg3[%get3A_8, %get3A_9] : memref<256x256xf32, #tpu.memory_space<vmem>>, vector<256x256xf32>
    %dot_general3A_11 = arith.constant dense<0.000000e+00> : vector<400x256xf32>
    %dot_general3A_12 = tpu.matmul %dot_general3A_5, %get3A_10, %dot_general3A_11 {dimension_numbers = #tpu.dot_dimension_numbers<[1], [0], [0], [1], [0, 0, 1, 1], [], []>, transpose_lhs_hint = false} : vector<400x256xf32>, vector<256x256xf32>, vector<400x256xf32> -> vector<400x256xf32>
    %slice3A = vector.extract_strided_slice %dot_general3A_12 {offsets = [0, 0], sizes = [400, 128], strides = [1, 1]} : vector<400x256xf32> to vector<400x128xf32>
    %swap3A_13 = arith.constant 0 : index
    %swap3A_14 = arith.constant 0 : index
    %swap3A_15 = vector.load %arg5[%swap3A_13, %swap3A_14] : memref<400x128xf32, #tpu.memory_space<vmem>>, vector<400x128xf32>
    tpu.vector_store %arg5[%swap3A_13, %swap3A_14], %slice3A {strides = array<i32>} : memref<400x128xf32, #tpu.memory_space<vmem>>, vector<400x128xf32>,
    %slice3A_16 = vector.extract_strided_slice %dot_general3A_12 {offsets = [0, 128], sizes = [400, 128], strides = [1, 1]} : vector<400x256xf32> to vector<400x128xf32>
    %swap3A_17 = arith.constant 0 : index
    %swap3A_18 = arith.constant 0 : index
    %swap3A_19 = vector.load %arg6[%swap3A_17, %swap3A_18] : memref<400x128xf32, #tpu.memory_space<vmem>>, vector<400x128xf32>
    tpu.vector_store %arg6[%swap3A_17, %swap3A_18], %slice3A_16 {strides = array<i32>} : memref<400x128xf32, #tpu.memory_space<vmem>>, vector<400x128xf32>,
    return
  }
  func.func @transform_0(%arg0: i32) -> (i32, i32) {
    %c0_i32 = arith.constant 0 : i32
    %c0_i32_0 = arith.constant 0 : i32
    return %arg0, %c0_i32 : i32, i32
  }
  func.func @transform_1(%arg0: i32) -> (i32, i32) {
    %c0_i32 = arith.constant 0 : i32
    %c0_i32_0 = arith.constant 0 : i32
    %c0_i32_1 = arith.constant 0 : i32
    return %c0_i32, %c0_i32_0 : i32, i32
  }
  func.func @transform_2(%arg0: i32) -> (i32, i32) {
    %c0_i32 = arith.constant 0 : i32
    %c0_i32_0 = arith.constant 0 : i32
    %c0_i32_1 = arith.constant 0 : i32
    return %c0_i32, %c0_i32_0 : i32, i32
  }
  func.func @transform_3(%arg0: i32) -> (i32, i32) {
    %c0_i32 = arith.constant 0 : i32
    %c0_i32_0 = arith.constant 0 : i32
    return %arg0, %c0_i32 : i32, i32
  }
  func.func @transform_4(%arg0: i32) -> (i32, i32) {
    %c0_i32 = arith.constant 0 : i32
    %c0_i32_0 = arith.constant 0 : i32
    return %arg0, %c0_i32 : i32, i32
  }
  func.func @transform_5(%arg0: i32) -> (i32, i32) {
    %c0_i32 = arith.constant 0 : i32
    %c0_i32_0 = arith.constant 0 : i32
    return %arg0, %c0_i32 : i32, i32
  }
}

module attributes {stable_mosaic.version = 14 : i64} {
  func.func @_combine_mid_body(%arg0: i32, %arg1: memref<400x256xf32, #tpu.memory_space<vmem>>, %arg2: memref<400x128xf32, #tpu.memory_space<vmem>>, %arg3: memref<400x128xf32, #tpu.memory_space<vmem>>, %arg4: memref<256x256xf32, #tpu.memory_space<vmem>>, %arg5: memref<256x256xf32, #tpu.memory_space<vmem>>, %arg6: memref<1x1xf32, #tpu.memory_space<vmem>>, %arg7: memref<1x1xf32, #tpu.memory_space<vmem>>, %arg8: memref<1x256xf32, #tpu.memory_space<vmem>>, %arg9: memref<1x256xf32, #tpu.memory_space<vmem>>, %arg10: memref<400x256xf32, #tpu.memory_space<vmem>>, %arg11: memref<400x128xf32, #tpu.memory_space<vmem>>, %arg12: memref<400x128xf32, #tpu.memory_space<vmem>>) attributes {dimension_semantics = [#tpu.dimension_semantics<arbitrary>], iteration_bounds = array<i64: 25>, scalar_prefetch = 0 : i64, scratch_operands = 0 : i64, tpu.core_type = #tpu.core_type<tc>, window_params = [{transform_indices = @transform_0, window_bounds = array<i64: 400, 256>}, {transform_indices = @transform_1, window_bounds = array<i64: 400, 128>}, {transform_indices = @transform_2, window_bounds = array<i64: 400, 128>}, {pipeline_mode = #tpu.pipeline_mode<synchronous>, transform_indices = @transform_3, window_bounds = array<i64: 256, 256>}, {pipeline_mode = #tpu.pipeline_mode<synchronous>, transform_indices = @transform_4, window_bounds = array<i64: 256, 256>}, {pipeline_mode = #tpu.pipeline_mode<synchronous>, transform_indices = @transform_5, window_bounds = array<i64: 1, 1>}, {pipeline_mode = #tpu.pipeline_mode<synchronous>, transform_indices = @transform_6, window_bounds = array<i64: 1, 1>}, {pipeline_mode = #tpu.pipeline_mode<synchronous>, transform_indices = @transform_7, window_bounds = array<i64: 1, 256>}, {pipeline_mode = #tpu.pipeline_mode<synchronous>, transform_indices = @transform_8, window_bounds = array<i64: 1, 256>}, {transform_indices = @transform_9, window_bounds = array<i64: 400, 256>}, {transform_indices = @transform_10, window_bounds = array<i64: 400, 128>}, {transform_indices = @transform_11, window_bounds = array<i64: 400, 128>}]} {
    %get3A = arith.constant 0 : index
    %get3A_0 = arith.constant 0 : index
    %get3A_1 = vector.load %arg1[%get3A, %get3A_0] : memref<400x256xf32, #tpu.memory_space<vmem>>, vector<400x256xf32>
    %get3A_2 = arith.constant 0 : index
    %get3A_3 = arith.constant 0 : index
    %get3A_4 = vector.load %arg4[%get3A_2, %get3A_3] : memref<256x256xf32, #tpu.memory_space<vmem>>, vector<256x256xf32>
    %dot_general3A = arith.constant dense<0.000000e+00> : vector<400x256xf32>
    %dot_general3A_5 = tpu.matmul %get3A_1, %get3A_4, %dot_general3A {dimension_numbers = #tpu.dot_dimension_numbers<[1], [0], [0], [1], [0, 0, 1, 1], [], []>, transpose_lhs_hint = false} : vector<400x256xf32>, vector<256x256xf32>, vector<400x256xf32> -> vector<400x256xf32>
    %get3A_6 = arith.constant 0 : index
    %get3A_7 = arith.constant 0 : index
    %get3A_8 = vector.load %arg2[%get3A_6, %get3A_7] : memref<400x128xf32, #tpu.memory_space<vmem>>, vector<400x128xf32>
    %get3A_9 = arith.constant 0 : index
    %get3A_10 = arith.constant 0 : index
    %get3A_11 = vector.load %arg3[%get3A_9, %get3A_10] : memref<400x128xf32, #tpu.memory_space<vmem>>, vector<400x128xf32>
    %concatenate3A = tpu.concatenate %get3A_8, %get3A_11 in 1 : vector<400x128xf32>, vector<400x128xf32> -> vector<400x256xf32>
    %get3A_12 = arith.constant 0 : index
    %get3A_13 = arith.constant 0 : index
    %get3A_14 = vector.load %arg6[%get3A_12, %get3A_13] : memref<1x1xf32, #tpu.memory_space<vmem>>, vector<1x1xf32>
    %get3A_15 = vector.extract %get3A_14[0, 0] : f32 from vector<1x1xf32>
    %mul3A = vector.broadcast %get3A_15 : f32 to vector<400x256xf32>
    %mul3A_16 = arith.mulf %mul3A, %dot_general3A_5 : vector<400x256xf32>
    %get3A_17 = arith.constant 0 : index
    %get3A_18 = arith.constant 0 : index
    %get3A_19 = vector.load %arg7[%get3A_17, %get3A_18] : memref<1x1xf32, #tpu.memory_space<vmem>>, vector<1x1xf32>
    %get3A_20 = vector.extract %get3A_19[0, 0] : f32 from vector<1x1xf32>
    %mul3A_21 = vector.broadcast %get3A_20 : f32 to vector<400x256xf32>
    %mul3A_22 = arith.mulf %mul3A_21, %concatenate3A : vector<400x256xf32>
    %add3A = arith.addf %mul3A_16, %mul3A_22 : vector<400x256xf32>
    %max3A = arith.constant 0.000000e+00 : f32
    %max3A_23 = vector.broadcast %max3A : f32 to vector<400x256xf32>
    %max3A_24 = arith.maximumf %add3A, %max3A_23 : vector<400x256xf32>
    %get3A_25 = arith.constant 0 : index
    %get3A_26 = arith.constant 0 : index
    %get3A_27 = vector.load %arg8[%get3A_25, %get3A_26] : memref<1x256xf32, #tpu.memory_space<vmem>>, vector<1x256xf32>
    %get3A_28 = arith.constant 0 : index
    %get3A_29 = arith.constant 0 : index
    %get3A_30 = vector.load %arg9[%get3A_28, %get3A_29] : memref<1x256xf32, #tpu.memory_space<vmem>>, vector<1x256xf32>
    %reduce_sum3A = arith.constant dense<0.000000e+00> : vector<400xf32>
    %reduce_sum3A_31 = vector.multi_reduction <add>, %max3A_24, %reduce_sum3A [1] : vector<400x256xf32> to vector<400xf32>
    %broadcast_in_dim3A = vector.shape_cast %reduce_sum3A_31 : vector<400xf32> to vector<400x1xf32>
    %div3A = arith.constant 2.560000e+02 : f32
    %div3A_32 = vector.broadcast %div3A : f32 to vector<400x1xf32>
    %div3A_33 = arith.divf %broadcast_in_dim3A, %div3A_32 : vector<400x1xf32>
    %jit3A = arith.constant 0 : i32
    %reduce_sum3A_34 = arith.constant dense<0.000000e+00> : vector<400xf32>
    %reduce_sum3A_35 = vector.multi_reduction <add>, %max3A_24, %reduce_sum3A_34 [1] : vector<400x256xf32> to vector<400xf32>
    %broadcast_in_dim3A_36 = vector.shape_cast %reduce_sum3A_35 : vector<400xf32> to vector<400x1xf32>
    %div3A_37 = arith.constant 2.560000e+02 : f32
    %div3A_38 = vector.broadcast %div3A_37 : f32 to vector<400x1xf32>
    %div3A_39 = arith.divf %broadcast_in_dim3A_36, %div3A_38 : vector<400x1xf32>
    %sub3A = vector.broadcast %div3A_39 : vector<400x1xf32> to vector<400x256xf32>
    %sub3A_40 = arith.subf %max3A_24, %sub3A : vector<400x256xf32>
    %square3A = arith.mulf %sub3A_40, %sub3A_40 : vector<400x256xf32>
    %convert_element_type3A = arith.sitofp %jit3A : i32 to f32
    %sub3A_41 = arith.constant 2.560000e+02 : f32
    %sub3A_42 = arith.subf %sub3A_41, %convert_element_type3A : f32
    %reduce_sum3A_43 = arith.constant dense<0.000000e+00> : vector<400xf32>
    %reduce_sum3A_44 = vector.multi_reduction <add>, %square3A, %reduce_sum3A_43 [1] : vector<400x256xf32> to vector<400xf32>
    %broadcast_in_dim3A_45 = vector.shape_cast %reduce_sum3A_44 : vector<400xf32> to vector<400x1xf32>
    %div3A_46 = vector.broadcast %sub3A_42 : f32 to vector<400x1xf32>
    %div3A_47 = arith.divf %broadcast_in_dim3A_45, %div3A_46 : vector<400x1xf32>
    %gt3A = arith.constant 0.000000e+00 : f32
    %gt3A_48 = arith.cmpf ogt, %sub3A_42, %gt3A : f32
    %jit3A_49 = arith.constant 0x7FC00000 : f32
    %broadcast_in_dim3A_50 = vector.broadcast %jit3A_49 : f32 to vector<400x1xf32>
    %select_n3A = arith.select %gt3A_48, %div3A_47, %broadcast_in_dim3A_50 : vector<400x1xf32>
    %sub3A_51 = vector.broadcast %div3A_33 : vector<400x1xf32> to vector<400x256xf32>
    %sub3A_52 = arith.subf %max3A_24, %sub3A_51 : vector<400x256xf32>
    %add3A_53 = arith.constant 9.99999974E-6 : f32
    %add3A_54 = vector.broadcast %add3A_53 : f32 to vector<400x1xf32>
    %add3A_55 = arith.addf %select_n3A, %add3A_54 : vector<400x1xf32>
    %sqrt3A = math.sqrt %add3A_55 : vector<400x1xf32>
    %div3A_56 = vector.broadcast %sqrt3A : vector<400x1xf32> to vector<400x256xf32>
    %div3A_57 = arith.divf %sub3A_52, %div3A_56 : vector<400x256xf32>
    %mul3A_58 = vector.broadcast %get3A_27 : vector<1x256xf32> to vector<400x256xf32>
    %mul3A_59 = arith.mulf %div3A_57, %mul3A_58 : vector<400x256xf32>
    %add3A_60 = vector.broadcast %get3A_30 : vector<1x256xf32> to vector<400x256xf32>
    %add3A_61 = arith.addf %mul3A_59, %add3A_60 : vector<400x256xf32>
    %swap3A = arith.constant 0 : index
    %swap3A_62 = arith.constant 0 : index
    %swap3A_63 = vector.load %arg10[%swap3A, %swap3A_62] : memref<400x256xf32, #tpu.memory_space<vmem>>, vector<400x256xf32>
    tpu.vector_store %arg10[%swap3A, %swap3A_62], %add3A_61 {strides = array<i32>} : memref<400x256xf32, #tpu.memory_space<vmem>>, vector<400x256xf32>,
    %get3A_64 = arith.constant 0 : index
    %get3A_65 = arith.constant 0 : index
    %get3A_66 = vector.load %arg5[%get3A_64, %get3A_65] : memref<256x256xf32, #tpu.memory_space<vmem>>, vector<256x256xf32>
    %dot_general3A_67 = arith.constant dense<0.000000e+00> : vector<400x256xf32>
    %dot_general3A_68 = tpu.matmul %add3A_61, %get3A_66, %dot_general3A_67 {dimension_numbers = #tpu.dot_dimension_numbers<[1], [0], [0], [1], [0, 0, 1, 1], [], []>, transpose_lhs_hint = false} : vector<400x256xf32>, vector<256x256xf32>, vector<400x256xf32> -> vector<400x256xf32>
    %slice3A = vector.extract_strided_slice %dot_general3A_68 {offsets = [0, 0], sizes = [400, 128], strides = [1, 1]} : vector<400x256xf32> to vector<400x128xf32>
    %swap3A_69 = arith.constant 0 : index
    %swap3A_70 = arith.constant 0 : index
    %swap3A_71 = vector.load %arg11[%swap3A_69, %swap3A_70] : memref<400x128xf32, #tpu.memory_space<vmem>>, vector<400x128xf32>
    tpu.vector_store %arg11[%swap3A_69, %swap3A_70], %slice3A {strides = array<i32>} : memref<400x128xf32, #tpu.memory_space<vmem>>, vector<400x128xf32>,
    %slice3A_72 = vector.extract_strided_slice %dot_general3A_68 {offsets = [0, 128], sizes = [400, 128], strides = [1, 1]} : vector<400x256xf32> to vector<400x128xf32>
    %swap3A_73 = arith.constant 0 : index
    %swap3A_74 = arith.constant 0 : index
    %swap3A_75 = vector.load %arg12[%swap3A_73, %swap3A_74] : memref<400x128xf32, #tpu.memory_space<vmem>>, vector<400x128xf32>
    tpu.vector_store %arg12[%swap3A_73, %swap3A_74], %slice3A_72 {strides = array<i32>} : memref<400x128xf32, #tpu.memory_space<vmem>>, vector<400x128xf32>,
    return
  }
  func.func @transform_0(%arg0: i32) -> (i32, i32) {
    %c0_i32 = arith.constant 0 : i32
    %c0_i32_0 = arith.constant 0 : i32
    return %arg0, %c0_i32 : i32, i32
  }
  func.func @transform_1(%arg0: i32) -> (i32, i32) {
    %c0_i32 = arith.constant 0 : i32
    %c0_i32_0 = arith.constant 0 : i32
    return %arg0, %c0_i32 : i32, i32
  }
  func.func @transform_2(%arg0: i32) -> (i32, i32) {
    %c0_i32 = arith.constant 0 : i32
    %c0_i32_0 = arith.constant 0 : i32
    return %arg0, %c0_i32 : i32, i32
  }
  func.func @transform_3(%arg0: i32) -> (i32, i32) {
    %c0_i32 = arith.constant 0 : i32
    %c0_i32_0 = arith.constant 0 : i32
    %c0_i32_1 = arith.constant 0 : i32
    return %c0_i32, %c0_i32_0 : i32, i32
  }
  func.func @transform_4(%arg0: i32) -> (i32, i32) {
    %c0_i32 = arith.constant 0 : i32
    %c0_i32_0 = arith.constant 0 : i32
    %c0_i32_1 = arith.constant 0 : i32
    return %c0_i32, %c0_i32_0 : i32, i32
  }
  func.func @transform_5(%arg0: i32) -> (i32, i32) {
    %c0_i32 = arith.constant 0 : i32
    %c0_i32_0 = arith.constant 0 : i32
    %c0_i32_1 = arith.constant 0 : i32
    return %c0_i32, %c0_i32_0 : i32, i32
  }
  func.func @transform_6(%arg0: i32) -> (i32, i32) {
    %c0_i32 = arith.constant 0 : i32
    %c0_i32_0 = arith.constant 0 : i32
    %c0_i32_1 = arith.constant 0 : i32
    return %c0_i32, %c0_i32_0 : i32, i32
  }
  func.func @transform_7(%arg0: i32) -> (i32, i32) {
    %c0_i32 = arith.constant 0 : i32
    %c0_i32_0 = arith.constant 0 : i32
    %c0_i32_1 = arith.constant 0 : i32
    return %c0_i32, %c0_i32_0 : i32, i32
  }
  func.func @transform_8(%arg0: i32) -> (i32, i32) {
    %c0_i32 = arith.constant 0 : i32
    %c0_i32_0 = arith.constant 0 : i32
    %c0_i32_1 = arith.constant 0 : i32
    return %c0_i32, %c0_i32_0 : i32, i32
  }
  func.func @transform_9(%arg0: i32) -> (i32, i32) {
    %c0_i32 = arith.constant 0 : i32
    %c0_i32_0 = arith.constant 0 : i32
    return %arg0, %c0_i32 : i32, i32
  }
  func.func @transform_10(%arg0: i32) -> (i32, i32) {
    %c0_i32 = arith.constant 0 : i32
    %c0_i32_0 = arith.constant 0 : i32
    return %arg0, %c0_i32 : i32, i32
  }
  func.func @transform_11(%arg0: i32) -> (i32, i32) {
    %c0_i32 = arith.constant 0 : i32
    %c0_i32_0 = arith.constant 0 : i32
    return %arg0, %c0_i32 : i32, i32
  }
}

module attributes {stable_mosaic.version = 14 : i64} {
  func.func @_combine_mid_body(%arg0: i32, %arg1: memref<400x256xf32, #tpu.memory_space<vmem>>, %arg2: memref<400x128xf32, #tpu.memory_space<vmem>>, %arg3: memref<400x128xf32, #tpu.memory_space<vmem>>, %arg4: memref<256x256xf32, #tpu.memory_space<vmem>>, %arg5: memref<256x256xf32, #tpu.memory_space<vmem>>, %arg6: memref<1x1xf32, #tpu.memory_space<vmem>>, %arg7: memref<1x1xf32, #tpu.memory_space<vmem>>, %arg8: memref<1x256xf32, #tpu.memory_space<vmem>>, %arg9: memref<1x256xf32, #tpu.memory_space<vmem>>, %arg10: memref<400x256xf32, #tpu.memory_space<vmem>>, %arg11: memref<400x128xf32, #tpu.memory_space<vmem>>, %arg12: memref<400x128xf32, #tpu.memory_space<vmem>>) attributes {dimension_semantics = [#tpu.dimension_semantics<arbitrary>], iteration_bounds = array<i64: 25>, scalar_prefetch = 0 : i64, scratch_operands = 0 : i64, tpu.core_type = #tpu.core_type<tc>, window_params = [{transform_indices = @transform_0, window_bounds = array<i64: 400, 256>}, {transform_indices = @transform_1, window_bounds = array<i64: 400, 128>}, {transform_indices = @transform_2, window_bounds = array<i64: 400, 128>}, {pipeline_mode = #tpu.pipeline_mode<synchronous>, transform_indices = @transform_3, window_bounds = array<i64: 256, 256>}, {pipeline_mode = #tpu.pipeline_mode<synchronous>, transform_indices = @transform_4, window_bounds = array<i64: 256, 256>}, {pipeline_mode = #tpu.pipeline_mode<synchronous>, transform_indices = @transform_5, window_bounds = array<i64: 1, 1>}, {pipeline_mode = #tpu.pipeline_mode<synchronous>, transform_indices = @transform_6, window_bounds = array<i64: 1, 1>}, {pipeline_mode = #tpu.pipeline_mode<synchronous>, transform_indices = @transform_7, window_bounds = array<i64: 1, 256>}, {pipeline_mode = #tpu.pipeline_mode<synchronous>, transform_indices = @transform_8, window_bounds = array<i64: 1, 256>}, {transform_indices = @transform_9, window_bounds = array<i64: 400, 256>}, {transform_indices = @transform_10, window_bounds = array<i64: 400, 128>}, {transform_indices = @transform_11, window_bounds = array<i64: 400, 128>}]} {
    %get3A = arith.constant 0 : index
    %get3A_0 = arith.constant 0 : index
    %get3A_1 = vector.load %arg1[%get3A, %get3A_0] : memref<400x256xf32, #tpu.memory_space<vmem>>, vector<400x256xf32>
    %get3A_2 = arith.constant 0 : index
    %get3A_3 = arith.constant 0 : index
    %get3A_4 = vector.load %arg4[%get3A_2, %get3A_3] : memref<256x256xf32, #tpu.memory_space<vmem>>, vector<256x256xf32>
    %dot_general3A = arith.constant dense<0.000000e+00> : vector<400x256xf32>
    %dot_general3A_5 = tpu.matmul %get3A_1, %get3A_4, %dot_general3A {dimension_numbers = #tpu.dot_dimension_numbers<[1], [0], [0], [1], [0, 0, 1, 1], [], []>, transpose_lhs_hint = false} : vector<400x256xf32>, vector<256x256xf32>, vector<400x256xf32> -> vector<400x256xf32>
    %get3A_6 = arith.constant 0 : index
    %get3A_7 = arith.constant 0 : index
    %get3A_8 = vector.load %arg2[%get3A_6, %get3A_7] : memref<400x128xf32, #tpu.memory_space<vmem>>, vector<400x128xf32>
    %get3A_9 = arith.constant 0 : index
    %get3A_10 = arith.constant 0 : index
    %get3A_11 = vector.load %arg3[%get3A_9, %get3A_10] : memref<400x128xf32, #tpu.memory_space<vmem>>, vector<400x128xf32>
    %concatenate3A = tpu.concatenate %get3A_8, %get3A_11 in 1 : vector<400x128xf32>, vector<400x128xf32> -> vector<400x256xf32>
    %get3A_12 = arith.constant 0 : index
    %get3A_13 = arith.constant 0 : index
    %get3A_14 = vector.load %arg6[%get3A_12, %get3A_13] : memref<1x1xf32, #tpu.memory_space<vmem>>, vector<1x1xf32>
    %get3A_15 = vector.extract %get3A_14[0, 0] : f32 from vector<1x1xf32>
    %mul3A = vector.broadcast %get3A_15 : f32 to vector<400x256xf32>
    %mul3A_16 = arith.mulf %mul3A, %dot_general3A_5 : vector<400x256xf32>
    %get3A_17 = arith.constant 0 : index
    %get3A_18 = arith.constant 0 : index
    %get3A_19 = vector.load %arg7[%get3A_17, %get3A_18] : memref<1x1xf32, #tpu.memory_space<vmem>>, vector<1x1xf32>
    %get3A_20 = vector.extract %get3A_19[0, 0] : f32 from vector<1x1xf32>
    %mul3A_21 = vector.broadcast %get3A_20 : f32 to vector<400x256xf32>
    %mul3A_22 = arith.mulf %mul3A_21, %concatenate3A : vector<400x256xf32>
    %add3A = arith.addf %mul3A_16, %mul3A_22 : vector<400x256xf32>
    %max3A = arith.constant 0.000000e+00 : f32
    %max3A_23 = vector.broadcast %max3A : f32 to vector<400x256xf32>
    %max3A_24 = arith.maximumf %add3A, %max3A_23 : vector<400x256xf32>
    %get3A_25 = arith.constant 0 : index
    %get3A_26 = arith.constant 0 : index
    %get3A_27 = vector.load %arg8[%get3A_25, %get3A_26] : memref<1x256xf32, #tpu.memory_space<vmem>>, vector<1x256xf32>
    %get3A_28 = arith.constant 0 : index
    %get3A_29 = arith.constant 0 : index
    %get3A_30 = vector.load %arg9[%get3A_28, %get3A_29] : memref<1x256xf32, #tpu.memory_space<vmem>>, vector<1x256xf32>
    %reduce_sum3A = arith.constant dense<0.000000e+00> : vector<400xf32>
    %reduce_sum3A_31 = vector.multi_reduction <add>, %max3A_24, %reduce_sum3A [1] : vector<400x256xf32> to vector<400xf32>
    %broadcast_in_dim3A = vector.shape_cast %reduce_sum3A_31 : vector<400xf32> to vector<400x1xf32>
    %div3A = arith.constant 2.560000e+02 : f32
    %div3A_32 = vector.broadcast %div3A : f32 to vector<400x1xf32>
    %div3A_33 = arith.divf %broadcast_in_dim3A, %div3A_32 : vector<400x1xf32>
    %jit3A = arith.constant 0 : i32
    %reduce_sum3A_34 = arith.constant dense<0.000000e+00> : vector<400xf32>
    %reduce_sum3A_35 = vector.multi_reduction <add>, %max3A_24, %reduce_sum3A_34 [1] : vector<400x256xf32> to vector<400xf32>
    %broadcast_in_dim3A_36 = vector.shape_cast %reduce_sum3A_35 : vector<400xf32> to vector<400x1xf32>
    %div3A_37 = arith.constant 2.560000e+02 : f32
    %div3A_38 = vector.broadcast %div3A_37 : f32 to vector<400x1xf32>
    %div3A_39 = arith.divf %broadcast_in_dim3A_36, %div3A_38 : vector<400x1xf32>
    %sub3A = vector.broadcast %div3A_39 : vector<400x1xf32> to vector<400x256xf32>
    %sub3A_40 = arith.subf %max3A_24, %sub3A : vector<400x256xf32>
    %square3A = arith.mulf %sub3A_40, %sub3A_40 : vector<400x256xf32>
    %convert_element_type3A = arith.sitofp %jit3A : i32 to f32
    %sub3A_41 = arith.constant 2.560000e+02 : f32
    %sub3A_42 = arith.subf %sub3A_41, %convert_element_type3A : f32
    %reduce_sum3A_43 = arith.constant dense<0.000000e+00> : vector<400xf32>
    %reduce_sum3A_44 = vector.multi_reduction <add>, %square3A, %reduce_sum3A_43 [1] : vector<400x256xf32> to vector<400xf32>
    %broadcast_in_dim3A_45 = vector.shape_cast %reduce_sum3A_44 : vector<400xf32> to vector<400x1xf32>
    %div3A_46 = vector.broadcast %sub3A_42 : f32 to vector<400x1xf32>
    %div3A_47 = arith.divf %broadcast_in_dim3A_45, %div3A_46 : vector<400x1xf32>
    %gt3A = arith.constant 0.000000e+00 : f32
    %gt3A_48 = arith.cmpf ogt, %sub3A_42, %gt3A : f32
    %jit3A_49 = arith.constant 0x7FC00000 : f32
    %broadcast_in_dim3A_50 = vector.broadcast %jit3A_49 : f32 to vector<400x1xf32>
    %select_n3A = arith.select %gt3A_48, %div3A_47, %broadcast_in_dim3A_50 : vector<400x1xf32>
    %sub3A_51 = vector.broadcast %div3A_33 : vector<400x1xf32> to vector<400x256xf32>
    %sub3A_52 = arith.subf %max3A_24, %sub3A_51 : vector<400x256xf32>
    %add3A_53 = arith.constant 9.99999974E-6 : f32
    %add3A_54 = vector.broadcast %add3A_53 : f32 to vector<400x1xf32>
    %add3A_55 = arith.addf %select_n3A, %add3A_54 : vector<400x1xf32>
    %sqrt3A = math.sqrt %add3A_55 : vector<400x1xf32>
    %div3A_56 = vector.broadcast %sqrt3A : vector<400x1xf32> to vector<400x256xf32>
    %div3A_57 = arith.divf %sub3A_52, %div3A_56 : vector<400x256xf32>
    %mul3A_58 = vector.broadcast %get3A_27 : vector<1x256xf32> to vector<400x256xf32>
    %mul3A_59 = arith.mulf %div3A_57, %mul3A_58 : vector<400x256xf32>
    %add3A_60 = vector.broadcast %get3A_30 : vector<1x256xf32> to vector<400x256xf32>
    %add3A_61 = arith.addf %mul3A_59, %add3A_60 : vector<400x256xf32>
    %add3A_62 = arith.addf %add3A_61, %get3A_1 : vector<400x256xf32>
    %swap3A = arith.constant 0 : index
    %swap3A_63 = arith.constant 0 : index
    %swap3A_64 = vector.load %arg10[%swap3A, %swap3A_63] : memref<400x256xf32, #tpu.memory_space<vmem>>, vector<400x256xf32>
    tpu.vector_store %arg10[%swap3A, %swap3A_63], %add3A_62 {strides = array<i32>} : memref<400x256xf32, #tpu.memory_space<vmem>>, vector<400x256xf32>,
    %get3A_65 = arith.constant 0 : index
    %get3A_66 = arith.constant 0 : index
    %get3A_67 = vector.load %arg5[%get3A_65, %get3A_66] : memref<256x256xf32, #tpu.memory_space<vmem>>, vector<256x256xf32>
    %dot_general3A_68 = arith.constant dense<0.000000e+00> : vector<400x256xf32>
    %dot_general3A_69 = tpu.matmul %add3A_62, %get3A_67, %dot_general3A_68 {dimension_numbers = #tpu.dot_dimension_numbers<[1], [0], [0], [1], [0, 0, 1, 1], [], []>, transpose_lhs_hint = false} : vector<400x256xf32>, vector<256x256xf32>, vector<400x256xf32> -> vector<400x256xf32>
    %slice3A = vector.extract_strided_slice %dot_general3A_69 {offsets = [0, 0], sizes = [400, 128], strides = [1, 1]} : vector<400x256xf32> to vector<400x128xf32>
    %swap3A_70 = arith.constant 0 : index
    %swap3A_71 = arith.constant 0 : index
    %swap3A_72 = vector.load %arg11[%swap3A_70, %swap3A_71] : memref<400x128xf32, #tpu.memory_space<vmem>>, vector<400x128xf32>
    tpu.vector_store %arg11[%swap3A_70, %swap3A_71], %slice3A {strides = array<i32>} : memref<400x128xf32, #tpu.memory_space<vmem>>, vector<400x128xf32>,
    %slice3A_73 = vector.extract_strided_slice %dot_general3A_69 {offsets = [0, 128], sizes = [400, 128], strides = [1, 1]} : vector<400x256xf32> to vector<400x128xf32>
    %swap3A_74 = arith.constant 0 : index
    %swap3A_75 = arith.constant 0 : index
    %swap3A_76 = vector.load %arg12[%swap3A_74, %swap3A_75] : memref<400x128xf32, #tpu.memory_space<vmem>>, vector<400x128xf32>
    tpu.vector_store %arg12[%swap3A_74, %swap3A_75], %slice3A_73 {strides = array<i32>} : memref<400x128xf32, #tpu.memory_space<vmem>>, vector<400x128xf32>,
    return
  }
  func.func @transform_0(%arg0: i32) -> (i32, i32) {
    %c0_i32 = arith.constant 0 : i32
    %c0_i32_0 = arith.constant 0 : i32
    return %arg0, %c0_i32 : i32, i32
  }
  func.func @transform_1(%arg0: i32) -> (i32, i32) {
    %c0_i32 = arith.constant 0 : i32
    %c0_i32_0 = arith.constant 0 : i32
    return %arg0, %c0_i32 : i32, i32
  }
  func.func @transform_2(%arg0: i32) -> (i32, i32) {
    %c0_i32 = arith.constant 0 : i32
    %c0_i32_0 = arith.constant 0 : i32
    return %arg0, %c0_i32 : i32, i32
  }
  func.func @transform_3(%arg0: i32) -> (i32, i32) {
    %c0_i32 = arith.constant 0 : i32
    %c0_i32_0 = arith.constant 0 : i32
    %c0_i32_1 = arith.constant 0 : i32
    return %c0_i32, %c0_i32_0 : i32, i32
  }
  func.func @transform_4(%arg0: i32) -> (i32, i32) {
    %c0_i32 = arith.constant 0 : i32
    %c0_i32_0 = arith.constant 0 : i32
    %c0_i32_1 = arith.constant 0 : i32
    return %c0_i32, %c0_i32_0 : i32, i32
  }
  func.func @transform_5(%arg0: i32) -> (i32, i32) {
    %c0_i32 = arith.constant 0 : i32
    %c0_i32_0 = arith.constant 0 : i32
    %c0_i32_1 = arith.constant 0 : i32
    return %c0_i32, %c0_i32_0 : i32, i32
  }
  func.func @transform_6(%arg0: i32) -> (i32, i32) {
    %c0_i32 = arith.constant 0 : i32
    %c0_i32_0 = arith.constant 0 : i32
    %c0_i32_1 = arith.constant 0 : i32
    return %c0_i32, %c0_i32_0 : i32, i32
  }
  func.func @transform_7(%arg0: i32) -> (i32, i32) {
    %c0_i32 = arith.constant 0 : i32
    %c0_i32_0 = arith.constant 0 : i32
    %c0_i32_1 = arith.constant 0 : i32
    return %c0_i32, %c0_i32_0 : i32, i32
  }
  func.func @transform_8(%arg0: i32) -> (i32, i32) {
    %c0_i32 = arith.constant 0 : i32
    %c0_i32_0 = arith.constant 0 : i32
    %c0_i32_1 = arith.constant 0 : i32
    return %c0_i32, %c0_i32_0 : i32, i32
  }
  func.func @transform_9(%arg0: i32) -> (i32, i32) {
    %c0_i32 = arith.constant 0 : i32
    %c0_i32_0 = arith.constant 0 : i32
    return %arg0, %c0_i32 : i32, i32
  }
  func.func @transform_10(%arg0: i32) -> (i32, i32) {
    %c0_i32 = arith.constant 0 : i32
    %c0_i32_0 = arith.constant 0 : i32
    return %arg0, %c0_i32 : i32, i32
  }
  func.func @transform_11(%arg0: i32) -> (i32, i32) {
    %c0_i32 = arith.constant 0 : i32
    %c0_i32_0 = arith.constant 0 : i32
    return %arg0, %c0_i32 : i32, i32
  }
}

module attributes {stable_mosaic.version = 14 : i64} {
  func.func @_combine_last_body(%arg0: i32, %arg1: memref<400x256xf32, #tpu.memory_space<vmem>>, %arg2: memref<400x128xf32, #tpu.memory_space<vmem>>, %arg3: memref<400x128xf32, #tpu.memory_space<vmem>>, %arg4: memref<256x256xf32, #tpu.memory_space<vmem>>, %arg5: memref<256x256xf32, #tpu.memory_space<vmem>>, %arg6: memref<1x1xf32, #tpu.memory_space<vmem>>, %arg7: memref<1x1xf32, #tpu.memory_space<vmem>>, %arg8: memref<1x256xf32, #tpu.memory_space<vmem>>, %arg9: memref<1x256xf32, #tpu.memory_space<vmem>>, %arg10: memref<1x256xf32, #tpu.memory_space<vmem>>, %arg11: memref<400x256xf32, #tpu.memory_space<vmem>>) attributes {dimension_semantics = [#tpu.dimension_semantics<arbitrary>], iteration_bounds = array<i64: 25>, scalar_prefetch = 0 : i64, scratch_operands = 0 : i64, tpu.core_type = #tpu.core_type<tc>, window_params = [{transform_indices = @transform_0, window_bounds = array<i64: 400, 256>}, {transform_indices = @transform_1, window_bounds = array<i64: 400, 128>}, {transform_indices = @transform_2, window_bounds = array<i64: 400, 128>}, {pipeline_mode = #tpu.pipeline_mode<synchronous>, transform_indices = @transform_3, window_bounds = array<i64: 256, 256>}, {pipeline_mode = #tpu.pipeline_mode<synchronous>, transform_indices = @transform_4, window_bounds = array<i64: 256, 256>}, {pipeline_mode = #tpu.pipeline_mode<synchronous>, transform_indices = @transform_5, window_bounds = array<i64: 1, 1>}, {pipeline_mode = #tpu.pipeline_mode<synchronous>, transform_indices = @transform_6, window_bounds = array<i64: 1, 1>}, {pipeline_mode = #tpu.pipeline_mode<synchronous>, transform_indices = @transform_7, window_bounds = array<i64: 1, 256>}, {pipeline_mode = #tpu.pipeline_mode<synchronous>, transform_indices = @transform_8, window_bounds = array<i64: 1, 256>}, {pipeline_mode = #tpu.pipeline_mode<synchronous>, transform_indices = @transform_9, window_bounds = array<i64: 1, 256>}, {transform_indices = @transform_10, window_bounds = array<i64: 400, 256>}]} {
    %get3A = arith.constant 0 : index
    %get3A_0 = arith.constant 0 : index
    %get3A_1 = vector.load %arg1[%get3A, %get3A_0] : memref<400x256xf32, #tpu.memory_space<vmem>>, vector<400x256xf32>
    %get3A_2 = arith.constant 0 : index
    %get3A_3 = arith.constant 0 : index
    %get3A_4 = vector.load %arg4[%get3A_2, %get3A_3] : memref<256x256xf32, #tpu.memory_space<vmem>>, vector<256x256xf32>
    %dot_general3A = arith.constant dense<0.000000e+00> : vector<400x256xf32>
    %dot_general3A_5 = tpu.matmul %get3A_1, %get3A_4, %dot_general3A {dimension_numbers = #tpu.dot_dimension_numbers<[1], [0], [0], [1], [0, 0, 1, 1], [], []>, transpose_lhs_hint = false} : vector<400x256xf32>, vector<256x256xf32>, vector<400x256xf32> -> vector<400x256xf32>
    %get3A_6 = arith.constant 0 : index
    %get3A_7 = arith.constant 0 : index
    %get3A_8 = vector.load %arg2[%get3A_6, %get3A_7] : memref<400x128xf32, #tpu.memory_space<vmem>>, vector<400x128xf32>
    %get3A_9 = arith.constant 0 : index
    %get3A_10 = arith.constant 0 : index
    %get3A_11 = vector.load %arg3[%get3A_9, %get3A_10] : memref<400x128xf32, #tpu.memory_space<vmem>>, vector<400x128xf32>
    %concatenate3A = tpu.concatenate %get3A_8, %get3A_11 in 1 : vector<400x128xf32>, vector<400x128xf32> -> vector<400x256xf32>
    %get3A_12 = arith.constant 0 : index
    %get3A_13 = arith.constant 0 : index
    %get3A_14 = vector.load %arg6[%get3A_12, %get3A_13] : memref<1x1xf32, #tpu.memory_space<vmem>>, vector<1x1xf32>
    %get3A_15 = vector.extract %get3A_14[0, 0] : f32 from vector<1x1xf32>
    %mul3A = vector.broadcast %get3A_15 : f32 to vector<400x256xf32>
    %mul3A_16 = arith.mulf %mul3A, %dot_general3A_5 : vector<400x256xf32>
    %get3A_17 = arith.constant 0 : index
    %get3A_18 = arith.constant 0 : index
    %get3A_19 = vector.load %arg7[%get3A_17, %get3A_18] : memref<1x1xf32, #tpu.memory_space<vmem>>, vector<1x1xf32>
    %get3A_20 = vector.extract %get3A_19[0, 0] : f32 from vector<1x1xf32>
    %mul3A_21 = vector.broadcast %get3A_20 : f32 to vector<400x256xf32>
    %mul3A_22 = arith.mulf %mul3A_21, %concatenate3A : vector<400x256xf32>
    %add3A = arith.addf %mul3A_16, %mul3A_22 : vector<400x256xf32>
    %max3A = arith.constant 0.000000e+00 : f32
    %max3A_23 = vector.broadcast %max3A : f32 to vector<400x256xf32>
    %max3A_24 = arith.maximumf %add3A, %max3A_23 : vector<400x256xf32>
    %get3A_25 = arith.constant 0 : index
    %get3A_26 = arith.constant 0 : index
    %get3A_27 = vector.load %arg8[%get3A_25, %get3A_26] : memref<1x256xf32, #tpu.memory_space<vmem>>, vector<1x256xf32>
    %get3A_28 = arith.constant 0 : index
    %get3A_29 = arith.constant 0 : index
    %get3A_30 = vector.load %arg9[%get3A_28, %get3A_29] : memref<1x256xf32, #tpu.memory_space<vmem>>, vector<1x256xf32>
    %reduce_sum3A = arith.constant dense<0.000000e+00> : vector<400xf32>
    %reduce_sum3A_31 = vector.multi_reduction <add>, %max3A_24, %reduce_sum3A [1] : vector<400x256xf32> to vector<400xf32>
    %broadcast_in_dim3A = vector.shape_cast %reduce_sum3A_31 : vector<400xf32> to vector<400x1xf32>
    %div3A = arith.constant 2.560000e+02 : f32
    %div3A_32 = vector.broadcast %div3A : f32 to vector<400x1xf32>
    %div3A_33 = arith.divf %broadcast_in_dim3A, %div3A_32 : vector<400x1xf32>
    %jit3A = arith.constant 0 : i32
    %reduce_sum3A_34 = arith.constant dense<0.000000e+00> : vector<400xf32>
    %reduce_sum3A_35 = vector.multi_reduction <add>, %max3A_24, %reduce_sum3A_34 [1] : vector<400x256xf32> to vector<400xf32>
    %broadcast_in_dim3A_36 = vector.shape_cast %reduce_sum3A_35 : vector<400xf32> to vector<400x1xf32>
    %div3A_37 = arith.constant 2.560000e+02 : f32
    %div3A_38 = vector.broadcast %div3A_37 : f32 to vector<400x1xf32>
    %div3A_39 = arith.divf %broadcast_in_dim3A_36, %div3A_38 : vector<400x1xf32>
    %sub3A = vector.broadcast %div3A_39 : vector<400x1xf32> to vector<400x256xf32>
    %sub3A_40 = arith.subf %max3A_24, %sub3A : vector<400x256xf32>
    %square3A = arith.mulf %sub3A_40, %sub3A_40 : vector<400x256xf32>
    %convert_element_type3A = arith.sitofp %jit3A : i32 to f32
    %sub3A_41 = arith.constant 2.560000e+02 : f32
    %sub3A_42 = arith.subf %sub3A_41, %convert_element_type3A : f32
    %reduce_sum3A_43 = arith.constant dense<0.000000e+00> : vector<400xf32>
    %reduce_sum3A_44 = vector.multi_reduction <add>, %square3A, %reduce_sum3A_43 [1] : vector<400x256xf32> to vector<400xf32>
    %broadcast_in_dim3A_45 = vector.shape_cast %reduce_sum3A_44 : vector<400xf32> to vector<400x1xf32>
    %div3A_46 = vector.broadcast %sub3A_42 : f32 to vector<400x1xf32>
    %div3A_47 = arith.divf %broadcast_in_dim3A_45, %div3A_46 : vector<400x1xf32>
    %gt3A = arith.constant 0.000000e+00 : f32
    %gt3A_48 = arith.cmpf ogt, %sub3A_42, %gt3A : f32
    %jit3A_49 = arith.constant 0x7FC00000 : f32
    %broadcast_in_dim3A_50 = vector.broadcast %jit3A_49 : f32 to vector<400x1xf32>
    %select_n3A = arith.select %gt3A_48, %div3A_47, %broadcast_in_dim3A_50 : vector<400x1xf32>
    %sub3A_51 = vector.broadcast %div3A_33 : vector<400x1xf32> to vector<400x256xf32>
    %sub3A_52 = arith.subf %max3A_24, %sub3A_51 : vector<400x256xf32>
    %add3A_53 = arith.constant 9.99999974E-6 : f32
    %add3A_54 = vector.broadcast %add3A_53 : f32 to vector<400x1xf32>
    %add3A_55 = arith.addf %select_n3A, %add3A_54 : vector<400x1xf32>
    %sqrt3A = math.sqrt %add3A_55 : vector<400x1xf32>
    %div3A_56 = vector.broadcast %sqrt3A : vector<400x1xf32> to vector<400x256xf32>
    %div3A_57 = arith.divf %sub3A_52, %div3A_56 : vector<400x256xf32>
    %mul3A_58 = vector.broadcast %get3A_27 : vector<1x256xf32> to vector<400x256xf32>
    %mul3A_59 = arith.mulf %div3A_57, %mul3A_58 : vector<400x256xf32>
    %add3A_60 = vector.broadcast %get3A_30 : vector<1x256xf32> to vector<400x256xf32>
    %add3A_61 = arith.addf %mul3A_59, %add3A_60 : vector<400x256xf32>
    %add3A_62 = arith.addf %add3A_61, %get3A_1 : vector<400x256xf32>
    %get3A_63 = arith.constant 0 : index
    %get3A_64 = arith.constant 0 : index
    %get3A_65 = vector.load %arg5[%get3A_63, %get3A_64] : memref<256x256xf32, #tpu.memory_space<vmem>>, vector<256x256xf32>
    %dot_general3A_66 = arith.constant dense<0.000000e+00> : vector<400x256xf32>
    %dot_general3A_67 = tpu.matmul %add3A_62, %get3A_65, %dot_general3A_66 {dimension_numbers = #tpu.dot_dimension_numbers<[1], [0], [0], [1], [0, 0, 1, 1], [], []>, transpose_lhs_hint = false} : vector<400x256xf32>, vector<256x256xf32>, vector<400x256xf32> -> vector<400x256xf32>
    %get3A_68 = arith.constant 0 : index
    %get3A_69 = arith.constant 0 : index
    %get3A_70 = vector.load %arg10[%get3A_68, %get3A_69] : memref<1x256xf32, #tpu.memory_space<vmem>>, vector<1x256xf32>
    %add3A_71 = vector.broadcast %get3A_70 : vector<1x256xf32> to vector<400x256xf32>
    %add3A_72 = arith.addf %dot_general3A_67, %add3A_71 : vector<400x256xf32>
    %swap3A = arith.constant 0 : index
    %swap3A_73 = arith.constant 0 : index
    %swap3A_74 = vector.load %arg11[%swap3A, %swap3A_73] : memref<400x256xf32, #tpu.memory_space<vmem>>, vector<400x256xf32>
    tpu.vector_store %arg11[%swap3A, %swap3A_73], %add3A_72 {strides = array<i32>} : memref<400x256xf32, #tpu.memory_space<vmem>>, vector<400x256xf32>,
    return
  }
  func.func @transform_0(%arg0: i32) -> (i32, i32) {
    %c0_i32 = arith.constant 0 : i32
    %c0_i32_0 = arith.constant 0 : i32
    return %arg0, %c0_i32 : i32, i32
  }
  func.func @transform_1(%arg0: i32) -> (i32, i32) {
    %c0_i32 = arith.constant 0 : i32
    %c0_i32_0 = arith.constant 0 : i32
    return %arg0, %c0_i32 : i32, i32
  }
  func.func @transform_2(%arg0: i32) -> (i32, i32) {
    %c0_i32 = arith.constant 0 : i32
    %c0_i32_0 = arith.constant 0 : i32
    return %arg0, %c0_i32 : i32, i32
  }
  func.func @transform_3(%arg0: i32) -> (i32, i32) {
    %c0_i32 = arith.constant 0 : i32
    %c0_i32_0 = arith.constant 0 : i32
    %c0_i32_1 = arith.constant 0 : i32
    return %c0_i32, %c0_i32_0 : i32, i32
  }
  func.func @transform_4(%arg0: i32) -> (i32, i32) {
    %c0_i32 = arith.constant 0 : i32
    %c0_i32_0 = arith.constant 0 : i32
    %c0_i32_1 = arith.constant 0 : i32
    return %c0_i32, %c0_i32_0 : i32, i32
  }
  func.func @transform_5(%arg0: i32) -> (i32, i32) {
    %c0_i32 = arith.constant 0 : i32
    %c0_i32_0 = arith.constant 0 : i32
    %c0_i32_1 = arith.constant 0 : i32
    return %c0_i32, %c0_i32_0 : i32, i32
  }
  func.func @transform_6(%arg0: i32) -> (i32, i32) {
    %c0_i32 = arith.constant 0 : i32
    %c0_i32_0 = arith.constant 0 : i32
    %c0_i32_1 = arith.constant 0 : i32
    return %c0_i32, %c0_i32_0 : i32, i32
  }
  func.func @transform_7(%arg0: i32) -> (i32, i32) {
    %c0_i32 = arith.constant 0 : i32
    %c0_i32_0 = arith.constant 0 : i32
    %c0_i32_1 = arith.constant 0 : i32
    return %c0_i32, %c0_i32_0 : i32, i32
  }
  func.func @transform_8(%arg0: i32) -> (i32, i32) {
    %c0_i32 = arith.constant 0 : i32
    %c0_i32_0 = arith.constant 0 : i32
    %c0_i32_1 = arith.constant 0 : i32
    return %c0_i32, %c0_i32_0 : i32, i32
  }
  func.func @transform_9(%arg0: i32) -> (i32, i32) {
    %c0_i32 = arith.constant 0 : i32
    %c0_i32_0 = arith.constant 0 : i32
    %c0_i32_1 = arith.constant 0 : i32
    return %c0_i32, %c0_i32_0 : i32, i32
  }
  func.func @transform_10(%arg0: i32) -> (i32, i32) {
    %c0_i32 = arith.constant 0 : i32
    %c0_i32_0 = arith.constant 0 : i32
    return %arg0, %c0_i32 : i32, i32
  }
}

</mosaic_0001>

<sc_bundles>
// kernel: kernel.11.cloned.1.call-start
scs
__scs_entry_jumppad:
0x0: {  	(pc) =	sbr.rel $0x88, $3  }
0x1: {  	(tag) =	ssettag $0x0;
	lr =	simm.s32 $0x1  }
0x2: {  	[smem:$0x3F96] =	sst lr;
	_ =	strace $0xD0000000  }
0x3: {  	_ = 	snop  }
0x4: {  	_ = 	snop  }
0x5: {  	_ = 	snop  }
0x6: {  	_ = 	snop  }
0x7: {  	_ = 	snop  }
__scs_overlays_trampoline_lowered:
0x8: {  	[smem:$0x3FA5] =	sst s0  }
0x9: {  	[smem:$0x3FA6] =	sst s1  }
0xa: {  	[smem:$0x3FA7] =	sst s2  }
0xb: {  	[smem:$0x3FA8] =	sst s3  }
0xc: {  	[smem:$0x3FA9] =	sst s4  }
0xd: {  	[smem:$0x3FAA] =	sst s5  }
0xe: {  	[smem:$0x3FAB] =	sst s6  }
0xf: {  	[smem:$0x3FAC] =	sst s7  }
0x10: {  	[smem:$0x3FAD] =	sst s8  }
0x11: {  	[smem:$0x3FAE] =	sst s9;
	s0 =	simm.s32 @!p0 $0x0  }
0x12: {  	s1 =	sld [smem:$0x3F94];
	s0 =	simm.s32 @p0 $0x1  }
0x13: {  	[smem:$0x3FAF] =	sst s0;
	s0 =	simm.s32 @!p1 $0x0  }
0x14: {  	s2 =	sld [smem:$0x3F93];
	s0 =	simm.s32 @p1 $0x1  }
0x15: {  	[smem:$0x3FB0] =	sst s0;
	s0 =	simm.s32 @!p2 $0x0  }
0x16: {  	s3 =	sld [smem:$0x3FDB];
	s0 =	simm.s32 @p2 $0x1  }
0x17: {  	s4 =	simm.s32 $0x1BF5;
	[smem:$0x3FB2] =	sst s0  }
0x18: {  	s0 =	sld [smem:$0x3F95];
	_ =	swait.ge [sflag:s4], $0x0  }
0x19: {  	s7 =	sld [smem:$0x3F96]  }
0x1a: {  	s8 =	sadd.s32 $0xFFFFE003, lr  }
0x1b: {  	s9 =	sadd.s32 $0xFFFFFEF7, lr;
	s5 =	simm.s32 $0xFFFFFFFF;
	p2 =	slt.u32 s8, $0xFFFFF086  }
0x1c: {  	p1 =	slt.u32 s9, $0xF7A;
	s5 =	simm.s32 @!p2 $0x0  }
0x1d: {  	s5 =	simm.s32 @p1 $0x1;
	p0 =	seq.s32 s7, s2  }
0x1e: {  	s7 =	smul.u32 @!p0 $0xF7A, s2;
	p2 =	seq.s32 @!p0 s5, $0x0  }
0x1f: {  	s9 =	smul.u32 $0xF7A, s1;
	s8 =	simm.s32 @!p0 $0x1BF5;
	p2 =	por !p2, p0  }
0x20: {  	[sflag:s8] =	ssyncset.s32 @!p0 $0xFFFFF086;
	s6 =	sadd.s32 @!p0 s3, s7;
	s7 =	simm.s32 @!p0 $0x108  }
0x21: {  	s3 =	sadd.s32 s3, s9;
	s6 =	sadd.s32 @!p0 $0x88, s6;
	s7 =	simm.s32 @p2 $0x1082  }
0x22: {  	[simem:s7], [sflag:s8] =	dma.local @!p0 [hbm:s6], $0xF7A  }
0x23: {  	s9 =	sor.u32 $0xD0000000, s2;
	s6 =	simm.s32 $0x108;
	_ =	swait.ge @!p0 [sflag:s8], $0x0  }
0x24: {  	s3 =	sadd.s32 $0x88, s3;
	s6 =	simm.s32 @!p1 $0x1082;
	[sflag:s4] =	ssyncset.s32 $0xFFFFF086  }
0x25: {  	[simem:s6], [sflag:s4] =	dma.local [hbm:s3], $0xF7A  }
0x26: {  	[smem:$0x3F96] =	sst s1;
	(tag) =	ssettag s2;
	_ =	strace s9  }
0x27: {  	s1 =	sld [smem:$0x3FA6]  }
0x28: {  	s2 =	sld [smem:$0x3FA7]  }
0x29: {  	s4 =	sld [smem:$0x3FA9]  }
0x2a: {  	p0 =	seq.s32 s5, $0x0;
	s5 =	sld [smem:$0x3FAA]  }
0x2b: {  	s6 =	sld [smem:$0x3FAB]  }
0x2c: {  	s7 =	sld [smem:$0x3FAC]  }
0x2d: {  	s3 =	simm.s32 $0x108;
	s8 =	sld [smem:$0x3FAD]  }
0x2e: {  	s3 =	simm.s32 @!p0 $0x1082;
	s9 =	sld [smem:$0x3FAE]  }
0x2f: {  	lr =	sadd.s32 s0, s3;
	s0 =	sld [smem:$0x3FA5]  }
0x30: {  	s3 =	sld [smem:$0x3FA8]  }
0x31: {  	[smem:$0x3FB1] =	sst s10  }
0x32: {  	s10 =	sld [smem:$0x3FAF];
	_ =	sdelay $0x3  }
0x33: {  	p0 =	seq.s32 s10, $0x1;
	s10 =	sld [smem:$0x3FB1];
	_ =	sdelay $0x3  }
0x34: {  	[smem:$0x3FB1] =	sst s10  }
0x35: {  	s10 =	sld [smem:$0x3FB0];
	_ =	sdelay $0x3  }
0x36: {  	p1 =	seq.s32 s10, $0x1;
	s10 =	sld [smem:$0x3FB1];
	_ =	sdelay $0x3  }
0x37: {  	[smem:$0x3FB1] =	sst s10  }
0x38: {  	s10 =	sld [smem:$0x3FB2]  }
0x39: {  	_ = 	snop;
	(pc) =	sbr.ind lr, $3  }
0x3a: {  	_ = 	snop  }
0x3b: {  	_ = 	snop  }
0x3c: {  	p2 =	seq.s32 s10, $0x1;
	s10 =	sld [smem:$0x3FB1]  }
0x3d: {  	_ =	shalt  }
0x3e: {  	_ =	shalt  }
0x3f: {  	_ =	shalt  }
0x40: {  	_ =	shalt  }
0x41: {  	_ =	shalt  }
0x42: {  	_ =	shalt  }
0x43: {  	_ =	shalt  }
0x44: {  	_ =	shalt  }
0x45: {  	_ =	shalt  }
0x46: {  	_ =	shalt  }
0x47: {  	_ =	shalt  }
0x48: {  	_ =	shalt  }
0x49: {  	_ =	shalt  }
0x4a: {  	_ =	shalt  }
0x4b: {  	_ =	shalt  }
0x4c: {  	_ =	shalt  }
0x4d: {  	_ =	shalt  }
0x4e: {  	_ =	shalt  }
0x4f: {  	_ =	shalt  }
0x50: {  	_ =	shalt  }
0x51: {  	_ =	shalt  }
0x52: {  	_ =	shalt  }
0x53: {  	_ =	shalt  }
0x54: {  	_ =	shalt  }
0x55: {  	_ =	shalt  }
0x56: {  	_ =	shalt  }
0x57: {  	_ =	shalt  }
0x58: {  	_ =	shalt  }
0x59: {  	_ =	shalt  }
0x5a: {  	_ =	shalt  }
0x5b: {  	_ =	shalt  }
0x5c: {  	_ =	shalt  }
0x5d: {  	_ =	shalt  }
0x5e: {  	_ =	shalt  }
0x5f: {  	_ =	shalt  }
0x60: {  	_ =	shalt  }
0x61: {  	_ =	shalt  }
0x62: {  	_ =	shalt  }
0x63: {  	_ =	shalt  }
0x64: {  	_ =	shalt  }
0x65: {  	_ =	shalt  }
0x66: {  	_ =	shalt  }
0x67: {  	_ =	shalt  }
0x68: {  	_ =	shalt  }
0x69: {  	_ =	shalt  }
0x6a: {  	_ =	shalt  }
0x6b: {  	_ =	shalt  }
0x6c: {  	_ =	shalt  }
0x6d: {  	_ =	shalt  }
0x6e: {  	_ =	shalt  }
0x6f: {  	_ =	shalt  }
0x70: {  	_ =	shalt  }
0x71: {  	_ =	shalt  }
0x72: {  	_ =	shalt  }
0x73: {  	_ =	shalt  }
0x74: {  	_ =	shalt  }
0x75: {  	_ =	shalt  }
0x76: {  	_ =	shalt  }
0x77: {  	_ =	shalt  }
0x78: {  	_ =	shalt  }
0x79: {  	_ =	shalt  }
0x7a: {  	_ =	shalt  }
0x7b: {  	_ =	shalt  }
0x7c: {  	_ =	shalt  }
0x7d: {  	_ =	shalt  }
0x7e: {  	_ =	shalt  }
0x7f: {  	_ =	shalt  }
0x80: {  	_ =	shalt  }
0x81: {  	_ =	shalt  }
0x82: {  	_ =	shalt  }
0x83: {  	_ =	shalt  }
0x84: {  	_ =	shalt  }
0x85: {  	_ =	shalt  }
0x86: {  	_ =	shalt  }
0x87: {  	_ =	shalt  }
.Lfunc_end0:
.L_simem_size_0:
called_computation_lowered:
.L_overlay_start_0:
0x88: {  	s2 =	sld [smem:$0x3FD9]  }
0x89: {  	s3 =	sld [smem:$0x3FFE];
	_ =	sdelay $0x1  }
0x8a: {  	s1 =	srdreg.scid  }
0x8b: {  	s0 =	sand.u32 $0x1, s1  }
0x8c: {  	s16 =	sshll.u32 s0, $0xA;
	s2 =	sadd.s32 s3, s2  }
0x8d: {  	s2 =	sadd.s32 s2, s16  }
0x8e: {  	[smem:$0x3FBD] =	sst s2  }
0x8f: {  	_ = 	snop  }
0x90: {  	(tm) =	ssettm $0x1  }
0x91: {  	s17 =	sld [smem:$0x3FFB];
	_ =	sdelay $0x3  }
0x92: {  	_ =	strace s17  }
0x93: {  	s2 =	sld [smem:$0x3FFC];
	_ =	sdelay $0x3  }
0x94: {  	_ =	strace s2  }
0x95: {  	s2 =	sld [smem:$0x3FFD];
	_ =	sdelay $0x3  }
0x96: {  	_ =	strace s2  }
0x97: {  	_ =	strace $0x8FFFFFFF  }
0x98: {  	s18 =	sld [smem:$0x3FDB];
	_ =	sdelay $0x1  }
0x99: {  	s19 =	simm.s32 $_scs_section_size  }
0x9a: {  	s4 =	simm.s32 $_size__tile_overlayer_lowered;
	s5 =	simm.s32 $_tile_overlayer_lowered  }
0x9b: {  	s22 =	simm.s32 $0x1BFF;
	s21 =	sshll.u32 s5, $0x1;
	s2 =	sadd.s32 s19, s18  }
0x9c: {  	s6 =	simm.s32 $0x0;
	s20 =	sshll.u32 s4, $0x1;
	s4 =	sadd.s32 s21, s2  }
0x9d: {  	[timem:s6], [sflag:s22] =	dma.local [hbm:s4], s20  }
0x9e: {  	_ =	swait.ge [sflag:s22], s20  }
0x9f: {  	s3 =	ssub.s32 $0x0, s20;
	[sflag:s22] =	ssyncset.done $0x0  }
0xa0: {  	[sflag:s22] =	ssyncadd.s32 s3;
	_ =	sdelay $0x1  }
0xa1: {  	s23 =	simm.s32 $0x1B8B  }
0xa2: {  	_ =	swait.ge [sflag:s23], $0x1  }
0xa3: {  	[sflag:s23] =	ssyncset.done $0x0  }
0xa4: {  	s25 =	simm.s32 $0x1B8E;
	s24 =	sld [smem:$0x3FFE];
	[sflag:s23] =	ssyncadd.s32 $0xFFFFFFFF  }
0xa5: {  	s26 =	simm.s32 $execute0_lowered;
	[smem:$0x3FD2] =	sst s25  }
0xa6: {  	s4 =	sshll.u32 s26, $0x1;
	_ =	strace $0x80000046;
	[dreg:$0x1] =	wrdreg $0xFFFFFFFF  }
0xa7: {  	s28 =	simm.s32 $_size_execute0_lowered;
	s2 =	sadd.s32 s2, s4;
	[dreg:$0x0] =	wrdreg $0x0  }
0xa8: {  	s4 =	sshll.u32 s28, $0x1;
	[dreg:$0x2] =	wrdreg s2  }
0xa9: {  	[dreg:$0x3] =	wrdreg s4  }
0xaa: {  	[dreg:$0x4] =	wrdreg $0xC0  }
0xab: {  	_ =	task [dreg:s6], $0x5FFFF  }
0xac: {  	[dreg:$0x1] =	wrdreg $0xFFFFFFFF  }
0xad: {  	[dreg:$0x0] =	wrdreg $0x60  }
0xae: {  	[dreg:$0x2] =	wrdreg s24  }
0xaf: {  	[dreg:$0x3] =	wrdreg $0x90000  }
0xb0: {  	[dreg:$0x4] =	wrdreg $0x9  }
0xb1: {  	_ =	task.clear_ibuf [dreg:s6], $0x5FFFF;
	_ =	strace $0x90000046  }
0xb2: {  	s29 =	simm.s32 $0x9;
	_ =	strace $0x80000048  }
0xb3: {  	_ =	swait.ge [sflag:s29], $0x1  }
0xb4: {  	[sflag:s29] =	ssyncadd.s32 $0xFFFFFFFF  }
0xb5: {  	_ =	strace $0x90000048  }
0xb6: {  	_ =	sfence  }
0xb7: {  	s30 =	sld [smem:$0x0];
	_ =	sdelay $0x2  }
0xb8: {  	s31 =	sshll.u32 s1, $0xD;
	s1 =	sshrl.u32 s1, $0x2  }
0xb9: {  	s3 =	sand.u32 $0x4000, s31;
	s1 =	sadd.s32 s1, s30  }
0xba: {  	s0 =	sor.u32 s3, s0;
	s1 =	sshll.u32 s1, $0x11  }
0xbb: {  	s0 =	sor.u32 s1, s0  }
0xbc: {  	s0 =	sadd.s32 $0x8F2B, s0  }
0xbd: {  	[sflag:s0] =	ssyncadd.remote.s32 $0x1  }
0xbe: {  	_ =	sfence.sel $0xFFFF  }
0xbf: {  	[dreg:$0x0] =	wrdreg $0xFFFFFFFF;
	(pc) =	sbr.abs _section_cstart, $3  }
0xc0: {  	[dreg:$0x1] =	wrdreg $0xFFFFFFFF  }
0xc1: {  	_ =	task.clear_ibuf [dreg:s6], $0x2FFFF;
	_ =	strace $0x9FFFFFFF  }
0xc2: {  	(tm) =	ssettm $0x7FFFFFFF  }
0xc3: {  	_ =	shalt  }
tec
execute0_lowered:
.L_overlay_start_1:
0x0: {  	(tag) =	ssettag $0x1  }
0x1: {  	s7 =	rddreg [dreg:$0x0]  }
0x2: {  	s2 =	rddreg [dreg:$0x1]  }
0x3: {  	s0 =	rddreg [dreg:$0x2];
	s3 =	simm.s32 $0x0  }
0x4: {  	s1 =	stileid.u32;
	s5 =	srdreg.scid;
	s17 =	simm.s32 $0x2  }
0x5: {  	s18 =	simm.s32 $0x2800;
	s20 =	simm.s32 $0x80;
	s21 =	simm.s32 $0x1  }
0x6: {  	s24 =	simm.s32 $0x0;
	[smem:$0x7FF] =	sst s3;
	s6 =	smul.u32 $0x500, s1  }
0x7: {  	s4 =	sadd.s32 $0x10600, s7;
	s19 =	sand.u32 $0x1, s5;
	s8 =	smul.u32 $0x50000, s1  }
0x8: {  	s5 =	sadd.s32 $0x37800, s7;
	s15 =	smul.u32 $0x2800, s1;
	s22 =	sshll.u32 s1, $0x6  }
0x9: {  	_ =	strace $0x80000047;
	s9 =	ssub.s32 $0x2, s19;
	p0 =	sne.s32 s19, $0x0  }
0xa: {  	s19 =	simm.s32 $0x5000;
	s22 =	sor.u32 $0x1C02, s22;
	s10 =	sadd.s32 s6, s7  }
.Ltmp0:
0xb: {  	s6 =	sadd.s32 $0x5EA00, s7;
	s11 =	sshrl.u32 s9, $0x1;
	(pc) =	sbr.rel .LBB2_1-.Ltmp0, $4  }
0xc: {  	s8 =	sshrl.u32 s8, $0x2;
	s7 =	sadd.s32 $0x86A00, s7;
	s16 =	ssub.s32 s9, s11  }
0xd: {  	s8 =	sadd.s32 s8, s2;
	s9 =	sadd.s32 $0xB600, s10;
	s10 =	sadd.s32 $0x6600, s10  }
0xe: {  	s11 =	sadd.s32 $0x4000, s8;
	s12 =	sadd.s32 $0x8000, s8;
	s13 =	sadd.s32 $0xC000, s8  }
0xf: {  	v0 =	vimm.f32 $0.0e+00;
	s14 =	sadd.s32 $0x10000, s8;
	s16 =	smax.u32 s16, $0x1;
	s23 =	sshrl.u32 s8, $0x3  }
.LBB2_9:
0x10: {  	s25 =	sshra.s32 s25, $0x2;
	[sflag:s17] =	ssyncadd.s32 $0xFFFFC000  }
0x11: {  	[tilespmem:s19], [sflag:$0x1] =	stream.indirect.gather [hbm4b:s5+s20], $0x80, s25, s20, $0xb8;
	[tilespmem:$0x1D000] =	vst v63  }
0x12: {  	_ =	swait.ge [sflag:s21], $0x4000  }
0x13: {  	[sflag:s21] =	ssyncset.done $0x0  }
0x14: {  	s25 =	sadd.s32 $0x2800, s25;
	[sflag:s21] =	ssyncadd.s32 $0xFFFFC000  }
0x15: {  	[spmem:s2] =	stream.indirect.scatter.add.f32 [tilespmem:s19], [sflag:$0x2], $0x80, s25, s20, $0xb8;
	[tilespmem:$0x1D000] =	vst v63  }
0x16: {  	_ =	swait.ge [sflag:s17], $0x4000  }
0x17: {  	[sflag:s17] =	ssyncset.done $0x0  }
0x18: {  	s25 =	smov.u32 s7;
	[sflag:s17] =	ssyncadd.s32 $0xFFFFC000  }
.LBB2_10:
0x19: {  	s24 =	sadd.s32 $0x1, s24  }
0x1a: {  	p1 =	sne.s32 s24, s16  }
.Ltmp1:
0x1b: {  	s25 =	sadd.s32 s25, s15;
	[bflag:$0x0] =	sbarrier.arrive $0xFFFF;
	(pc) =	sbr.rel @!p1 .LBB2_11-.Ltmp1, $4  }
0x1c: {  	[hbm:s25], [sflag:s22] =	dma.local [spmem:s23], $0x2800  }
0x1d: {  	_ =	swait.ge [sflag:s17], $0x2800  }
0x1e: {  	[sflag:s17] =	ssyncset.done $0x0  }
0x1f: {  	[sflag:s17] =	ssyncadd.s32 $0xFFFFD800  }
.LBB2_1:
0x20: {  	[tilespmem:s3], [sflag:$0x2] =	stream.linear.gather [hbm4b:s9+s3], $0x2800, $0x38;
	[tilespmem:$0x1D000] =	vst v63  }
0x21: {  	_ =	swait.ge [sflag:s17], $0x2800  }
0x22: {  	[sflag:s17] =	ssyncset.done $0x0  }
0x23: {  	[sflag:s17] =	ssyncadd.s32 $0xFFFFD800  }
0x24: {  	[tilespmem:s18], [sflag:$0x2] =	stream.linear.gather [hbm4b:s10+s3], $0x2800, $0x38;
	[tilespmem:$0x1D000] =	vst v63  }
0x25: {  	_ =	swait.ge [sflag:s17], $0x2800  }
0x26: {  	[sflag:s17] =	ssyncset.done $0x0  }
0x27: {  	s25 =	simm.s32 $0x0;
	s26 =	simm.s32 $0x200;
	[sflag:s17] =	ssyncadd.s32 $0xFFFFD800  }
.LBB2_2:
0x28: {  	p1 =	sne.s32 s26, $0xFE00;
	[tilespmem:s25+$0x5070] =	vst v0  }
0x29: {  	[tilespmem:s25+$0x5000] =	vst v0  }
0x2a: {  	[tilespmem:s25+$0x5010] =	vst v0  }
.Ltmp2:
0x2b: {  	[tilespmem:s25+$0x5020] =	vst v0;
	(pc) =	sbr.rel @p1 .LBB2_2-.Ltmp2, $4  }
0x2c: {  	[tilespmem:s25+$0x5030] =	vst v0  }
0x2d: {  	[tilespmem:s25+$0x5040] =	vst v0  }
0x2e: {  	[tilespmem:s25+$0x5050] =	vst v0  }
0x2f: {  	[tilespmem:s25+$0x5060] =	vst v0;
	s25 =	sshra.s32 s26, $0x2;
	s26 =	sadd.s32 $0x200, s26  }
0x30: {  	[tilespmem:s25+$0x5070] =	vst v0  }
0x31: {  	[tilespmem:s25+$0x5000] =	vst v0  }
0x32: {  	[tilespmem:s25+$0x5010] =	vst v0  }
0x33: {  	[tilespmem:s25+$0x5020] =	vst v0  }
0x34: {  	[tilespmem:s25+$0x5030] =	vst v0  }
0x35: {  	[tilespmem:s25+$0x5040] =	vst v0  }
0x36: {  	[tilespmem:s25+$0x5050] =	vst v0  }
0x37: {  	[tilespmem:s25+$0x5060] =	vst v0  }
0x38: {  	[spmem:s8] =	stream.linear.scatter [tilespmem:s19], [sflag:$0x2], $0x4000, $0x38;
	[tilespmem:$0x1D000] =	vst v63  }
0x39: {  	_ =	swait.ge [sflag:s17], $0x4000  }
0x3a: {  	[sflag:s17] =	ssyncset.done $0x0  }
0x3b: {  	[sflag:s17] =	ssyncadd.s32 $0xFFFFC000  }
0x3c: {  	[spmem:s11] =	stream.linear.scatter [tilespmem:s19], [sflag:$0x2], $0x4000, $0x38;
	[tilespmem:$0x1D000] =	vst v63  }
0x3d: {  	_ =	swait.ge [sflag:s17], $0x4000  }
0x3e: {  	[sflag:s17] =	ssyncset.done $0x0  }
0x3f: {  	[sflag:s17] =	ssyncadd.s32 $0xFFFFC000  }
0x40: {  	[spmem:s12] =	stream.linear.scatter [tilespmem:s19], [sflag:$0x2], $0x4000, $0x38;
	[tilespmem:$0x1D000] =	vst v63  }
0x41: {  	_ =	swait.ge [sflag:s17], $0x4000  }
0x42: {  	[sflag:s17] =	ssyncset.done $0x0  }
0x43: {  	[sflag:s17] =	ssyncadd.s32 $0xFFFFC000  }
0x44: {  	[spmem:s13] =	stream.linear.scatter [tilespmem:s19], [sflag:$0x2], $0x4000, $0x38;
	[tilespmem:$0x1D000] =	vst v63  }
0x45: {  	_ =	swait.ge [sflag:s17], $0x4000  }
0x46: {  	[sflag:s17] =	ssyncset.done $0x0  }
0x47: {  	[sflag:s17] =	ssyncadd.s32 $0xFFFFC000  }
0x48: {  	[spmem:s14] =	stream.linear.scatter [tilespmem:s19], [sflag:$0x2], $0x4000, $0x38;
	[tilespmem:$0x1D000] =	vst v63  }
.Ltmp3:
0x49: {  	_ =	swait.ge [sflag:s17], $0x4000;
	(pc) =	sbr.rel @p0 .LBB2_7-.Ltmp3, $4  }
0x4a: {  	[sflag:s17] =	ssyncset.done $0x0  }
0x4b: {  	[sflag:s17] =	ssyncadd.s32 $0xFFFFC000  }
0x4c: {  	[bflag:$0x0] =	sbarrier.arrive $0xFFFF  }
0x4d: {  	s25 =	simm.s32 $0x0  }
0x4e: {  	[tilespmem:s19], [sflag:$0x1] =	stream.indirect.gather [hbm4b:s4+s20], $0x80, s25, s20, $0xb8;
	[tilespmem:$0x1D000] =	vst v63  }
0x4f: {  	_ =	swait.ge [sflag:s21], $0x4000  }
0x50: {  	[sflag:s21] =	ssyncset.done $0x0  }
0x51: {  	s31 =	simm.s32 $0x2800;
	[sflag:s21] =	ssyncadd.s32 $0xFFFFC000  }
0x52: {  	[spmem:s2] =	stream.indirect.scatter.add.f32 [tilespmem:s19], [sflag:$0x2], $0x80, s31, s20, $0xb8;
	[tilespmem:$0x1D000] =	vst v63  }
0x53: {  	_ =	swait.ge [sflag:s17], $0x4000  }
0x54: {  	s25 =	simm.s32 $0x200;
	s26 =	simm.s32 $0x400;
	[sflag:s17] =	ssyncset.done $0x0  }
.LBB2_5:
0x55: {  	s28 =	sshra.s32 s25, $0x2  }
0x56: {  	[sflag:s17] =	ssyncadd.s32 $0xFFFFC000;
	s25 =	smov.u32 s26;
	s29 =	sadd.s32 $0x200, s26  }
0x57: {  	[tilespmem:s19], [sflag:$0x1] =	stream.indirect.gather [hbm4b:s4+s20], $0x80, s28, s20, $0xb8;
	[tilespmem:$0x1D000] =	vst v63  }
0x58: {  	p1 =	seq.s32 s26, $0x9E00;
	_ =	swait.ge [sflag:s21], $0x4000  }
.Ltmp4:
0x59: {  	[sflag:s21] =	ssyncset.done $0x0;
	(pc) =	sbr.rel @!p1 .LBB2_5-.Ltmp4, $4  }
0x5a: {  	s26 =	sadd.s32 $0x2800, s28;
	[sflag:s21] =	ssyncadd.s32 $0xFFFFC000  }
0x5b: {  	[spmem:s2] =	stream.indirect.scatter.add.f32 [tilespmem:s19], [sflag:$0x2], $0x80, s26, s20, $0xb8;
	[tilespmem:$0x1D000] =	vst v63  }
0x5c: {  	_ =	swait.ge [sflag:s17], $0x4000  }
0x5d: {  	s26 =	smov.u32 s29;
	[sflag:s17] =	ssyncset.done $0x0  }
0x5e: {  	s25 =	sshra.s32 s25, $0x2;
	[sflag:s17] =	ssyncadd.s32 $0xFFFFC000  }
0x5f: {  	[tilespmem:s19], [sflag:$0x1] =	stream.indirect.gather [hbm4b:s4+s20], $0x80, s25, s20, $0xb8;
	[tilespmem:$0x1D000] =	vst v63  }
0x60: {  	_ =	swait.ge [sflag:s21], $0x4000  }
0x61: {  	[sflag:s21] =	ssyncset.done $0x0  }
.Ltmp5:
0x62: {  	s25 =	sadd.s32 $0x2800, s25;
	[sflag:s21] =	ssyncadd.s32 $0xFFFFC000;
	(pc) =	sbr.rel .LBB2_10-.Ltmp5, $4  }
0x63: {  	[spmem:s2] =	stream.indirect.scatter.add.f32 [tilespmem:s19], [sflag:$0x2], $0x80, s25, s20, $0xb8;
	[tilespmem:$0x1D000] =	vst v63  }
0x64: {  	_ =	swait.ge [sflag:s17], $0x4000  }
0x65: {  	[sflag:s17] =	ssyncset.done $0x0  }
0x66: {  	s25 =	smov.u32 s6;
	[sflag:s17] =	ssyncadd.s32 $0xFFFFC000  }
.LBB2_7:
0x67: {  	[tilespmem:s19], [sflag:$0x1] =	stream.indirect.gather [hbm4b:s5+s20], $0x80, s25, s20, $0xb8;
	[tilespmem:$0x1D000] =	vst v63  }
0x68: {  	_ =	swait.ge [sflag:s21], $0x4000  }
0x69: {  	[sflag:s21] =	ssyncset.done $0x0  }
0x6a: {  	s31 =	simm.s32 $0x2800;
	[sflag:s21] =	ssyncadd.s32 $0xFFFFC000  }
0x6b: {  	[spmem:s2] =	stream.indirect.scatter.add.f32 [tilespmem:s19], [sflag:$0x2], $0x80, s31, s20, $0xb8;
	[tilespmem:$0x1D000] =	vst v63  }
0x6c: {  	_ =	swait.ge [sflag:s17], $0x4000  }
0x6d: {  	s25 =	simm.s32 $0x200;
	s26 =	simm.s32 $0x400;
	[sflag:s17] =	ssyncset.done $0x0  }
.LBB2_8:
0x6e: {  	s28 =	sshra.s32 s25, $0x2  }
0x6f: {  	[sflag:s17] =	ssyncadd.s32 $0xFFFFC000;
	s25 =	smov.u32 s26;
	s29 =	sadd.s32 $0x200, s26  }
0x70: {  	[tilespmem:s19], [sflag:$0x1] =	stream.indirect.gather [hbm4b:s5+s20], $0x80, s28, s20, $0xb8;
	[tilespmem:$0x1D000] =	vst v63  }
0x71: {  	p1 =	sne.s32 s26, $0x9E00;
	_ =	swait.ge [sflag:s21], $0x4000  }
.Ltmp6:
0x72: {  	[sflag:s21] =	ssyncset.done $0x0;
	(pc) =	sbr.rel @p1 .LBB2_8-.Ltmp6, $4  }
0x73: {  	s26 =	sadd.s32 $0x2800, s28;
	[sflag:s21] =	ssyncadd.s32 $0xFFFFC000  }
0x74: {  	[spmem:s2] =	stream.indirect.scatter.add.f32 [tilespmem:s19], [sflag:$0x2], $0x80, s26, s20, $0xb8;
	[tilespmem:$0x1D000] =	vst v63  }
0x75: {  	_ =	swait.ge [sflag:s17], $0x4000  }
0x76: {  	s26 =	smov.u32 s29;
	[sflag:s17] =	ssyncset.done $0x0  }
.Ltmp7:
0x77: {  	_ = 	snop;
	(pc) =	sbr.rel .LBB2_9-.Ltmp7, $1  }
0x78: {  	_ =	sdelay $0x3  }
.LBB2_11:
0x79: {  	_ =	sfence.sel $0x180000  }
0x7a: {  	[bflag:$0x0] =	sbarrier.arrive $0xFFFF  }
0x7b: {  	p0 =	sne.s32 s1, $0x0;
	_ =	strace $0x90000047  }
0x7c: {  	s0 =	sadd.s32 @!p0 $0x100000, s0;
	[bflag:$0x2] =	sbarrier.arrive $0xFFFF  }
0x7d: {  	[sflag:s0] =	ssyncadd.tile.s32 @!p0 $0x1;
	_ =	shalt  }
.Lfunc_end2:
_tile_overlayer_lowered:
.L_overlay_start_2:
0x7e: {  	(tag) =	ssettag $0x2  }
0x7f: {  	s0 =	rddreg [dreg:$0x0];
	s2 =	stileid.u32  }
0x80: {  	s1 =	rddreg [dreg:$0x1];
	p0 =	sne.s32 s2, $0x0  }
0x81: {  	s3 =	rddreg [dreg:$0x2];
	[bflag:$0x3] =	sbarrier.arrive $0xFFFF;
	s2 =	simm.s32 @!p0 $0x1C02  }
0x82: {  	[timem:s3], [sflag:s2] =	dma.local @!p0 [hbm:s0], s1  }
0x83: {  	s0 =	simm.s32 @!p0 $0x2  }
0x84: {  	_ =	swait.ge @!p0 [sflag:s0], s1  }
0x85: {  	s1 =	ssub.s32 @!p0 $0x0, s1;
	[sflag:s0] =	ssyncset.done @!p0 $0x0  }
0x86: {  	[sflag:s0] =	ssyncadd.s32 @!p0 s1  }
0x87: {  	[bflag:$0x3] =	sbarrier.arrive $0xFFFF  }
0x88: {  	_ =	shalt  }

// kernel: kernel.14.cloned.1.call-start
scs
__scs_entry_jumppad:
0x0: {  	(pc) =	sbr.rel $0x88, $3  }
0x1: {  	(tag) =	ssettag $0x0;
	lr =	simm.s32 $0x1  }
0x2: {  	[smem:$0x3F96] =	sst lr;
	_ =	strace $0xD0000000  }
0x3: {  	_ = 	snop  }
0x4: {  	_ = 	snop  }
0x5: {  	_ = 	snop  }
0x6: {  	_ = 	snop  }
0x7: {  	_ = 	snop  }
__scs_overlays_trampoline_lowered:
0x8: {  	[smem:$0x3FA5] =	sst s0  }
0x9: {  	[smem:$0x3FA6] =	sst s1  }
0xa: {  	[smem:$0x3FA7] =	sst s2  }
0xb: {  	[smem:$0x3FA8] =	sst s3  }
0xc: {  	[smem:$0x3FA9] =	sst s4  }
0xd: {  	[smem:$0x3FAA] =	sst s5  }
0xe: {  	[smem:$0x3FAB] =	sst s6  }
0xf: {  	[smem:$0x3FAC] =	sst s7  }
0x10: {  	[smem:$0x3FAD] =	sst s8  }
0x11: {  	[smem:$0x3FAE] =	sst s9;
	s0 =	simm.s32 @!p0 $0x0  }
0x12: {  	s1 =	sld [smem:$0x3F94];
	s0 =	simm.s32 @p0 $0x1  }
0x13: {  	[smem:$0x3FAF] =	sst s0;
	s0 =	simm.s32 @!p1 $0x0  }
0x14: {  	s2 =	sld [smem:$0x3F93];
	s0 =	simm.s32 @p1 $0x1  }
0x15: {  	[smem:$0x3FB0] =	sst s0;
	s0 =	simm.s32 @!p2 $0x0  }
0x16: {  	s3 =	sld [smem:$0x3FDB];
	s0 =	simm.s32 @p2 $0x1  }
0x17: {  	s4 =	simm.s32 $0x1BF5;
	[smem:$0x3FB2] =	sst s0  }
0x18: {  	s0 =	sld [smem:$0x3F95];
	_ =	swait.ge [sflag:s4], $0x0  }
0x19: {  	s7 =	sld [smem:$0x3F96]  }
0x1a: {  	s8 =	sadd.s32 $0xFFFFE003, lr  }
0x1b: {  	s9 =	sadd.s32 $0xFFFFFEF7, lr;
	s5 =	simm.s32 $0xFFFFFFFF;
	p2 =	slt.u32 s8, $0xFFFFF086  }
0x1c: {  	p1 =	slt.u32 s9, $0xF7A;
	s5 =	simm.s32 @!p2 $0x0  }
0x1d: {  	s5 =	simm.s32 @p1 $0x1;
	p0 =	seq.s32 s7, s2  }
0x1e: {  	s7 =	smul.u32 @!p0 $0xF7A, s2;
	p2 =	seq.s32 @!p0 s5, $0x0  }
0x1f: {  	s9 =	smul.u32 $0xF7A, s1;
	s8 =	simm.s32 @!p0 $0x1BF5;
	p2 =	por !p2, p0  }
0x20: {  	[sflag:s8] =	ssyncset.s32 @!p0 $0xFFFFF086;
	s6 =	sadd.s32 @!p0 s3, s7;
	s7 =	simm.s32 @!p0 $0x108  }
0x21: {  	s3 =	sadd.s32 s3, s9;
	s6 =	sadd.s32 @!p0 $0x88, s6;
	s7 =	simm.s32 @p2 $0x1082  }
0x22: {  	[simem:s7], [sflag:s8] =	dma.local @!p0 [hbm:s6], $0xF7A  }
0x23: {  	s9 =	sor.u32 $0xD0000000, s2;
	s6 =	simm.s32 $0x108;
	_ =	swait.ge @!p0 [sflag:s8], $0x0  }
0x24: {  	s3 =	sadd.s32 $0x88, s3;
	s6 =	simm.s32 @!p1 $0x1082;
	[sflag:s4] =	ssyncset.s32 $0xFFFFF086  }
0x25: {  	[simem:s6], [sflag:s4] =	dma.local [hbm:s3], $0xF7A  }
0x26: {  	[smem:$0x3F96] =	sst s1;
	(tag) =	ssettag s2;
	_ =	strace s9  }
0x27: {  	s1 =	sld [smem:$0x3FA6]  }
0x28: {  	s2 =	sld [smem:$0x3FA7]  }
0x29: {  	s4 =	sld [smem:$0x3FA9]  }
0x2a: {  	p0 =	seq.s32 s5, $0x0;
	s5 =	sld [smem:$0x3FAA]  }
0x2b: {  	s6 =	sld [smem:$0x3FAB]  }
0x2c: {  	s7 =	sld [smem:$0x3FAC]  }
0x2d: {  	s3 =	simm.s32 $0x108;
	s8 =	sld [smem:$0x3FAD]  }
0x2e: {  	s3 =	simm.s32 @!p0 $0x1082;
	s9 =	sld [smem:$0x3FAE]  }
0x2f: {  	lr =	sadd.s32 s0, s3;
	s0 =	sld [smem:$0x3FA5]  }
0x30: {  	s3 =	sld [smem:$0x3FA8]  }
0x31: {  	[smem:$0x3FB1] =	sst s10  }
0x32: {  	s10 =	sld [smem:$0x3FAF];
	_ =	sdelay $0x3  }
0x33: {  	p0 =	seq.s32 s10, $0x1;
	s10 =	sld [smem:$0x3FB1];
	_ =	sdelay $0x3  }
0x34: {  	[smem:$0x3FB1] =	sst s10  }
0x35: {  	s10 =	sld [smem:$0x3FB0];
	_ =	sdelay $0x3  }
0x36: {  	p1 =	seq.s32 s10, $0x1;
	s10 =	sld [smem:$0x3FB1];
	_ =	sdelay $0x3  }
0x37: {  	[smem:$0x3FB1] =	sst s10  }
0x38: {  	s10 =	sld [smem:$0x3FB2]  }
0x39: {  	_ = 	snop;
	(pc) =	sbr.ind lr, $3  }
0x3a: {  	_ = 	snop  }
0x3b: {  	_ = 	snop  }
0x3c: {  	p2 =	seq.s32 s10, $0x1;
	s10 =	sld [smem:$0x3FB1]  }
0x3d: {  	_ =	shalt  }
0x3e: {  	_ =	shalt  }
0x3f: {  	_ =	shalt  }
0x40: {  	_ =	shalt  }
0x41: {  	_ =	shalt  }
0x42: {  	_ =	shalt  }
0x43: {  	_ =	shalt  }
0x44: {  	_ =	shalt  }
0x45: {  	_ =	shalt  }
0x46: {  	_ =	shalt  }
0x47: {  	_ =	shalt  }
0x48: {  	_ =	shalt  }
0x49: {  	_ =	shalt  }
0x4a: {  	_ =	shalt  }
0x4b: {  	_ =	shalt  }
0x4c: {  	_ =	shalt  }
0x4d: {  	_ =	shalt  }
0x4e: {  	_ =	shalt  }
0x4f: {  	_ =	shalt  }
0x50: {  	_ =	shalt  }
0x51: {  	_ =	shalt  }
0x52: {  	_ =	shalt  }
0x53: {  	_ =	shalt  }
0x54: {  	_ =	shalt  }
0x55: {  	_ =	shalt  }
0x56: {  	_ =	shalt  }
0x57: {  	_ =	shalt  }
0x58: {  	_ =	shalt  }
0x59: {  	_ =	shalt  }
0x5a: {  	_ =	shalt  }
0x5b: {  	_ =	shalt  }
0x5c: {  	_ =	shalt  }
0x5d: {  	_ =	shalt  }
0x5e: {  	_ =	shalt  }
0x5f: {  	_ =	shalt  }
0x60: {  	_ =	shalt  }
0x61: {  	_ =	shalt  }
0x62: {  	_ =	shalt  }
0x63: {  	_ =	shalt  }
0x64: {  	_ =	shalt  }
0x65: {  	_ =	shalt  }
0x66: {  	_ =	shalt  }
0x67: {  	_ =	shalt  }
0x68: {  	_ =	shalt  }
0x69: {  	_ =	shalt  }
0x6a: {  	_ =	shalt  }
0x6b: {  	_ =	shalt  }
0x6c: {  	_ =	shalt  }
0x6d: {  	_ =	shalt  }
0x6e: {  	_ =	shalt  }
0x6f: {  	_ =	shalt  }
0x70: {  	_ =	shalt  }
0x71: {  	_ =	shalt  }
0x72: {  	_ =	shalt  }
0x73: {  	_ =	shalt  }
0x74: {  	_ =	shalt  }
0x75: {  	_ =	shalt  }
0x76: {  	_ =	shalt  }
0x77: {  	_ =	shalt  }
0x78: {  	_ =	shalt  }
0x79: {  	_ =	shalt  }
0x7a: {  	_ =	shalt  }
0x7b: {  	_ =	shalt  }
0x7c: {  	_ =	shalt  }
0x7d: {  	_ =	shalt  }
0x7e: {  	_ =	shalt  }
0x7f: {  	_ =	shalt  }
0x80: {  	_ =	shalt  }
0x81: {  	_ =	shalt  }
0x82: {  	_ =	shalt  }
0x83: {  	_ =	shalt  }
0x84: {  	_ =	shalt  }
0x85: {  	_ =	shalt  }
0x86: {  	_ =	shalt  }
0x87: {  	_ =	shalt  }
.Lfunc_end0:
.L_simem_size_0:
called_computation.1_lowered:
.L_overlay_start_0:
0x88: {  	s2 =	sld [smem:$0x3FD9]  }
0x89: {  	s3 =	sld [smem:$0x3FFE];
	_ =	sdelay $0x1  }
0x8a: {  	s1 =	srdreg.scid  }
0x8b: {  	s0 =	sand.u32 $0x1, s1  }
0x8c: {  	s17 =	sshll.u32 s0, $0xA;
	s2 =	sadd.s32 s3, s2  }
0x8d: {  	s2 =	sadd.s32 s2, s17  }
0x8e: {  	[smem:$0x3FBD] =	sst s2  }
0x8f: {  	_ = 	snop  }
0x90: {  	s2 =	sld [smem:$0x3FD0];
	(tm) =	ssettm $0x1  }
0x91: {  	s18 =	sld [smem:$0x3FFB];
	_ =	sdelay $0x3  }
0x92: {  	_ =	strace s18  }
0x93: {  	s3 =	sld [smem:$0x3FFC];
	_ =	sdelay $0x3  }
0x94: {  	_ =	strace s3  }
0x95: {  	s3 =	sld [smem:$0x3FFD];
	_ =	sdelay $0x3  }
0x96: {  	_ =	strace s3  }
0x97: {  	_ =	strace $0x8FFFFFFF  }
0x98: {  	s19 =	sld [smem:$0x3FDB];
	_ =	sdelay $0x1  }
0x99: {  	s4 =	simm.s32 $_scs_section_size  }
0x9a: {  	s5 =	simm.s32 $_size__tile_overlayer_lowered;
	s6 =	simm.s32 $_tile_overlayer_lowered  }
0x9b: {  	s22 =	simm.s32 $0x1BFF;
	s21 =	sshll.u32 s6, $0x1;
	s3 =	sadd.s32 s4, s19  }
0x9c: {  	s7 =	simm.s32 $0x0;
	s20 =	sshll.u32 s5, $0x1;
	s5 =	sadd.s32 s21, s3  }
0x9d: {  	[timem:s7], [sflag:s22] =	dma.local [hbm:s5], s20  }
0x9e: {  	_ =	swait.ge [sflag:s22], s20  }
0x9f: {  	s4 =	ssub.s32 $0x0, s20;
	[sflag:s22] =	ssyncset.done $0x0  }
0xa0: {  	[sflag:s22] =	ssyncadd.s32 s4;
	_ =	sdelay $0x1  }
0xa1: {  	s23 =	simm.s32 $0x1B8B  }
0xa2: {  	_ =	swait.ge [sflag:s23], $0x1  }
0xa3: {  	[sflag:s23] =	ssyncset.done $0x0  }
0xa4: {  	s25 =	simm.s32 $0x1B8E;
	s24 =	sld [smem:$0x3FFE];
	[sflag:s23] =	ssyncadd.s32 $0xFFFFFFFF  }
0xa5: {  	s26 =	simm.s32 $execute0_lowered;
	[smem:$0x3FD2] =	sst s25  }
0xa6: {  	s5 =	sshll.u32 s26, $0x1;
	_ =	strace $0x80000049;
	[dreg:$0x1] =	wrdreg $0xFFFFFFFF  }
0xa7: {  	s28 =	simm.s32 $_size_execute0_lowered;
	s3 =	sadd.s32 s3, s5;
	[dreg:$0x0] =	wrdreg $0x0  }
0xa8: {  	s5 =	sshll.u32 s28, $0x1;
	[dreg:$0x2] =	wrdreg s3  }
0xa9: {  	[dreg:$0x3] =	wrdreg s5  }
0xaa: {  	[dreg:$0x4] =	wrdreg $0xC0  }
0xab: {  	_ =	task [dreg:s7], $0x5FFFF  }
0xac: {  	[dreg:$0x1] =	wrdreg $0xFFFFFFFF  }
0xad: {  	[dreg:$0x0] =	wrdreg $0x60  }
0xae: {  	[dreg:$0x2] =	wrdreg s24  }
0xaf: {  	[dreg:$0x3] =	wrdreg s2  }
0xb0: {  	[dreg:$0x4] =	wrdreg $0x90000  }
0xb1: {  	[dreg:$0x5] =	wrdreg $0x9  }
0xb2: {  	_ =	task.clear_ibuf [dreg:s7], $0x6FFFF;
	_ =	strace $0x90000049  }
0xb3: {  	s29 =	simm.s32 $0x9;
	_ =	strace $0x8000004B  }
0xb4: {  	_ =	swait.ge [sflag:s29], $0x1  }
0xb5: {  	[sflag:s29] =	ssyncadd.s32 $0xFFFFFFFF  }
0xb6: {  	_ =	strace $0x9000004B  }
0xb7: {  	_ =	sfence  }
0xb8: {  	s30 =	sld [smem:$0x0];
	_ =	sdelay $0x2  }
0xb9: {  	s31 =	sshll.u32 s1, $0xD;
	s1 =	sshrl.u32 s1, $0x2  }
0xba: {  	s3 =	sand.u32 $0x4000, s31;
	s1 =	sadd.s32 s1, s30  }
0xbb: {  	s0 =	sor.u32 s3, s0;
	s1 =	sshll.u32 s1, $0x11  }
0xbc: {  	s0 =	sor.u32 s1, s0  }
0xbd: {  	s0 =	sadd.s32 $0x8F2B, s0  }
0xbe: {  	[sflag:s0] =	ssyncadd.remote.s32 $0x1  }
0xbf: {  	_ =	sfence.sel $0xFFFF  }
0xc0: {  	[dreg:$0x0] =	wrdreg $0xFFFFFFFF;
	(pc) =	sbr.abs _section_cstart, $3  }
0xc1: {  	[dreg:$0x1] =	wrdreg $0xFFFFFFFF  }
0xc2: {  	_ =	task.clear_ibuf [dreg:s7], $0x2FFFF;
	_ =	strace $0x9FFFFFFF  }
0xc3: {  	(tm) =	ssettm $0x7FFFFFFF  }
tec
execute0_lowered:
.L_overlay_start_1:
0x0: {  	(tag) =	ssettag $0x1  }
0x1: {  	s7 =	rddreg [dreg:$0x0]  }
0x2: {  	s1 =	rddreg [dreg:$0x1]  }
0x3: {  	s3 =	rddreg [dreg:$0x2]  }
0x4: {  	s0 =	rddreg [dreg:$0x3]  }
0x5: {  	s4 =	simm.s32 $0x0;
	s2 =	stileid.u32;
	s5 =	srdreg.scid  }
0x6: {  	s17 =	simm.s32 $0x2;
	s18 =	simm.s32 $0x2800;
	s20 =	simm.s32 $0x80  }
0x7: {  	s21 =	simm.s32 $0x1;
	s24 =	simm.s32 $0x0;
	s8 =	smul.u32 $0x500, s2  }
0x8: {  	[smem:$0x7FF] =	sst s4;
	s19 =	sand.u32 $0x1, s5;
	s9 =	smul.u32 $0x50000, s2  }
0x9: {  	s5 =	sadd.s32 $0x5E800, s7;
	s6 =	sadd.s32 $0x85A00, s7;
	s15 =	smul.u32 $0x2800, s2  }
0xa: {  	s22 =	sshll.u32 s2, $0x6;
	_ =	strace $0x8000004A;
	s10 =	ssub.s32 $0x2, s19  }
0xb: {  	p0 =	sne.s32 s19, $0x0;
	s19 =	simm.s32 $0x5000;
	s22 =	sor.u32 $0x1C02, s22  }
.Ltmp0:
0xc: {  	s11 =	sadd.s32 s8, s7;
	s31 =	sshrl.u32 s10, $0x1;
	(pc) =	sbr.rel .LBB2_1-.Ltmp0, $4  }
0xd: {  	s9 =	sshrl.u32 s9, $0x2;
	s7 =	sadd.s32 $0xACC00, s7;
	s16 =	ssub.s32 s10, s31  }
0xe: {  	s8 =	sadd.s32 s9, s3;
	s9 =	sadd.s32 $0xB600, s11;
	s10 =	sadd.s32 $0x6600, s11  }
0xf: {  	s11 =	sadd.s32 $0x4000, s8;
	s12 =	sadd.s32 $0x8000, s8;
	s13 =	sadd.s32 $0xC000, s8  }
0x10: {  	v0 =	vimm.f32 $0.0e+00;
	s14 =	sadd.s32 $0x10000, s8;
	s16 =	smax.u32 s16, $0x1;
	s23 =	sshrl.u32 s8, $0x3  }
.LBB2_9:
0x11: {  	s25 =	sshra.s32 s25, $0x2;
	[sflag:s17] =	ssyncadd.s32 $0xFFFFC000  }
0x12: {  	[tilespmem:s19], [sflag:$0x1] =	stream.indirect.gather [hbm4b:s6+s20], $0x80, s25, s20, $0xb8;
	[tilespmem:$0x1D000] =	vst v63  }
0x13: {  	_ =	swait.ge [sflag:s21], $0x4000  }
0x14: {  	[sflag:s21] =	ssyncset.done $0x0  }
0x15: {  	s25 =	sadd.s32 $0x2800, s25;
	[sflag:s21] =	ssyncadd.s32 $0xFFFFC000  }
0x16: {  	[spmem:s3] =	stream.indirect.scatter.add.f32 [tilespmem:s19], [sflag:$0x2], $0x80, s25, s20, $0xb8;
	[tilespmem:$0x1D000] =	vst v63  }
0x17: {  	_ =	swait.ge [sflag:s17], $0x4000  }
0x18: {  	[sflag:s17] =	ssyncset.done $0x0  }
0x19: {  	s25 =	smov.u32 s7;
	[sflag:s17] =	ssyncadd.s32 $0xFFFFC000  }
.LBB2_10:
0x1a: {  	s24 =	sadd.s32 $0x1, s24  }
0x1b: {  	p1 =	sne.s32 s24, s16  }
.Ltmp1:
0x1c: {  	s25 =	sadd.s32 s25, s15;
	[bflag:$0x0] =	sbarrier.arrive $0xFFFF;
	(pc) =	sbr.rel @!p1 .LBB2_11-.Ltmp1, $4  }
0x1d: {  	[hbm:s25], [sflag:s22] =	dma.local [spmem:s23], $0x2800  }
0x1e: {  	_ =	swait.ge [sflag:s17], $0x2800  }
0x1f: {  	[sflag:s17] =	ssyncset.done $0x0  }
0x20: {  	[sflag:s17] =	ssyncadd.s32 $0xFFFFD800  }
.LBB2_1:
0x21: {  	[tilespmem:s4], [sflag:$0x2] =	stream.linear.gather [hbm4b:s9+s4], $0x2800, $0x38;
	[tilespmem:$0x1D000] =	vst v63  }
0x22: {  	_ =	swait.ge [sflag:s17], $0x2800  }
0x23: {  	[sflag:s17] =	ssyncset.done $0x0  }
0x24: {  	[sflag:s17] =	ssyncadd.s32 $0xFFFFD800  }
0x25: {  	[tilespmem:s18], [sflag:$0x2] =	stream.linear.gather [hbm4b:s10+s4], $0x2800, $0x38;
	[tilespmem:$0x1D000] =	vst v63  }
0x26: {  	_ =	swait.ge [sflag:s17], $0x2800  }
0x27: {  	[sflag:s17] =	ssyncset.done $0x0  }
0x28: {  	s25 =	simm.s32 $0x0;
	s26 =	simm.s32 $0x200;
	[sflag:s17] =	ssyncadd.s32 $0xFFFFD800  }
.LBB2_2:
0x29: {  	p1 =	sne.s32 s26, $0xFE00;
	[tilespmem:s25+$0x5070] =	vst v0  }
0x2a: {  	[tilespmem:s25+$0x5000] =	vst v0  }
0x2b: {  	[tilespmem:s25+$0x5010] =	vst v0  }
.Ltmp2:
0x2c: {  	[tilespmem:s25+$0x5020] =	vst v0;
	(pc) =	sbr.rel @p1 .LBB2_2-.Ltmp2, $4  }
0x2d: {  	[tilespmem:s25+$0x5030] =	vst v0  }
0x2e: {  	[tilespmem:s25+$0x5040] =	vst v0  }
0x2f: {  	[tilespmem:s25+$0x5050] =	vst v0  }
0x30: {  	[tilespmem:s25+$0x5060] =	vst v0;
	s25 =	sshra.s32 s26, $0x2;
	s26 =	sadd.s32 $0x200, s26  }
0x31: {  	[tilespmem:s25+$0x5070] =	vst v0  }
0x32: {  	[tilespmem:s25+$0x5000] =	vst v0  }
0x33: {  	[tilespmem:s25+$0x5010] =	vst v0  }
0x34: {  	[tilespmem:s25+$0x5020] =	vst v0  }
0x35: {  	[tilespmem:s25+$0x5030] =	vst v0  }
0x36: {  	[tilespmem:s25+$0x5040] =	vst v0  }
0x37: {  	[tilespmem:s25+$0x5050] =	vst v0  }
0x38: {  	[tilespmem:s25+$0x5060] =	vst v0  }
0x39: {  	[spmem:s8] =	stream.linear.scatter [tilespmem:s19], [sflag:$0x2], $0x4000, $0x38;
	[tilespmem:$0x1D000] =	vst v63  }
0x3a: {  	_ =	swait.ge [sflag:s17], $0x4000  }
0x3b: {  	[sflag:s17] =	ssyncset.done $0x0  }
0x3c: {  	[sflag:s17] =	ssyncadd.s32 $0xFFFFC000  }
0x3d: {  	[spmem:s11] =	stream.linear.scatter [tilespmem:s19], [sflag:$0x2], $0x4000, $0x38;
	[tilespmem:$0x1D000] =	vst v63  }
0x3e: {  	_ =	swait.ge [sflag:s17], $0x4000  }
0x3f: {  	[sflag:s17] =	ssyncset.done $0x0  }
0x40: {  	[sflag:s17] =	ssyncadd.s32 $0xFFFFC000  }
0x41: {  	[spmem:s12] =	stream.linear.scatter [tilespmem:s19], [sflag:$0x2], $0x4000, $0x38;
	[tilespmem:$0x1D000] =	vst v63  }
0x42: {  	_ =	swait.ge [sflag:s17], $0x4000  }
0x43: {  	[sflag:s17] =	ssyncset.done $0x0  }
0x44: {  	[sflag:s17] =	ssyncadd.s32 $0xFFFFC000  }
0x45: {  	[spmem:s13] =	stream.linear.scatter [tilespmem:s19], [sflag:$0x2], $0x4000, $0x38;
	[tilespmem:$0x1D000] =	vst v63  }
0x46: {  	_ =	swait.ge [sflag:s17], $0x4000  }
0x47: {  	[sflag:s17] =	ssyncset.done $0x0  }
0x48: {  	[sflag:s17] =	ssyncadd.s32 $0xFFFFC000  }
0x49: {  	[spmem:s14] =	stream.linear.scatter [tilespmem:s19], [sflag:$0x2], $0x4000, $0x38;
	[tilespmem:$0x1D000] =	vst v63  }
.Ltmp3:
0x4a: {  	_ =	swait.ge [sflag:s17], $0x4000;
	(pc) =	sbr.rel @p0 .LBB2_7-.Ltmp3, $4  }
0x4b: {  	[sflag:s17] =	ssyncset.done $0x0  }
0x4c: {  	[sflag:s17] =	ssyncadd.s32 $0xFFFFC000  }
0x4d: {  	[bflag:$0x0] =	sbarrier.arrive $0xFFFF  }
0x4e: {  	s25 =	simm.s32 $0x0  }
0x4f: {  	[tilespmem:s19], [sflag:$0x1] =	stream.indirect.gather [hbm4b:s5+s20], $0x80, s25, s20, $0xb8;
	[tilespmem:$0x1D000] =	vst v63  }
0x50: {  	_ =	swait.ge [sflag:s21], $0x4000  }
0x51: {  	[sflag:s21] =	ssyncset.done $0x0  }
0x52: {  	s31 =	simm.s32 $0x2800;
	[sflag:s21] =	ssyncadd.s32 $0xFFFFC000  }
0x53: {  	[spmem:s3] =	stream.indirect.scatter.add.f32 [tilespmem:s19], [sflag:$0x2], $0x80, s31, s20, $0xb8;
	[tilespmem:$0x1D000] =	vst v63  }
0x54: {  	_ =	swait.ge [sflag:s17], $0x4000  }
0x55: {  	s25 =	simm.s32 $0x200;
	s26 =	simm.s32 $0x400;
	[sflag:s17] =	ssyncset.done $0x0  }
.LBB2_5:
0x56: {  	s28 =	sshra.s32 s25, $0x2  }
0x57: {  	[sflag:s17] =	ssyncadd.s32 $0xFFFFC000;
	s25 =	smov.u32 s26;
	s29 =	sadd.s32 $0x200, s26  }
0x58: {  	[tilespmem:s19], [sflag:$0x1] =	stream.indirect.gather [hbm4b:s5+s20], $0x80, s28, s20, $0xb8;
	[tilespmem:$0x1D000] =	vst v63  }
0x59: {  	p1 =	seq.s32 s26, $0x9E00;
	_ =	swait.ge [sflag:s21], $0x4000  }
.Ltmp4:
0x5a: {  	[sflag:s21] =	ssyncset.done $0x0;
	(pc) =	sbr.rel @!p1 .LBB2_5-.Ltmp4, $4  }
0x5b: {  	s26 =	sadd.s32 $0x2800, s28;
	[sflag:s21] =	ssyncadd.s32 $0xFFFFC000  }
0x5c: {  	[spmem:s3] =	stream.indirect.scatter.add.f32 [tilespmem:s19], [sflag:$0x2], $0x80, s26, s20, $0xb8;
	[tilespmem:$0x1D000] =	vst v63  }
0x5d: {  	_ =	swait.ge [sflag:s17], $0x4000  }
0x5e: {  	s26 =	smov.u32 s29;
	[sflag:s17] =	ssyncset.done $0x0  }
0x5f: {  	s25 =	sshra.s32 s25, $0x2;
	[sflag:s17] =	ssyncadd.s32 $0xFFFFC000  }
0x60: {  	[tilespmem:s19], [sflag:$0x1] =	stream.indirect.gather [hbm4b:s5+s20], $0x80, s25, s20, $0xb8;
	[tilespmem:$0x1D000] =	vst v63  }
0x61: {  	_ =	swait.ge [sflag:s21], $0x4000  }
0x62: {  	[sflag:s21] =	ssyncset.done $0x0  }
.Ltmp5:
0x63: {  	s25 =	sadd.s32 $0x2800, s25;
	[sflag:s21] =	ssyncadd.s32 $0xFFFFC000;
	(pc) =	sbr.rel .LBB2_10-.Ltmp5, $4  }
0x64: {  	[spmem:s3] =	stream.indirect.scatter.add.f32 [tilespmem:s19], [sflag:$0x2], $0x80, s25, s20, $0xb8;
	[tilespmem:$0x1D000] =	vst v63  }
0x65: {  	_ =	swait.ge [sflag:s17], $0x4000  }
0x66: {  	[sflag:s17] =	ssyncset.done $0x0  }
0x67: {  	s25 =	smov.u32 s1;
	[sflag:s17] =	ssyncadd.s32 $0xFFFFC000  }
.LBB2_7:
0x68: {  	[tilespmem:s19], [sflag:$0x1] =	stream.indirect.gather [hbm4b:s6+s20], $0x80, s25, s20, $0xb8;
	[tilespmem:$0x1D000] =	vst v63  }
0x69: {  	_ =	swait.ge [sflag:s21], $0x4000  }
0x6a: {  	[sflag:s21] =	ssyncset.done $0x0  }
0x6b: {  	s31 =	simm.s32 $0x2800;
	[sflag:s21] =	ssyncadd.s32 $0xFFFFC000  }
0x6c: {  	[spmem:s3] =	stream.indirect.scatter.add.f32 [tilespmem:s19], [sflag:$0x2], $0x80, s31, s20, $0xb8;
	[tilespmem:$0x1D000] =	vst v63  }
0x6d: {  	_ =	swait.ge [sflag:s17], $0x4000  }
0x6e: {  	s25 =	simm.s32 $0x200;
	s26 =	simm.s32 $0x400;
	[sflag:s17] =	ssyncset.done $0x0  }
.LBB2_8:
0x6f: {  	s28 =	sshra.s32 s25, $0x2  }
0x70: {  	[sflag:s17] =	ssyncadd.s32 $0xFFFFC000;
	s25 =	smov.u32 s26;
	s29 =	sadd.s32 $0x200, s26  }
0x71: {  	[tilespmem:s19], [sflag:$0x1] =	stream.indirect.gather [hbm4b:s6+s20], $0x80, s28, s20, $0xb8;
	[tilespmem:$0x1D000] =	vst v63  }
0x72: {  	p1 =	sne.s32 s26, $0x9E00;
	_ =	swait.ge [sflag:s21], $0x4000  }
.Ltmp6:
0x73: {  	[sflag:s21] =	ssyncset.done $0x0;
	(pc) =	sbr.rel @p1 .LBB2_8-.Ltmp6, $4  }
0x74: {  	s26 =	sadd.s32 $0x2800, s28;
	[sflag:s21] =	ssyncadd.s32 $0xFFFFC000  }
0x75: {  	[spmem:s3] =	stream.indirect.scatter.add.f32 [tilespmem:s19], [sflag:$0x2], $0x80, s26, s20, $0xb8;
	[tilespmem:$0x1D000] =	vst v63  }
0x76: {  	_ =	swait.ge [sflag:s17], $0x4000  }
0x77: {  	s26 =	smov.u32 s29;
	[sflag:s17] =	ssyncset.done $0x0  }
.Ltmp7:
0x78: {  	_ = 	snop;
	(pc) =	sbr.rel .LBB2_9-.Ltmp7, $1  }
0x79: {  	_ =	sdelay $0x3  }
.LBB2_11:
0x7a: {  	_ =	sfence.sel $0x180000  }
0x7b: {  	[bflag:$0x0] =	sbarrier.arrive $0xFFFF  }
0x7c: {  	p0 =	sne.s32 s2, $0x0;
	_ =	strace $0x9000004A  }
0x7d: {  	s0 =	sadd.s32 @!p0 $0x100000, s0;
	[bflag:$0x2] =	sbarrier.arrive $0xFFFF  }
0x7e: {  	[sflag:s0] =	ssyncadd.tile.s32 @!p0 $0x1;
	_ =	shalt  }
.Lfunc_end2:
_tile_overlayer_lowered:
.L_overlay_start_2:
0x7f: {  	(tag) =	ssettag $0x2  }
0x80: {  	s0 =	rddreg [dreg:$0x0];
	s2 =	stileid.u32  }
0x81: {  	s1 =	rddreg [dreg:$0x1];
	p0 =	sne.s32 s2, $0x0  }
0x82: {  	s3 =	rddreg [dreg:$0x2];
	[bflag:$0x3] =	sbarrier.arrive $0xFFFF;
	s2 =	simm.s32 @!p0 $0x1C02  }
0x83: {  	[timem:s3], [sflag:s2] =	dma.local @!p0 [hbm:s0], s1  }
0x84: {  	s0 =	simm.s32 @!p0 $0x2  }
0x85: {  	_ =	swait.ge @!p0 [sflag:s0], s1  }
0x86: {  	s1 =	ssub.s32 @!p0 $0x0, s1;
	[sflag:s0] =	ssyncset.done @!p0 $0x0  }
0x87: {  	[sflag:s0] =	ssyncadd.s32 @!p0 s1  }
0x88: {  	[bflag:$0x3] =	sbarrier.arrive $0xFFFF  }
0x89: {  	_ =	shalt  }

// kernel: kernel.17.cloned.1.call-start
scs
__scs_entry_jumppad:
0x0: {  	(pc) =	sbr.rel $0x88, $3  }
0x1: {  	(tag) =	ssettag $0x0;
	lr =	simm.s32 $0x1  }
0x2: {  	[smem:$0x3F96] =	sst lr;
	_ =	strace $0xD0000000  }
0x3: {  	_ = 	snop  }
0x4: {  	_ = 	snop  }
0x5: {  	_ = 	snop  }
0x6: {  	_ = 	snop  }
0x7: {  	_ = 	snop  }
__scs_overlays_trampoline_lowered:
0x8: {  	[smem:$0x3FA5] =	sst s0  }
0x9: {  	[smem:$0x3FA6] =	sst s1  }
0xa: {  	[smem:$0x3FA7] =	sst s2  }
0xb: {  	[smem:$0x3FA8] =	sst s3  }
0xc: {  	[smem:$0x3FA9] =	sst s4  }
0xd: {  	[smem:$0x3FAA] =	sst s5  }
0xe: {  	[smem:$0x3FAB] =	sst s6  }
0xf: {  	[smem:$0x3FAC] =	sst s7  }
0x10: {  	[smem:$0x3FAD] =	sst s8  }
0x11: {  	[smem:$0x3FAE] =	sst s9;
	s0 =	simm.s32 @!p0 $0x0  }
0x12: {  	s1 =	sld [smem:$0x3F94];
	s0 =	simm.s32 @p0 $0x1  }
0x13: {  	[smem:$0x3FAF] =	sst s0;
	s0 =	simm.s32 @!p1 $0x0  }
0x14: {  	s2 =	sld [smem:$0x3F93];
	s0 =	simm.s32 @p1 $0x1  }
0x15: {  	[smem:$0x3FB0] =	sst s0;
	s0 =	simm.s32 @!p2 $0x0  }
0x16: {  	s3 =	sld [smem:$0x3FDB];
	s0 =	simm.s32 @p2 $0x1  }
0x17: {  	s4 =	simm.s32 $0x1BF5;
	[smem:$0x3FB2] =	sst s0  }
0x18: {  	s0 =	sld [smem:$0x3F95];
	_ =	swait.ge [sflag:s4], $0x0  }
0x19: {  	s7 =	sld [smem:$0x3F96]  }
0x1a: {  	s8 =	sadd.s32 $0xFFFFE003, lr  }
0x1b: {  	s9 =	sadd.s32 $0xFFFFFEF7, lr;
	s5 =	simm.s32 $0xFFFFFFFF;
	p2 =	slt.u32 s8, $0xFFFFF086  }
0x1c: {  	p1 =	slt.u32 s9, $0xF7A;
	s5 =	simm.s32 @!p2 $0x0  }
0x1d: {  	s5 =	simm.s32 @p1 $0x1;
	p0 =	seq.s32 s7, s2  }
0x1e: {  	s7 =	smul.u32 @!p0 $0xF7A, s2;
	p2 =	seq.s32 @!p0 s5, $0x0  }
0x1f: {  	s9 =	smul.u32 $0xF7A, s1;
	s8 =	simm.s32 @!p0 $0x1BF5;
	p2 =	por !p2, p0  }
0x20: {  	[sflag:s8] =	ssyncset.s32 @!p0 $0xFFFFF086;
	s6 =	sadd.s32 @!p0 s3, s7;
	s7 =	simm.s32 @!p0 $0x108  }
0x21: {  	s3 =	sadd.s32 s3, s9;
	s6 =	sadd.s32 @!p0 $0x88, s6;
	s7 =	simm.s32 @p2 $0x1082  }
0x22: {  	[simem:s7], [sflag:s8] =	dma.local @!p0 [hbm:s6], $0xF7A  }
0x23: {  	s9 =	sor.u32 $0xD0000000, s2;
	s6 =	simm.s32 $0x108;
	_ =	swait.ge @!p0 [sflag:s8], $0x0  }
0x24: {  	s3 =	sadd.s32 $0x88, s3;
	s6 =	simm.s32 @!p1 $0x1082;
	[sflag:s4] =	ssyncset.s32 $0xFFFFF086  }
0x25: {  	[simem:s6], [sflag:s4] =	dma.local [hbm:s3], $0xF7A  }
0x26: {  	[smem:$0x3F96] =	sst s1;
	(tag) =	ssettag s2;
	_ =	strace s9  }
0x27: {  	s1 =	sld [smem:$0x3FA6]  }
0x28: {  	s2 =	sld [smem:$0x3FA7]  }
0x29: {  	s4 =	sld [smem:$0x3FA9]  }
0x2a: {  	p0 =	seq.s32 s5, $0x0;
	s5 =	sld [smem:$0x3FAA]  }
0x2b: {  	s6 =	sld [smem:$0x3FAB]  }
0x2c: {  	s7 =	sld [smem:$0x3FAC]  }
0x2d: {  	s3 =	simm.s32 $0x108;
	s8 =	sld [smem:$0x3FAD]  }
0x2e: {  	s3 =	simm.s32 @!p0 $0x1082;
	s9 =	sld [smem:$0x3FAE]  }
0x2f: {  	lr =	sadd.s32 s0, s3;
	s0 =	sld [smem:$0x3FA5]  }
0x30: {  	s3 =	sld [smem:$0x3FA8]  }
0x31: {  	[smem:$0x3FB1] =	sst s10  }
0x32: {  	s10 =	sld [smem:$0x3FAF];
	_ =	sdelay $0x3  }
0x33: {  	p0 =	seq.s32 s10, $0x1;
	s10 =	sld [smem:$0x3FB1];
	_ =	sdelay $0x3  }
0x34: {  	[smem:$0x3FB1] =	sst s10  }
0x35: {  	s10 =	sld [smem:$0x3FB0];
	_ =	sdelay $0x3  }
0x36: {  	p1 =	seq.s32 s10, $0x1;
	s10 =	sld [smem:$0x3FB1];
	_ =	sdelay $0x3  }
0x37: {  	[smem:$0x3FB1] =	sst s10  }
0x38: {  	s10 =	sld [smem:$0x3FB2]  }
0x39: {  	_ = 	snop;
	(pc) =	sbr.ind lr, $3  }
0x3a: {  	_ = 	snop  }
0x3b: {  	_ = 	snop  }
0x3c: {  	p2 =	seq.s32 s10, $0x1;
	s10 =	sld [smem:$0x3FB1]  }
0x3d: {  	_ =	shalt  }
0x3e: {  	_ =	shalt  }
0x3f: {  	_ =	shalt  }
0x40: {  	_ =	shalt  }
0x41: {  	_ =	shalt  }
0x42: {  	_ =	shalt  }
0x43: {  	_ =	shalt  }
0x44: {  	_ =	shalt  }
0x45: {  	_ =	shalt  }
0x46: {  	_ =	shalt  }
0x47: {  	_ =	shalt  }
0x48: {  	_ =	shalt  }
0x49: {  	_ =	shalt  }
0x4a: {  	_ =	shalt  }
0x4b: {  	_ =	shalt  }
0x4c: {  	_ =	shalt  }
0x4d: {  	_ =	shalt  }
0x4e: {  	_ =	shalt  }
0x4f: {  	_ =	shalt  }
0x50: {  	_ =	shalt  }
0x51: {  	_ =	shalt  }
0x52: {  	_ =	shalt  }
0x53: {  	_ =	shalt  }
0x54: {  	_ =	shalt  }
0x55: {  	_ =	shalt  }
0x56: {  	_ =	shalt  }
0x57: {  	_ =	shalt  }
0x58: {  	_ =	shalt  }
0x59: {  	_ =	shalt  }
0x5a: {  	_ =	shalt  }
0x5b: {  	_ =	shalt  }
0x5c: {  	_ =	shalt  }
0x5d: {  	_ =	shalt  }
0x5e: {  	_ =	shalt  }
0x5f: {  	_ =	shalt  }
0x60: {  	_ =	shalt  }
0x61: {  	_ =	shalt  }
0x62: {  	_ =	shalt  }
0x63: {  	_ =	shalt  }
0x64: {  	_ =	shalt  }
0x65: {  	_ =	shalt  }
0x66: {  	_ =	shalt  }
0x67: {  	_ =	shalt  }
0x68: {  	_ =	shalt  }
0x69: {  	_ =	shalt  }
0x6a: {  	_ =	shalt  }
0x6b: {  	_ =	shalt  }
0x6c: {  	_ =	shalt  }
0x6d: {  	_ =	shalt  }
0x6e: {  	_ =	shalt  }
0x6f: {  	_ =	shalt  }
0x70: {  	_ =	shalt  }
0x71: {  	_ =	shalt  }
0x72: {  	_ =	shalt  }
0x73: {  	_ =	shalt  }
0x74: {  	_ =	shalt  }
0x75: {  	_ =	shalt  }
0x76: {  	_ =	shalt  }
0x77: {  	_ =	shalt  }
0x78: {  	_ =	shalt  }
0x79: {  	_ =	shalt  }
0x7a: {  	_ =	shalt  }
0x7b: {  	_ =	shalt  }
0x7c: {  	_ =	shalt  }
0x7d: {  	_ =	shalt  }
0x7e: {  	_ =	shalt  }
0x7f: {  	_ =	shalt  }
0x80: {  	_ =	shalt  }
0x81: {  	_ =	shalt  }
0x82: {  	_ =	shalt  }
0x83: {  	_ =	shalt  }
0x84: {  	_ =	shalt  }
0x85: {  	_ =	shalt  }
0x86: {  	_ =	shalt  }
0x87: {  	_ =	shalt  }
.Lfunc_end0:
.L_simem_size_0:
called_computation.2_lowered:
.L_overlay_start_0:
0x88: {  	s2 =	sld [smem:$0x3FD9]  }
0x89: {  	s3 =	sld [smem:$0x3FFE];
	_ =	sdelay $0x1  }
0x8a: {  	s1 =	srdreg.scid  }
0x8b: {  	s0 =	sand.u32 $0x1, s1  }
0x8c: {  	s16 =	sshll.u32 s0, $0xA;
	s2 =	sadd.s32 s3, s2  }
0x8d: {  	s2 =	sadd.s32 s2, s16  }
0x8e: {  	[smem:$0x3FBD] =	sst s2  }
0x8f: {  	_ = 	snop  }
0x90: {  	(tm) =	ssettm $0x1  }
0x91: {  	s17 =	sld [smem:$0x3FFB];
	_ =	sdelay $0x3  }
0x92: {  	_ =	strace s17  }
0x93: {  	s2 =	sld [smem:$0x3FFC];
	_ =	sdelay $0x3  }
0x94: {  	_ =	strace s2  }
0x95: {  	s2 =	sld [smem:$0x3FFD];
	_ =	sdelay $0x3  }
0x96: {  	_ =	strace s2  }
0x97: {  	_ =	strace $0x8FFFFFFF  }
0x98: {  	s18 =	sld [smem:$0x3FDB];
	_ =	sdelay $0x1  }
0x99: {  	s19 =	simm.s32 $_scs_section_size  }
0x9a: {  	s4 =	simm.s32 $_size__tile_overlayer_lowered;
	s5 =	simm.s32 $_tile_overlayer_lowered  }
0x9b: {  	s22 =	simm.s32 $0x1BFF;
	s21 =	sshll.u32 s5, $0x1;
	s2 =	sadd.s32 s19, s18  }
0x9c: {  	s6 =	simm.s32 $0x0;
	s20 =	sshll.u32 s4, $0x1;
	s4 =	sadd.s32 s21, s2  }
0x9d: {  	[timem:s6], [sflag:s22] =	dma.local [hbm:s4], s20  }
0x9e: {  	_ =	swait.ge [sflag:s22], s20  }
0x9f: {  	s3 =	ssub.s32 $0x0, s20;
	[sflag:s22] =	ssyncset.done $0x0  }
0xa0: {  	[sflag:s22] =	ssyncadd.s32 s3;
	_ =	sdelay $0x1  }
0xa1: {  	s23 =	simm.s32 $0x1B8B  }
0xa2: {  	_ =	swait.ge [sflag:s23], $0x1  }
0xa3: {  	[sflag:s23] =	ssyncset.done $0x0  }
0xa4: {  	s25 =	simm.s32 $0x1B8E;
	s24 =	sld [smem:$0x3FFE];
	[sflag:s23] =	ssyncadd.s32 $0xFFFFFFFF  }
0xa5: {  	s26 =	simm.s32 $execute0_lowered;
	[smem:$0x3FD2] =	sst s25  }
0xa6: {  	s4 =	sshll.u32 s26, $0x1;
	_ =	strace $0x8000004C;
	[dreg:$0x1] =	wrdreg $0xFFFFFFFF  }
0xa7: {  	s28 =	simm.s32 $_size_execute0_lowered;
	s2 =	sadd.s32 s2, s4;
	[dreg:$0x0] =	wrdreg $0x0  }
0xa8: {  	s4 =	sshll.u32 s28, $0x1;
	[dreg:$0x2] =	wrdreg s2  }
0xa9: {  	[dreg:$0x3] =	wrdreg s4  }
0xaa: {  	[dreg:$0x4] =	wrdreg $0xC0  }
0xab: {  	_ =	task [dreg:s6], $0x5FFFF  }
0xac: {  	[dreg:$0x1] =	wrdreg $0xFFFFFFFF  }
0xad: {  	[dreg:$0x0] =	wrdreg $0x60  }
0xae: {  	[dreg:$0x2] =	wrdreg s24  }
0xaf: {  	[dreg:$0x3] =	wrdreg $0x90000  }
0xb0: {  	[dreg:$0x4] =	wrdreg $0x9  }
0xb1: {  	_ =	task.clear_ibuf [dreg:s6], $0x5FFFF;
	_ =	strace $0x9000004C  }
0xb2: {  	s29 =	simm.s32 $0x9;
	_ =	strace $0x8000004E  }
0xb3: {  	_ =	swait.ge [sflag:s29], $0x1  }
0xb4: {  	[sflag:s29] =	ssyncadd.s32 $0xFFFFFFFF  }
0xb5: {  	_ =	strace $0x9000004E  }
0xb6: {  	_ =	sfence  }
0xb7: {  	s30 =	sld [smem:$0x0];
	_ =	sdelay $0x2  }
0xb8: {  	s31 =	sshll.u32 s1, $0xD;
	s1 =	sshrl.u32 s1, $0x2  }
0xb9: {  	s3 =	sand.u32 $0x4000, s31;
	s1 =	sadd.s32 s1, s30  }
0xba: {  	s0 =	sor.u32 s3, s0;
	s1 =	sshll.u32 s1, $0x11  }
0xbb: {  	s0 =	sor.u32 s1, s0  }
0xbc: {  	s0 =	sadd.s32 $0x8F2B, s0  }
0xbd: {  	[sflag:s0] =	ssyncadd.remote.s32 $0x1  }
0xbe: {  	_ =	sfence.sel $0xFFFF  }
0xbf: {  	[dreg:$0x0] =	wrdreg $0xFFFFFFFF;
	(pc) =	sbr.abs _section_cstart, $3  }
0xc0: {  	[dreg:$0x1] =	wrdreg $0xFFFFFFFF  }
0xc1: {  	_ =	task.clear_ibuf [dreg:s6], $0x2FFFF;
	_ =	strace $0x9FFFFFFF  }
0xc2: {  	(tm) =	ssettm $0x7FFFFFFF  }
0xc3: {  	_ =	shalt  }
tec
execute0_lowered:
.L_overlay_start_1:
0x0: {  	(tag) =	ssettag $0x1  }
0x1: {  	s7 =	rddreg [dreg:$0x0]  }
0x2: {  	s2 =	rddreg [dreg:$0x1]  }
0x3: {  	s0 =	rddreg [dreg:$0x2];
	s3 =	simm.s32 $0x0  }
0x4: {  	s1 =	stileid.u32;
	s5 =	srdreg.scid;
	s17 =	simm.s32 $0x2  }
0x5: {  	s18 =	simm.s32 $0x2800;
	s20 =	simm.s32 $0x80;
	s21 =	simm.s32 $0x1  }
0x6: {  	s24 =	simm.s32 $0x0;
	[smem:$0x7FF] =	sst s3;
	s6 =	smul.u32 $0x500, s1  }
0x7: {  	s4 =	sadd.s32 $0x10600, s7;
	s19 =	sand.u32 $0x1, s5;
	s8 =	smul.u32 $0x50000, s1  }
0x8: {  	s5 =	sadd.s32 $0x37800, s7;
	s15 =	smul.u32 $0x2800, s1;
	s22 =	sshll.u32 s1, $0x6  }
0x9: {  	_ =	strace $0x8000004D;
	s9 =	ssub.s32 $0x2, s19;
	p0 =	sne.s32 s19, $0x0  }
0xa: {  	s19 =	simm.s32 $0x5000;
	s22 =	sor.u32 $0x1C02, s22;
	s10 =	sadd.s32 s6, s7  }
.Ltmp0:
0xb: {  	s6 =	sadd.s32 $0x5EA00, s7;
	s11 =	sshrl.u32 s9, $0x1;
	(pc) =	sbr.rel .LBB2_1-.Ltmp0, $4  }
0xc: {  	s8 =	sshrl.u32 s8, $0x2;
	s7 =	sadd.s32 $0x86A00, s7;
	s16 =	ssub.s32 s9, s11  }
0xd: {  	s8 =	sadd.s32 s8, s2;
	s9 =	sadd.s32 $0xB600, s10;
	s10 =	sadd.s32 $0x6600, s10  }
0xe: {  	s11 =	sadd.s32 $0x4000, s8;
	s12 =	sadd.s32 $0x8000, s8;
	s13 =	sadd.s32 $0xC000, s8  }
0xf: {  	v0 =	vimm.f32 $0.0e+00;
	s14 =	sadd.s32 $0x10000, s8;
	s16 =	smax.u32 s16, $0x1;
	s23 =	sshrl.u32 s8, $0x3  }
.LBB2_9:
0x10: {  	s25 =	sshra.s32 s25, $0x2;
	[sflag:s17] =	ssyncadd.s32 $0xFFFFC000  }
0x11: {  	[tilespmem:s19], [sflag:$0x1] =	stream.indirect.gather [hbm4b:s5+s20], $0x80, s25, s20, $0xb8;
	[tilespmem:$0x1D000] =	vst v63  }
0x12: {  	_ =	swait.ge [sflag:s21], $0x4000  }
0x13: {  	[sflag:s21] =	ssyncset.done $0x0  }
0x14: {  	s25 =	sadd.s32 $0x2800, s25;
	[sflag:s21] =	ssyncadd.s32 $0xFFFFC000  }
0x15: {  	[spmem:s2] =	stream.indirect.scatter.add.f32 [tilespmem:s19], [sflag:$0x2], $0x80, s25, s20, $0xb8;
	[tilespmem:$0x1D000] =	vst v63  }
0x16: {  	_ =	swait.ge [sflag:s17], $0x4000  }
0x17: {  	[sflag:s17] =	ssyncset.done $0x0  }
0x18: {  	s25 =	smov.u32 s7;
	[sflag:s17] =	ssyncadd.s32 $0xFFFFC000  }
.LBB2_10:
0x19: {  	s24 =	sadd.s32 $0x1, s24  }
0x1a: {  	p1 =	sne.s32 s24, s16  }
.Ltmp1:
0x1b: {  	s25 =	sadd.s32 s25, s15;
	[bflag:$0x0] =	sbarrier.arrive $0xFFFF;
	(pc) =	sbr.rel @!p1 .LBB2_11-.Ltmp1, $4  }
0x1c: {  	[hbm:s25], [sflag:s22] =	dma.local [spmem:s23], $0x2800  }
0x1d: {  	_ =	swait.ge [sflag:s17], $0x2800  }
0x1e: {  	[sflag:s17] =	ssyncset.done $0x0  }
0x1f: {  	[sflag:s17] =	ssyncadd.s32 $0xFFFFD800  }
.LBB2_1:
0x20: {  	[tilespmem:s3], [sflag:$0x2] =	stream.linear.gather [hbm4b:s9+s3], $0x2800, $0x38;
	[tilespmem:$0x1D000] =	vst v63  }
0x21: {  	_ =	swait.ge [sflag:s17], $0x2800  }
0x22: {  	[sflag:s17] =	ssyncset.done $0x0  }
0x23: {  	[sflag:s17] =	ssyncadd.s32 $0xFFFFD800  }
0x24: {  	[tilespmem:s18], [sflag:$0x2] =	stream.linear.gather [hbm4b:s10+s3], $0x2800, $0x38;
	[tilespmem:$0x1D000] =	vst v63  }
0x25: {  	_ =	swait.ge [sflag:s17], $0x2800  }
0x26: {  	[sflag:s17] =	ssyncset.done $0x0  }
0x27: {  	s25 =	simm.s32 $0x0;
	s26 =	simm.s32 $0x200;
	[sflag:s17] =	ssyncadd.s32 $0xFFFFD800  }
.LBB2_2:
0x28: {  	p1 =	sne.s32 s26, $0xFE00;
	[tilespmem:s25+$0x5070] =	vst v0  }
0x29: {  	[tilespmem:s25+$0x5000] =	vst v0  }
0x2a: {  	[tilespmem:s25+$0x5010] =	vst v0  }
.Ltmp2:
0x2b: {  	[tilespmem:s25+$0x5020] =	vst v0;
	(pc) =	sbr.rel @p1 .LBB2_2-.Ltmp2, $4  }
0x2c: {  	[tilespmem:s25+$0x5030] =	vst v0  }
0x2d: {  	[tilespmem:s25+$0x5040] =	vst v0  }
0x2e: {  	[tilespmem:s25+$0x5050] =	vst v0  }
0x2f: {  	[tilespmem:s25+$0x5060] =	vst v0;
	s25 =	sshra.s32 s26, $0x2;
	s26 =	sadd.s32 $0x200, s26  }
0x30: {  	[tilespmem:s25+$0x5070] =	vst v0  }
0x31: {  	[tilespmem:s25+$0x5000] =	vst v0  }
0x32: {  	[tilespmem:s25+$0x5010] =	vst v0  }
0x33: {  	[tilespmem:s25+$0x5020] =	vst v0  }
0x34: {  	[tilespmem:s25+$0x5030] =	vst v0  }
0x35: {  	[tilespmem:s25+$0x5040] =	vst v0  }
0x36: {  	[tilespmem:s25+$0x5050] =	vst v0  }
0x37: {  	[tilespmem:s25+$0x5060] =	vst v0  }
0x38: {  	[spmem:s8] =	stream.linear.scatter [tilespmem:s19], [sflag:$0x2], $0x4000, $0x38;
	[tilespmem:$0x1D000] =	vst v63  }
0x39: {  	_ =	swait.ge [sflag:s17], $0x4000  }
0x3a: {  	[sflag:s17] =	ssyncset.done $0x0  }
0x3b: {  	[sflag:s17] =	ssyncadd.s32 $0xFFFFC000  }
0x3c: {  	[spmem:s11] =	stream.linear.scatter [tilespmem:s19], [sflag:$0x2], $0x4000, $0x38;
	[tilespmem:$0x1D000] =	vst v63  }
0x3d: {  	_ =	swait.ge [sflag:s17], $0x4000  }
0x3e: {  	[sflag:s17] =	ssyncset.done $0x0  }
0x3f: {  	[sflag:s17] =	ssyncadd.s32 $0xFFFFC000  }
0x40: {  	[spmem:s12] =	stream.linear.scatter [tilespmem:s19], [sflag:$0x2], $0x4000, $0x38;
	[tilespmem:$0x1D000] =	vst v63  }
0x41: {  	_ =	swait.ge [sflag:s17], $0x4000  }
0x42: {  	[sflag:s17] =	ssyncset.done $0x0  }
0x43: {  	[sflag:s17] =	ssyncadd.s32 $0xFFFFC000  }
0x44: {  	[spmem:s13] =	stream.linear.scatter [tilespmem:s19], [sflag:$0x2], $0x4000, $0x38;
	[tilespmem:$0x1D000] =	vst v63  }
0x45: {  	_ =	swait.ge [sflag:s17], $0x4000  }
0x46: {  	[sflag:s17] =	ssyncset.done $0x0  }
0x47: {  	[sflag:s17] =	ssyncadd.s32 $0xFFFFC000  }
0x48: {  	[spmem:s14] =	stream.linear.scatter [tilespmem:s19], [sflag:$0x2], $0x4000, $0x38;
	[tilespmem:$0x1D000] =	vst v63  }
.Ltmp3:
0x49: {  	_ =	swait.ge [sflag:s17], $0x4000;
	(pc) =	sbr.rel @p0 .LBB2_7-.Ltmp3, $4  }
0x4a: {  	[sflag:s17] =	ssyncset.done $0x0  }
0x4b: {  	[sflag:s17] =	ssyncadd.s32 $0xFFFFC000  }
0x4c: {  	[bflag:$0x0] =	sbarrier.arrive $0xFFFF  }
0x4d: {  	s25 =	simm.s32 $0x0  }
0x4e: {  	[tilespmem:s19], [sflag:$0x1] =	stream.indirect.gather [hbm4b:s4+s20], $0x80, s25, s20, $0xb8;
	[tilespmem:$0x1D000] =	vst v63  }
0x4f: {  	_ =	swait.ge [sflag:s21], $0x4000  }
0x50: {  	[sflag:s21] =	ssyncset.done $0x0  }
0x51: {  	s31 =	simm.s32 $0x2800;
	[sflag:s21] =	ssyncadd.s32 $0xFFFFC000  }
0x52: {  	[spmem:s2] =	stream.indirect.scatter.add.f32 [tilespmem:s19], [sflag:$0x2], $0x80, s31, s20, $0xb8;
	[tilespmem:$0x1D000] =	vst v63  }
0x53: {  	_ =	swait.ge [sflag:s17], $0x4000  }
0x54: {  	s25 =	simm.s32 $0x200;
	s26 =	simm.s32 $0x400;
	[sflag:s17] =	ssyncset.done $0x0  }
.LBB2_5:
0x55: {  	s28 =	sshra.s32 s25, $0x2  }
0x56: {  	[sflag:s17] =	ssyncadd.s32 $0xFFFFC000;
	s25 =	smov.u32 s26;
	s29 =	sadd.s32 $0x200, s26  }
0x57: {  	[tilespmem:s19], [sflag:$0x1] =	stream.indirect.gather [hbm4b:s4+s20], $0x80, s28, s20, $0xb8;
	[tilespmem:$0x1D000] =	vst v63  }
0x58: {  	p1 =	seq.s32 s26, $0x9E00;
	_ =	swait.ge [sflag:s21], $0x4000  }
.Ltmp4:
0x59: {  	[sflag:s21] =	ssyncset.done $0x0;
	(pc) =	sbr.rel @!p1 .LBB2_5-.Ltmp4, $4  }
0x5a: {  	s26 =	sadd.s32 $0x2800, s28;
	[sflag:s21] =	ssyncadd.s32 $0xFFFFC000  }
0x5b: {  	[spmem:s2] =	stream.indirect.scatter.add.f32 [tilespmem:s19], [sflag:$0x2], $0x80, s26, s20, $0xb8;
	[tilespmem:$0x1D000] =	vst v63  }
0x5c: {  	_ =	swait.ge [sflag:s17], $0x4000  }
0x5d: {  	s26 =	smov.u32 s29;
	[sflag:s17] =	ssyncset.done $0x0  }
0x5e: {  	s25 =	sshra.s32 s25, $0x2;
	[sflag:s17] =	ssyncadd.s32 $0xFFFFC000  }
0x5f: {  	[tilespmem:s19], [sflag:$0x1] =	stream.indirect.gather [hbm4b:s4+s20], $0x80, s25, s20, $0xb8;
	[tilespmem:$0x1D000] =	vst v63  }
0x60: {  	_ =	swait.ge [sflag:s21], $0x4000  }
0x61: {  	[sflag:s21] =	ssyncset.done $0x0  }
.Ltmp5:
0x62: {  	s25 =	sadd.s32 $0x2800, s25;
	[sflag:s21] =	ssyncadd.s32 $0xFFFFC000;
	(pc) =	sbr.rel .LBB2_10-.Ltmp5, $4  }
0x63: {  	[spmem:s2] =	stream.indirect.scatter.add.f32 [tilespmem:s19], [sflag:$0x2], $0x80, s25, s20, $0xb8;
	[tilespmem:$0x1D000] =	vst v63  }
0x64: {  	_ =	swait.ge [sflag:s17], $0x4000  }
0x65: {  	[sflag:s17] =	ssyncset.done $0x0  }
0x66: {  	s25 =	smov.u32 s6;
	[sflag:s17] =	ssyncadd.s32 $0xFFFFC000  }
.LBB2_7:
0x67: {  	[tilespmem:s19], [sflag:$0x1] =	stream.indirect.gather [hbm4b:s5+s20], $0x80, s25, s20, $0xb8;
	[tilespmem:$0x1D000] =	vst v63  }
0x68: {  	_ =	swait.ge [sflag:s21], $0x4000  }
0x69: {  	[sflag:s21] =	ssyncset.done $0x0  }
0x6a: {  	s31 =	simm.s32 $0x2800;
	[sflag:s21] =	ssyncadd.s32 $0xFFFFC000  }
0x6b: {  	[spmem:s2] =	stream.indirect.scatter.add.f32 [tilespmem:s19], [sflag:$0x2], $0x80, s31, s20, $0xb8;
	[tilespmem:$0x1D000] =	vst v63  }
0x6c: {  	_ =	swait.ge [sflag:s17], $0x4000  }
0x6d: {  	s25 =	simm.s32 $0x200;
	s26 =	simm.s32 $0x400;
	[sflag:s17] =	ssyncset.done $0x0  }
.LBB2_8:
0x6e: {  	s28 =	sshra.s32 s25, $0x2  }
0x6f: {  	[sflag:s17] =	ssyncadd.s32 $0xFFFFC000;
	s25 =	smov.u32 s26;
	s29 =	sadd.s32 $0x200, s26  }
0x70: {  	[tilespmem:s19], [sflag:$0x1] =	stream.indirect.gather [hbm4b:s5+s20], $0x80, s28, s20, $0xb8;
	[tilespmem:$0x1D000] =	vst v63  }
0x71: {  	p1 =	sne.s32 s26, $0x9E00;
	_ =	swait.ge [sflag:s21], $0x4000  }
.Ltmp6:
0x72: {  	[sflag:s21] =	ssyncset.done $0x0;
	(pc) =	sbr.rel @p1 .LBB2_8-.Ltmp6, $4  }
0x73: {  	s26 =	sadd.s32 $0x2800, s28;
	[sflag:s21] =	ssyncadd.s32 $0xFFFFC000  }
0x74: {  	[spmem:s2] =	stream.indirect.scatter.add.f32 [tilespmem:s19], [sflag:$0x2], $0x80, s26, s20, $0xb8;
	[tilespmem:$0x1D000] =	vst v63  }
0x75: {  	_ =	swait.ge [sflag:s17], $0x4000  }
0x76: {  	s26 =	smov.u32 s29;
	[sflag:s17] =	ssyncset.done $0x0  }
.Ltmp7:
0x77: {  	_ = 	snop;
	(pc) =	sbr.rel .LBB2_9-.Ltmp7, $1  }
0x78: {  	_ =	sdelay $0x3  }
.LBB2_11:
0x79: {  	_ =	sfence.sel $0x180000  }
0x7a: {  	[bflag:$0x0] =	sbarrier.arrive $0xFFFF  }
0x7b: {  	p0 =	sne.s32 s1, $0x0;
	_ =	strace $0x9000004D  }
0x7c: {  	s0 =	sadd.s32 @!p0 $0x100000, s0;
	[bflag:$0x2] =	sbarrier.arrive $0xFFFF  }
0x7d: {  	[sflag:s0] =	ssyncadd.tile.s32 @!p0 $0x1;
	_ =	shalt  }
.Lfunc_end2:
_tile_overlayer_lowered:
.L_overlay_start_2:
0x7e: {  	(tag) =	ssettag $0x2  }
0x7f: {  	s0 =	rddreg [dreg:$0x0];
	s2 =	stileid.u32  }
0x80: {  	s1 =	rddreg [dreg:$0x1];
	p0 =	sne.s32 s2, $0x0  }
0x81: {  	s3 =	rddreg [dreg:$0x2];
	[bflag:$0x3] =	sbarrier.arrive $0xFFFF;
	s2 =	simm.s32 @!p0 $0x1C02  }
0x82: {  	[timem:s3], [sflag:s2] =	dma.local @!p0 [hbm:s0], s1  }
0x83: {  	s0 =	simm.s32 @!p0 $0x2  }
0x84: {  	_ =	swait.ge @!p0 [sflag:s0], s1  }
0x85: {  	s1 =	ssub.s32 @!p0 $0x0, s1;
	[sflag:s0] =	ssyncset.done @!p0 $0x0  }
0x86: {  	[sflag:s0] =	ssyncadd.s32 @!p0 s1  }
0x87: {  	[bflag:$0x3] =	sbarrier.arrive $0xFFFF  }
0x88: {  	_ =	shalt  }

// kernel: kernel.20.cloned.1.call-start
scs
__scs_entry_jumppad:
0x0: {  	(pc) =	sbr.rel $0x88, $3  }
0x1: {  	(tag) =	ssettag $0x0;
	lr =	simm.s32 $0x1  }
0x2: {  	[smem:$0x3F96] =	sst lr;
	_ =	strace $0xD0000000  }
0x3: {  	_ = 	snop  }
0x4: {  	_ = 	snop  }
0x5: {  	_ = 	snop  }
0x6: {  	_ = 	snop  }
0x7: {  	_ = 	snop  }
__scs_overlays_trampoline_lowered:
0x8: {  	[smem:$0x3FA5] =	sst s0  }
0x9: {  	[smem:$0x3FA6] =	sst s1  }
0xa: {  	[smem:$0x3FA7] =	sst s2  }
0xb: {  	[smem:$0x3FA8] =	sst s3  }
0xc: {  	[smem:$0x3FA9] =	sst s4  }
0xd: {  	[smem:$0x3FAA] =	sst s5  }
0xe: {  	[smem:$0x3FAB] =	sst s6  }
0xf: {  	[smem:$0x3FAC] =	sst s7  }
0x10: {  	[smem:$0x3FAD] =	sst s8  }
0x11: {  	[smem:$0x3FAE] =	sst s9;
	s0 =	simm.s32 @!p0 $0x0  }
0x12: {  	s1 =	sld [smem:$0x3F94];
	s0 =	simm.s32 @p0 $0x1  }
0x13: {  	[smem:$0x3FAF] =	sst s0;
	s0 =	simm.s32 @!p1 $0x0  }
0x14: {  	s2 =	sld [smem:$0x3F93];
	s0 =	simm.s32 @p1 $0x1  }
0x15: {  	[smem:$0x3FB0] =	sst s0;
	s0 =	simm.s32 @!p2 $0x0  }
0x16: {  	s3 =	sld [smem:$0x3FDB];
	s0 =	simm.s32 @p2 $0x1  }
0x17: {  	s4 =	simm.s32 $0x1BF5;
	[smem:$0x3FB2] =	sst s0  }
0x18: {  	s0 =	sld [smem:$0x3F95];
	_ =	swait.ge [sflag:s4], $0x0  }
0x19: {  	s7 =	sld [smem:$0x3F96]  }
0x1a: {  	s8 =	sadd.s32 $0xFFFFE003, lr  }
0x1b: {  	s9 =	sadd.s32 $0xFFFFFEF7, lr;
	s5 =	simm.s32 $0xFFFFFFFF;
	p2 =	slt.u32 s8, $0xFFFFF086  }
0x1c: {  	p1 =	slt.u32 s9, $0xF7A;
	s5 =	simm.s32 @!p2 $0x0  }
0x1d: {  	s5 =	simm.s32 @p1 $0x1;
	p0 =	seq.s32 s7, s2  }
0x1e: {  	s7 =	smul.u32 @!p0 $0xF7A, s2;
	p2 =	seq.s32 @!p0 s5, $0x0  }
0x1f: {  	s9 =	smul.u32 $0xF7A, s1;
	s8 =	simm.s32 @!p0 $0x1BF5;
	p2 =	por !p2, p0  }
0x20: {  	[sflag:s8] =	ssyncset.s32 @!p0 $0xFFFFF086;
	s6 =	sadd.s32 @!p0 s3, s7;
	s7 =	simm.s32 @!p0 $0x108  }
0x21: {  	s3 =	sadd.s32 s3, s9;
	s6 =	sadd.s32 @!p0 $0x88, s6;
	s7 =	simm.s32 @p2 $0x1082  }
0x22: {  	[simem:s7], [sflag:s8] =	dma.local @!p0 [hbm:s6], $0xF7A  }
0x23: {  	s9 =	sor.u32 $0xD0000000, s2;
	s6 =	simm.s32 $0x108;
	_ =	swait.ge @!p0 [sflag:s8], $0x0  }
0x24: {  	s3 =	sadd.s32 $0x88, s3;
	s6 =	simm.s32 @!p1 $0x1082;
	[sflag:s4] =	ssyncset.s32 $0xFFFFF086  }
0x25: {  	[simem:s6], [sflag:s4] =	dma.local [hbm:s3], $0xF7A  }
0x26: {  	[smem:$0x3F96] =	sst s1;
	(tag) =	ssettag s2;
	_ =	strace s9  }
0x27: {  	s1 =	sld [smem:$0x3FA6]  }
0x28: {  	s2 =	sld [smem:$0x3FA7]  }
0x29: {  	s4 =	sld [smem:$0x3FA9]  }
0x2a: {  	p0 =	seq.s32 s5, $0x0;
	s5 =	sld [smem:$0x3FAA]  }
0x2b: {  	s6 =	sld [smem:$0x3FAB]  }
0x2c: {  	s7 =	sld [smem:$0x3FAC]  }
0x2d: {  	s3 =	simm.s32 $0x108;
	s8 =	sld [smem:$0x3FAD]  }
0x2e: {  	s3 =	simm.s32 @!p0 $0x1082;
	s9 =	sld [smem:$0x3FAE]  }
0x2f: {  	lr =	sadd.s32 s0, s3;
	s0 =	sld [smem:$0x3FA5]  }
0x30: {  	s3 =	sld [smem:$0x3FA8]  }
0x31: {  	[smem:$0x3FB1] =	sst s10  }
0x32: {  	s10 =	sld [smem:$0x3FAF];
	_ =	sdelay $0x3  }
0x33: {  	p0 =	seq.s32 s10, $0x1;
	s10 =	sld [smem:$0x3FB1];
	_ =	sdelay $0x3  }
0x34: {  	[smem:$0x3FB1] =	sst s10  }
0x35: {  	s10 =	sld [smem:$0x3FB0];
	_ =	sdelay $0x3  }
0x36: {  	p1 =	seq.s32 s10, $0x1;
	s10 =	sld [smem:$0x3FB1];
	_ =	sdelay $0x3  }
0x37: {  	[smem:$0x3FB1] =	sst s10  }
0x38: {  	s10 =	sld [smem:$0x3FB2]  }
0x39: {  	_ = 	snop;
	(pc) =	sbr.ind lr, $3  }
0x3a: {  	_ = 	snop  }
0x3b: {  	_ = 	snop  }
0x3c: {  	p2 =	seq.s32 s10, $0x1;
	s10 =	sld [smem:$0x3FB1]  }
0x3d: {  	_ =	shalt  }
0x3e: {  	_ =	shalt  }
0x3f: {  	_ =	shalt  }
0x40: {  	_ =	shalt  }
0x41: {  	_ =	shalt  }
0x42: {  	_ =	shalt  }
0x43: {  	_ =	shalt  }
0x44: {  	_ =	shalt  }
0x45: {  	_ =	shalt  }
0x46: {  	_ =	shalt  }
0x47: {  	_ =	shalt  }
0x48: {  	_ =	shalt  }
0x49: {  	_ =	shalt  }
0x4a: {  	_ =	shalt  }
0x4b: {  	_ =	shalt  }
0x4c: {  	_ =	shalt  }
0x4d: {  	_ =	shalt  }
0x4e: {  	_ =	shalt  }
0x4f: {  	_ =	shalt  }
0x50: {  	_ =	shalt  }
0x51: {  	_ =	shalt  }
0x52: {  	_ =	shalt  }
0x53: {  	_ =	shalt  }
0x54: {  	_ =	shalt  }
0x55: {  	_ =	shalt  }
0x56: {  	_ =	shalt  }
0x57: {  	_ =	shalt  }
0x58: {  	_ =	shalt  }
0x59: {  	_ =	shalt  }
0x5a: {  	_ =	shalt  }
0x5b: {  	_ =	shalt  }
0x5c: {  	_ =	shalt  }
0x5d: {  	_ =	shalt  }
0x5e: {  	_ =	shalt  }
0x5f: {  	_ =	shalt  }
0x60: {  	_ =	shalt  }
0x61: {  	_ =	shalt  }
0x62: {  	_ =	shalt  }
0x63: {  	_ =	shalt  }
0x64: {  	_ =	shalt  }
0x65: {  	_ =	shalt  }
0x66: {  	_ =	shalt  }
0x67: {  	_ =	shalt  }
0x68: {  	_ =	shalt  }
0x69: {  	_ =	shalt  }
0x6a: {  	_ =	shalt  }
0x6b: {  	_ =	shalt  }
0x6c: {  	_ =	shalt  }
0x6d: {  	_ =	shalt  }
0x6e: {  	_ =	shalt  }
0x6f: {  	_ =	shalt  }
0x70: {  	_ =	shalt  }
0x71: {  	_ =	shalt  }
0x72: {  	_ =	shalt  }
0x73: {  	_ =	shalt  }
0x74: {  	_ =	shalt  }
0x75: {  	_ =	shalt  }
0x76: {  	_ =	shalt  }
0x77: {  	_ =	shalt  }
0x78: {  	_ =	shalt  }
0x79: {  	_ =	shalt  }
0x7a: {  	_ =	shalt  }
0x7b: {  	_ =	shalt  }
0x7c: {  	_ =	shalt  }
0x7d: {  	_ =	shalt  }
0x7e: {  	_ =	shalt  }
0x7f: {  	_ =	shalt  }
0x80: {  	_ =	shalt  }
0x81: {  	_ =	shalt  }
0x82: {  	_ =	shalt  }
0x83: {  	_ =	shalt  }
0x84: {  	_ =	shalt  }
0x85: {  	_ =	shalt  }
0x86: {  	_ =	shalt  }
0x87: {  	_ =	shalt  }
.Lfunc_end0:
.L_simem_size_0:
called_computation.3_lowered:
.L_overlay_start_0:
0x88: {  	s2 =	sld [smem:$0x3FD9]  }
0x89: {  	s3 =	sld [smem:$0x3FFE];
	_ =	sdelay $0x1  }
0x8a: {  	s1 =	srdreg.scid  }
0x8b: {  	s0 =	sand.u32 $0x1, s1  }
0x8c: {  	s17 =	sshll.u32 s0, $0xA;
	s2 =	sadd.s32 s3, s2  }
0x8d: {  	s2 =	sadd.s32 s2, s17  }
0x8e: {  	[smem:$0x3FBD] =	sst s2  }
0x8f: {  	_ = 	snop  }
0x90: {  	s2 =	sld [smem:$0x3FD0];
	(tm) =	ssettm $0x1  }
0x91: {  	s18 =	sld [smem:$0x3FFB];
	_ =	sdelay $0x3  }
0x92: {  	_ =	strace s18  }
0x93: {  	s3 =	sld [smem:$0x3FFC];
	_ =	sdelay $0x3  }
0x94: {  	_ =	strace s3  }
0x95: {  	s3 =	sld [smem:$0x3FFD];
	_ =	sdelay $0x3  }
0x96: {  	_ =	strace s3  }
0x97: {  	_ =	strace $0x8FFFFFFF  }
0x98: {  	s19 =	sld [smem:$0x3FDB];
	_ =	sdelay $0x1  }
0x99: {  	s4 =	simm.s32 $_scs_section_size  }
0x9a: {  	s5 =	simm.s32 $_size__tile_overlayer_lowered;
	s6 =	simm.s32 $_tile_overlayer_lowered  }
0x9b: {  	s22 =	simm.s32 $0x1BFF;
	s21 =	sshll.u32 s6, $0x1;
	s3 =	sadd.s32 s4, s19  }
0x9c: {  	s7 =	simm.s32 $0x0;
	s20 =	sshll.u32 s5, $0x1;
	s5 =	sadd.s32 s21, s3  }
0x9d: {  	[timem:s7], [sflag:s22] =	dma.local [hbm:s5], s20  }
0x9e: {  	_ =	swait.ge [sflag:s22], s20  }
0x9f: {  	s4 =	ssub.s32 $0x0, s20;
	[sflag:s22] =	ssyncset.done $0x0  }
0xa0: {  	[sflag:s22] =	ssyncadd.s32 s4;
	_ =	sdelay $0x1  }
0xa1: {  	s23 =	simm.s32 $0x1B8B  }
0xa2: {  	_ =	swait.ge [sflag:s23], $0x1  }
0xa3: {  	[sflag:s23] =	ssyncset.done $0x0  }
0xa4: {  	s25 =	simm.s32 $0x1B8E;
	s24 =	sld [smem:$0x3FFE];
	[sflag:s23] =	ssyncadd.s32 $0xFFFFFFFF  }
0xa5: {  	s26 =	simm.s32 $execute0_lowered;
	[smem:$0x3FD2] =	sst s25  }
0xa6: {  	s5 =	sshll.u32 s26, $0x1;
	_ =	strace $0x8000004F;
	[dreg:$0x1] =	wrdreg $0xFFFFFFFF  }
0xa7: {  	s28 =	simm.s32 $_size_execute0_lowered;
	s3 =	sadd.s32 s3, s5;
	[dreg:$0x0] =	wrdreg $0x0  }
0xa8: {  	s5 =	sshll.u32 s28, $0x1;
	[dreg:$0x2] =	wrdreg s3  }
0xa9: {  	[dreg:$0x3] =	wrdreg s5  }
0xaa: {  	[dreg:$0x4] =	wrdreg $0xC0  }
0xab: {  	_ =	task [dreg:s7], $0x5FFFF  }
0xac: {  	[dreg:$0x1] =	wrdreg $0xFFFFFFFF  }
0xad: {  	[dreg:$0x0] =	wrdreg $0x60  }
0xae: {  	[dreg:$0x2] =	wrdreg s24  }
0xaf: {  	[dreg:$0x3] =	wrdreg s2  }
0xb0: {  	[dreg:$0x4] =	wrdreg $0x90000  }
0xb1: {  	[dreg:$0x5] =	wrdreg $0x9  }
0xb2: {  	_ =	task.clear_ibuf [dreg:s7], $0x6FFFF;
	_ =	strace $0x9000004F  }
0xb3: {  	s29 =	simm.s32 $0x9;
	_ =	strace $0x80000051  }
0xb4: {  	_ =	swait.ge [sflag:s29], $0x1  }
0xb5: {  	[sflag:s29] =	ssyncadd.s32 $0xFFFFFFFF  }
0xb6: {  	_ =	strace $0x90000051  }
0xb7: {  	_ =	sfence  }
0xb8: {  	s30 =	sld [smem:$0x0];
	_ =	sdelay $0x2  }
0xb9: {  	s31 =	sshll.u32 s1, $0xD;
	s1 =	sshrl.u32 s1, $0x2  }
0xba: {  	s3 =	sand.u32 $0x4000, s31;
	s1 =	sadd.s32 s1, s30  }
0xbb: {  	s0 =	sor.u32 s3, s0;
	s1 =	sshll.u32 s1, $0x11  }
0xbc: {  	s0 =	sor.u32 s1, s0  }
0xbd: {  	s0 =	sadd.s32 $0x8F2B, s0  }
0xbe: {  	[sflag:s0] =	ssyncadd.remote.s32 $0x1  }
0xbf: {  	_ =	sfence.sel $0xFFFF  }
0xc0: {  	[dreg:$0x0] =	wrdreg $0xFFFFFFFF;
	(pc) =	sbr.abs _section_cstart, $3  }
0xc1: {  	[dreg:$0x1] =	wrdreg $0xFFFFFFFF  }
0xc2: {  	_ =	task.clear_ibuf [dreg:s7], $0x2FFFF;
	_ =	strace $0x9FFFFFFF  }
0xc3: {  	(tm) =	ssettm $0x7FFFFFFF  }
tec
execute0_lowered:
.L_overlay_start_1:
0x0: {  	(tag) =	ssettag $0x1  }
0x1: {  	s7 =	rddreg [dreg:$0x0]  }
0x2: {  	s1 =	rddreg [dreg:$0x1]  }
0x3: {  	s3 =	rddreg [dreg:$0x2]  }
0x4: {  	s0 =	rddreg [dreg:$0x3]  }
0x5: {  	s4 =	simm.s32 $0x0;
	s2 =	stileid.u32;
	s5 =	srdreg.scid  }
0x6: {  	s17 =	simm.s32 $0x2;
	s18 =	simm.s32 $0x2800;
	s20 =	simm.s32 $0x80  }
0x7: {  	s21 =	simm.s32 $0x1;
	s24 =	simm.s32 $0x0;
	s8 =	smul.u32 $0x500, s2  }
0x8: {  	[smem:$0x7FF] =	sst s4;
	s19 =	sand.u32 $0x1, s5;
	s9 =	smul.u32 $0x50000, s2  }
0x9: {  	s5 =	sadd.s32 $0x5E800, s7;
	s6 =	sadd.s32 $0x85A00, s7;
	s15 =	smul.u32 $0x2800, s2  }
0xa: {  	s22 =	sshll.u32 s2, $0x6;
	_ =	strace $0x80000050;
	s10 =	ssub.s32 $0x2, s19  }
0xb: {  	p0 =	sne.s32 s19, $0x0;
	s19 =	simm.s32 $0x5000;
	s22 =	sor.u32 $0x1C02, s22  }
.Ltmp0:
0xc: {  	s11 =	sadd.s32 s8, s7;
	s31 =	sshrl.u32 s10, $0x1;
	(pc) =	sbr.rel .LBB2_1-.Ltmp0, $4  }
0xd: {  	s9 =	sshrl.u32 s9, $0x2;
	s7 =	sadd.s32 $0xACC00, s7;
	s16 =	ssub.s32 s10, s31  }
0xe: {  	s8 =	sadd.s32 s9, s3;
	s9 =	sadd.s32 $0xB600, s11;
	s10 =	sadd.s32 $0x6600, s11  }
0xf: {  	s11 =	sadd.s32 $0x4000, s8;
	s12 =	sadd.s32 $0x8000, s8;
	s13 =	sadd.s32 $0xC000, s8  }
0x10: {  	v0 =	vimm.f32 $0.0e+00;
	s14 =	sadd.s32 $0x10000, s8;
	s16 =	smax.u32 s16, $0x1;
	s23 =	sshrl.u32 s8, $0x3  }
.LBB2_9:
0x11: {  	s25 =	sshra.s32 s25, $0x2;
	[sflag:s17] =	ssyncadd.s32 $0xFFFFC000  }
0x12: {  	[tilespmem:s19], [sflag:$0x1] =	stream.indirect.gather [hbm4b:s6+s20], $0x80, s25, s20, $0xb8;
	[tilespmem:$0x1D000] =	vst v63  }
0x13: {  	_ =	swait.ge [sflag:s21], $0x4000  }
0x14: {  	[sflag:s21] =	ssyncset.done $0x0  }
0x15: {  	s25 =	sadd.s32 $0x2800, s25;
	[sflag:s21] =	ssyncadd.s32 $0xFFFFC000  }
0x16: {  	[spmem:s3] =	stream.indirect.scatter.add.f32 [tilespmem:s19], [sflag:$0x2], $0x80, s25, s20, $0xb8;
	[tilespmem:$0x1D000] =	vst v63  }
0x17: {  	_ =	swait.ge [sflag:s17], $0x4000  }
0x18: {  	[sflag:s17] =	ssyncset.done $0x0  }
0x19: {  	s25 =	smov.u32 s7;
	[sflag:s17] =	ssyncadd.s32 $0xFFFFC000  }
.LBB2_10:
0x1a: {  	s24 =	sadd.s32 $0x1, s24  }
0x1b: {  	p1 =	sne.s32 s24, s16  }
.Ltmp1:
0x1c: {  	s25 =	sadd.s32 s25, s15;
	[bflag:$0x0] =	sbarrier.arrive $0xFFFF;
	(pc) =	sbr.rel @!p1 .LBB2_11-.Ltmp1, $4  }
0x1d: {  	[hbm:s25], [sflag:s22] =	dma.local [spmem:s23], $0x2800  }
0x1e: {  	_ =	swait.ge [sflag:s17], $0x2800  }
0x1f: {  	[sflag:s17] =	ssyncset.done $0x0  }
0x20: {  	[sflag:s17] =	ssyncadd.s32 $0xFFFFD800  }
.LBB2_1:
0x21: {  	[tilespmem:s4], [sflag:$0x2] =	stream.linear.gather [hbm4b:s9+s4], $0x2800, $0x38;
	[tilespmem:$0x1D000] =	vst v63  }
0x22: {  	_ =	swait.ge [sflag:s17], $0x2800  }
0x23: {  	[sflag:s17] =	ssyncset.done $0x0  }
0x24: {  	[sflag:s17] =	ssyncadd.s32 $0xFFFFD800  }
0x25: {  	[tilespmem:s18], [sflag:$0x2] =	stream.linear.gather [hbm4b:s10+s4], $0x2800, $0x38;
	[tilespmem:$0x1D000] =	vst v63  }
0x26: {  	_ =	swait.ge [sflag:s17], $0x2800  }
0x27: {  	[sflag:s17] =	ssyncset.done $0x0  }
0x28: {  	s25 =	simm.s32 $0x0;
	s26 =	simm.s32 $0x200;
	[sflag:s17] =	ssyncadd.s32 $0xFFFFD800  }
.LBB2_2:
0x29: {  	p1 =	sne.s32 s26, $0xFE00;
	[tilespmem:s25+$0x5070] =	vst v0  }
0x2a: {  	[tilespmem:s25+$0x5000] =	vst v0  }
0x2b: {  	[tilespmem:s25+$0x5010] =	vst v0  }
.Ltmp2:
0x2c: {  	[tilespmem:s25+$0x5020] =	vst v0;
	(pc) =	sbr.rel @p1 .LBB2_2-.Ltmp2, $4  }
0x2d: {  	[tilespmem:s25+$0x5030] =	vst v0  }
0x2e: {  	[tilespmem:s25+$0x5040] =	vst v0  }
0x2f: {  	[tilespmem:s25+$0x5050] =	vst v0  }
0x30: {  	[tilespmem:s25+$0x5060] =	vst v0;
	s25 =	sshra.s32 s26, $0x2;
	s26 =	sadd.s32 $0x200, s26  }
0x31: {  	[tilespmem:s25+$0x5070] =	vst v0  }
0x32: {  	[tilespmem:s25+$0x5000] =	vst v0  }
0x33: {  	[tilespmem:s25+$0x5010] =	vst v0  }
0x34: {  	[tilespmem:s25+$0x5020] =	vst v0  }
0x35: {  	[tilespmem:s25+$0x5030] =	vst v0  }
0x36: {  	[tilespmem:s25+$0x5040] =	vst v0  }
0x37: {  	[tilespmem:s25+$0x5050] =	vst v0  }
0x38: {  	[tilespmem:s25+$0x5060] =	vst v0  }
0x39: {  	[spmem:s8] =	stream.linear.scatter [tilespmem:s19], [sflag:$0x2], $0x4000, $0x38;
	[tilespmem:$0x1D000] =	vst v63  }
0x3a: {  	_ =	swait.ge [sflag:s17], $0x4000  }
0x3b: {  	[sflag:s17] =	ssyncset.done $0x0  }
0x3c: {  	[sflag:s17] =	ssyncadd.s32 $0xFFFFC000  }
0x3d: {  	[spmem:s11] =	stream.linear.scatter [tilespmem:s19], [sflag:$0x2], $0x4000, $0x38;
	[tilespmem:$0x1D000] =	vst v63  }
0x3e: {  	_ =	swait.ge [sflag:s17], $0x4000  }
0x3f: {  	[sflag:s17] =	ssyncset.done $0x0  }
0x40: {  	[sflag:s17] =	ssyncadd.s32 $0xFFFFC000  }
0x41: {  	[spmem:s12] =	stream.linear.scatter [tilespmem:s19], [sflag:$0x2], $0x4000, $0x38;
	[tilespmem:$0x1D000] =	vst v63  }
0x42: {  	_ =	swait.ge [sflag:s17], $0x4000  }
0x43: {  	[sflag:s17] =	ssyncset.done $0x0  }
0x44: {  	[sflag:s17] =	ssyncadd.s32 $0xFFFFC000  }
0x45: {  	[spmem:s13] =	stream.linear.scatter [tilespmem:s19], [sflag:$0x2], $0x4000, $0x38;
	[tilespmem:$0x1D000] =	vst v63  }
0x46: {  	_ =	swait.ge [sflag:s17], $0x4000  }
0x47: {  	[sflag:s17] =	ssyncset.done $0x0  }
0x48: {  	[sflag:s17] =	ssyncadd.s32 $0xFFFFC000  }
0x49: {  	[spmem:s14] =	stream.linear.scatter [tilespmem:s19], [sflag:$0x2], $0x4000, $0x38;
	[tilespmem:$0x1D000] =	vst v63  }
.Ltmp3:
0x4a: {  	_ =	swait.ge [sflag:s17], $0x4000;
	(pc) =	sbr.rel @p0 .LBB2_7-.Ltmp3, $4  }
0x4b: {  	[sflag:s17] =	ssyncset.done $0x0  }
0x4c: {  	[sflag:s17] =	ssyncadd.s32 $0xFFFFC000  }
0x4d: {  	[bflag:$0x0] =	sbarrier.arrive $0xFFFF  }
0x4e: {  	s25 =	simm.s32 $0x0  }
0x4f: {  	[tilespmem:s19], [sflag:$0x1] =	stream.indirect.gather [hbm4b:s5+s20], $0x80, s25, s20, $0xb8;
	[tilespmem:$0x1D000] =	vst v63  }
0x50: {  	_ =	swait.ge [sflag:s21], $0x4000  }
0x51: {  	[sflag:s21] =	ssyncset.done $0x0  }
0x52: {  	s31 =	simm.s32 $0x2800;
	[sflag:s21] =	ssyncadd.s32 $0xFFFFC000  }
0x53: {  	[spmem:s3] =	stream.indirect.scatter.add.f32 [tilespmem:s19], [sflag:$0x2], $0x80, s31, s20, $0xb8;
	[tilespmem:$0x1D000] =	vst v63  }
0x54: {  	_ =	swait.ge [sflag:s17], $0x4000  }
0x55: {  	s25 =	simm.s32 $0x200;
	s26 =	simm.s32 $0x400;
	[sflag:s17] =	ssyncset.done $0x0  }
.LBB2_5:
0x56: {  	s28 =	sshra.s32 s25, $0x2  }
0x57: {  	[sflag:s17] =	ssyncadd.s32 $0xFFFFC000;
	s25 =	smov.u32 s26;
	s29 =	sadd.s32 $0x200, s26  }
0x58: {  	[tilespmem:s19], [sflag:$0x1] =	stream.indirect.gather [hbm4b:s5+s20], $0x80, s28, s20, $0xb8;
	[tilespmem:$0x1D000] =	vst v63  }
0x59: {  	p1 =	seq.s32 s26, $0x9E00;
	_ =	swait.ge [sflag:s21], $0x4000  }
.Ltmp4:
0x5a: {  	[sflag:s21] =	ssyncset.done $0x0;
	(pc) =	sbr.rel @!p1 .LBB2_5-.Ltmp4, $4  }
0x5b: {  	s26 =	sadd.s32 $0x2800, s28;
	[sflag:s21] =	ssyncadd.s32 $0xFFFFC000  }
0x5c: {  	[spmem:s3] =	stream.indirect.scatter.add.f32 [tilespmem:s19], [sflag:$0x2], $0x80, s26, s20, $0xb8;
	[tilespmem:$0x1D000] =	vst v63  }
0x5d: {  	_ =	swait.ge [sflag:s17], $0x4000  }
0x5e: {  	s26 =	smov.u32 s29;
	[sflag:s17] =	ssyncset.done $0x0  }
0x5f: {  	s25 =	sshra.s32 s25, $0x2;
	[sflag:s17] =	ssyncadd.s32 $0xFFFFC000  }
0x60: {  	[tilespmem:s19], [sflag:$0x1] =	stream.indirect.gather [hbm4b:s5+s20], $0x80, s25, s20, $0xb8;
	[tilespmem:$0x1D000] =	vst v63  }
0x61: {  	_ =	swait.ge [sflag:s21], $0x4000  }
0x62: {  	[sflag:s21] =	ssyncset.done $0x0  }
.Ltmp5:
0x63: {  	s25 =	sadd.s32 $0x2800, s25;
	[sflag:s21] =	ssyncadd.s32 $0xFFFFC000;
	(pc) =	sbr.rel .LBB2_10-.Ltmp5, $4  }
0x64: {  	[spmem:s3] =	stream.indirect.scatter.add.f32 [tilespmem:s19], [sflag:$0x2], $0x80, s25, s20, $0xb8;
	[tilespmem:$0x1D000] =	vst v63  }
0x65: {  	_ =	swait.ge [sflag:s17], $0x4000  }
0x66: {  	[sflag:s17] =	ssyncset.done $0x0  }
0x67: {  	s25 =	smov.u32 s1;
	[sflag:s17] =	ssyncadd.s32 $0xFFFFC000  }
.LBB2_7:
0x68: {  	[tilespmem:s19], [sflag:$0x1] =	stream.indirect.gather [hbm4b:s6+s20], $0x80, s25, s20, $0xb8;
	[tilespmem:$0x1D000] =	vst v63  }
0x69: {  	_ =	swait.ge [sflag:s21], $0x4000  }
0x6a: {  	[sflag:s21] =	ssyncset.done $0x0  }
0x6b: {  	s31 =	simm.s32 $0x2800;
	[sflag:s21] =	ssyncadd.s32 $0xFFFFC000  }
0x6c: {  	[spmem:s3] =	stream.indirect.scatter.add.f32 [tilespmem:s19], [sflag:$0x2], $0x80, s31, s20, $0xb8;
	[tilespmem:$0x1D000] =	vst v63  }
0x6d: {  	_ =	swait.ge [sflag:s17], $0x4000  }
0x6e: {  	s25 =	simm.s32 $0x200;
	s26 =	simm.s32 $0x400;
	[sflag:s17] =	ssyncset.done $0x0  }
.LBB2_8:
0x6f: {  	s28 =	sshra.s32 s25, $0x2  }
0x70: {  	[sflag:s17] =	ssyncadd.s32 $0xFFFFC000;
	s25 =	smov.u32 s26;
	s29 =	sadd.s32 $0x200, s26  }
0x71: {  	[tilespmem:s19], [sflag:$0x1] =	stream.indirect.gather [hbm4b:s6+s20], $0x80, s28, s20, $0xb8;
	[tilespmem:$0x1D000] =	vst v63  }
0x72: {  	p1 =	sne.s32 s26, $0x9E00;
	_ =	swait.ge [sflag:s21], $0x4000  }
.Ltmp6:
0x73: {  	[sflag:s21] =	ssyncset.done $0x0;
	(pc) =	sbr.rel @p1 .LBB2_8-.Ltmp6, $4  }
0x74: {  	s26 =	sadd.s32 $0x2800, s28;
	[sflag:s21] =	ssyncadd.s32 $0xFFFFC000  }
0x75: {  	[spmem:s3] =	stream.indirect.scatter.add.f32 [tilespmem:s19], [sflag:$0x2], $0x80, s26, s20, $0xb8;
	[tilespmem:$0x1D000] =	vst v63  }
0x76: {  	_ =	swait.ge [sflag:s17], $0x4000  }
0x77: {  	s26 =	smov.u32 s29;
	[sflag:s17] =	ssyncset.done $0x0  }
.Ltmp7:
0x78: {  	_ = 	snop;
	(pc) =	sbr.rel .LBB2_9-.Ltmp7, $1  }
0x79: {  	_ =	sdelay $0x3  }
.LBB2_11:
0x7a: {  	_ =	sfence.sel $0x180000  }
0x7b: {  	[bflag:$0x0] =	sbarrier.arrive $0xFFFF  }
0x7c: {  	p0 =	sne.s32 s2, $0x0;
	_ =	strace $0x90000050  }
0x7d: {  	s0 =	sadd.s32 @!p0 $0x100000, s0;
	[bflag:$0x2] =	sbarrier.arrive $0xFFFF  }
0x7e: {  	[sflag:s0] =	ssyncadd.tile.s32 @!p0 $0x1;
	_ =	shalt  }
.Lfunc_end2:
_tile_overlayer_lowered:
.L_overlay_start_2:
0x7f: {  	(tag) =	ssettag $0x2  }
0x80: {  	s0 =	rddreg [dreg:$0x0];
	s2 =	stileid.u32  }
0x81: {  	s1 =	rddreg [dreg:$0x1];
	p0 =	sne.s32 s2, $0x0  }
0x82: {  	s3 =	rddreg [dreg:$0x2];
	[bflag:$0x3] =	sbarrier.arrive $0xFFFF;
	s2 =	simm.s32 @!p0 $0x1C02  }
0x83: {  	[timem:s3], [sflag:s2] =	dma.local @!p0 [hbm:s0], s1  }
0x84: {  	s0 =	simm.s32 @!p0 $0x2  }
0x85: {  	_ =	swait.ge @!p0 [sflag:s0], s1  }
0x86: {  	s1 =	ssub.s32 @!p0 $0x0, s1;
	[sflag:s0] =	ssyncset.done @!p0 $0x0  }
0x87: {  	[sflag:s0] =	ssyncadd.s32 @!p0 s1  }
0x88: {  	[bflag:$0x3] =	sbarrier.arrive $0xFFFF  }
0x89: {  	_ =	shalt  }

</sc_bundles>
